<compile_context>
chip_gen: v7x
topology: tpu7x:2x2x1
jax: 0.10.2.dev20260603
libtpu: 0.0.44.dev20260713+nightly
codegen_flags: <defaults>
</compile_context>

<pallas_src>
import functools

import jax
import jax.numpy as jnp
from jax import lax
from jax.experimental import pallas as pl
from jax.experimental.pallas import tpu as pltpu
from jax.experimental.pallas import tpu_sc as plsc

_B_BLK = 2048
_L2E = 1.4426950408889634
_LN2 = 0.6931471805599453
_NEG = -1e30

_SC_ROWS = 2048
_NTILES = 32
_RPT = _SC_ROWS // _NTILES
_RG = _RPT // 16

_P5 = (0.04342891, -0.40486717, 1.59390136, -3.49249428, 5.04687604,
       -2.78681295)


def _loss_kernel(phi_ref, idx_ref, ev_ref, out_ref):
    x = phi_ref[...]
    idx = idx_ref[...].reshape(x.shape[0], 1)
    ev = ev_ref[...].reshape(x.shape[0], 1)
    tk = jax.lax.broadcasted_iota(jnp.int32, (x.shape[0], 128), 1)
    p = None
    g = None
    for k in range(x.shape[1] // 128):
        xk = x[:, 128 * k:128 * (k + 1)]
        tkk = tk + (128 * k)
        xm = jnp.where(tkk <= idx, xk * _L2E, _NEG).astype(jnp.bfloat16)
        zk = jnp.bfloat16(1.0) + jnp.exp2(xm)
        pk = jnp.where(tkk == idx, xk, 0.0)
        p = zk if p is None else p * zk
        g = pk if g is None else g + pk
    s = jnp.sum(jnp.log2(p.astype(jnp.float32))) * _LN2
    picked = jnp.sum(g * ev)
    out_ref[0, 0, 0] = s - picked


def _splat16(vec, pos16):
    dnums = lax.GatherDimensionNumbers(
        offset_dims=(), collapsed_slice_dims=(0,), start_index_map=(0,))
    return lax.gather(vec, pos16[:, None], dnums, slice_sizes=(1,),
                      mode=lax.GatherScatterMode.PROMISE_IN_BOUNDS)


def _sc_body(phi_hbm, idx_hbm, ev_hbm, out_hbm, stage_v, idx_s, ev_s, acc_v,
             sem):
    wid = lax.axis_index("s") * 2 + lax.axis_index("c")
    base = wid * _RPT
    copies = [
        pltpu.async_copy(phi_hbm.at[base + r],
                         stage_v.at[pl.ds(r * 1024, 1024)], sem)
        for r in range(_RPT)
    ]
    pltpu.sync_copy(idx_hbm.at[pl.ds(base, _RPT)], idx_s)
    pltpu.sync_copy(ev_hbm.at[pl.ds(base, _RPT)], ev_s)
    for c in copies:
        c.wait()
    lanes = lax.iota(jnp.int32, 16)
    zero16 = jnp.zeros((16,), jnp.float32)

    def row_body(r, total):
        grp = (r // 16) * 16
        pos = jnp.full((16,), r - grp, jnp.int32)
        idx_spl = _splat16(idx_s[pl.ds(grp, 16)], pos)
        ev_spl = _splat16(ev_s[pl.ds(grp, 16)], pos)
        roff = r * 1024

        def grp_body(gi, carry, idx_spl=idx_spl, roff=roff):
            sp, pk = carry
            prod = jnp.full((16,), 1.0, jnp.float32)
            for u in range(4):
                coff = gi * 64 + u * 16
                tcol = lanes + coff
                xk = stage_v[pl.ds(roff + coff, 16)]
                zm = jnp.where(tcol <= idx_spl, xk, _NEG)
                prod = prod * (1.0 + jnp.exp(zm))
                pk = pk + jnp.where(tcol == idx_spl, xk, 0.0)
            bits = lax.bitcast_convert_type(prod, jnp.int32)
            e = lax.shift_right_logical(bits, 23) - 127
            mant = lax.bitcast_convert_type(
                lax.bitwise_or(lax.bitwise_and(bits, 0x007FFFFF), 0x3F800000),
                jnp.float32)
            poly = jnp.full((16,), _P5[0], jnp.float32)
            for c in _P5[1:]:
                poly = poly * mant + c
            sp = sp + e.astype(jnp.float32) + poly
            return sp, pk

        sp, pk = lax.fori_loop(0, 16, grp_body, (zero16, zero16))
        return total + sp * _LN2 - pk * ev_spl

    total = lax.fori_loop(0, _RPT, row_body, zero16)
    acc_v[...] = total
    pltpu.sync_copy(acc_v, out_hbm.at[wid])


_sc_kernel = functools.partial(
    pl.kernel,
    out_type=jax.ShapeDtypeStruct((_NTILES, 16), jnp.float32),
    mesh=plsc.VectorSubcoreMesh(core_axis_name="c", subcore_axis_name="s"),
    scratch_types=[
        pltpu.VMEM((_RPT * 1024,), jnp.float32),
        pltpu.VMEM((_RPT,), jnp.int32),
        pltpu.VMEM((_RPT,), jnp.float32),
        pltpu.VMEM((16,), jnp.float32),
        pltpu.SemaphoreType.DMA,
    ],
)(_sc_body)


def kernel(phi, idx_durations, events):
    B, T = phi.shape
    grid = (B - _SC_ROWS) // _B_BLK
    off = _SC_ROWS // _B_BLK
    sc_out = _sc_kernel(phi, idx_durations, events)
    tc_out = pl.pallas_call(
        _loss_kernel,
        grid=(grid,),
        in_specs=[
            pl.BlockSpec((_B_BLK, T), lambda i: (i + off, 0)),
            pl.BlockSpec((_B_BLK,), lambda i: (i + off,)),
            pl.BlockSpec((_B_BLK,), lambda i: (i + off,)),
        ],
        out_specs=pl.BlockSpec((1, 1, 1), lambda i: (i, 0, 0), memory_space=pltpu.SMEM),
        out_shape=jax.ShapeDtypeStruct((grid, 1, 1), jnp.float32),
    )(phi, idx_durations, events)
    return (jnp.sum(tc_out) + jnp.sum(sc_out)) / B

# --- scband reference (transcript-rebuilt; emitter-appended) ---
"""Pipeline reference for scband-newly-defined-loss2-5351529251095 (READ-ONLY COPY).

The authoritative reference and input builder live on the scoring server;
editing this copy changes nothing except your own understanding.
"""

import jax, jax.numpy as jnp
import numpy as np

B = 16384
T = 1024

def setup_inputs(seed: int = 0) -> dict:
    key = jax.random.key(seed)
    k1, k2, k3 = jax.random.split(key, 3)
    phi = jax.random.normal(k1, (B, T), dtype=jnp.float32)
    idx_durations = jax.random.randint(k2, (B,), 0, T, dtype=jnp.int32)
    events = jax.random.uniform(k3, (B,), dtype=jnp.float32)
    return {"phi": phi, "idx_durations": idx_durations, "events": events}

def reference(phi, idx_durations, events):
    # option is None -> binary_cross_entropy_with_logits path
    events = events.reshape(-1, 1).astype(phi.dtype)
    idx = idx_durations.reshape(-1, 1)
    rows = jnp.arange(phi.shape[0])[:, None]
    # torch: zeros_like(phi).scatter(1, idx, events) -> scatter-overwrite
    y_bce = jnp.zeros_like(phi).at[rows, idx].set(events)
    # numerically-stable BCE with logits, reduction='none':
    # max(x,0) - x*y + log(1+exp(-|x|))
    bce = jnp.maximum(phi, 0.0) - phi * y_bce + jnp.log1p(jnp.exp(-jnp.abs(phi)))
    # cumsum over duration axis, then gather at idx_durations
    loss = jnp.take_along_axis(jnp.cumsum(bce, axis=1), idx, axis=1).reshape(-1)
    return loss.mean()

if __name__ == "__main__":
    import jax
    _d = setup_inputs()
    print(jax.jit(kernel)(*tuple(_d.values())))

</pallas_src>

<mosaic_0001>
#map = affine_map<(d0, d1) -> (0, 0)>
#map1 = affine_map<(d0, d1) -> (0)>
module attributes {stable_mosaic.version = 14 : i64} {
  func.func @_sc_body(%arg0: i32, %arg1: i32, %arg2: memref<16384x1024xf32, #tpu.memory_space<hbm>>, %arg3: memref<16384xi32, #tpu.memory_space<hbm>>, %arg4: memref<16384xf32, #tpu.memory_space<hbm>>, %arg5: memref<32x16xf32, #tpu.memory_space<hbm>>, %arg6: memref<65536xf32, #tpu.memory_space<vmem>>, %arg7: memref<64xi32, #tpu.memory_space<vmem>>, %arg8: memref<64xf32, #tpu.memory_space<vmem>>, %arg9: memref<16xf32, #tpu.memory_space<vmem>>, %arg10: memref<!tpu.dma_semaphore, #tpu.memory_space<semaphore_mem>>) attributes {dimension_semantics = [#tpu.dimension_semantics<core_parallel>, #tpu.dimension_semantics<subcore_parallel>], iteration_bounds = array<i64: 2, 16>, scalar_prefetch = 0 : i64, scratch_operands = 5 : i64, tpu.core_type = #tpu.core_type<sc_vector_subcore>, window_params = [{transform_indices = #map}, {transform_indices = #map1}, {transform_indices = #map1}, {transform_indices = #map}]} {
    %mul3A = arith.constant 2 : i32
    %mul3A_0 = arith.muli %arg1, %mul3A : i32
    %add3A = arith.addi %mul3A_0, %arg0 : i32
    %mul3A_1 = arith.constant 64 : i32
    %mul3A_2 = arith.muli %add3A, %mul3A_1 : i32
    %add3A_3 = arith.constant 0 : i32
    %add3A_4 = arith.addi %mul3A_2, %add3A_3 : i32
    %dma_start3A = arith.constant 0 : i32
    %dma_start3A_5 = tpu.memref_slice %arg6[%dma_start3A] : memref<65536xf32, #tpu.memory_space<vmem>> -> memref<1024xf32, #tpu.memory_space<vmem>>
    %dma_start3A_6 = arith.constant 0 : i32
    %dma_start3A_7 = tpu.memref_slice %arg2[%add3A_4, %dma_start3A_6] : memref<16384x1024xf32, #tpu.memory_space<hbm>> -> memref<1x1024xf32, #tpu.memory_space<hbm>>
    %dma_start3A_8 = tpu.memref_squeeze %dma_start3A_7 : memref<1x1024xf32, #tpu.memory_space<hbm>> -> memref<1024xf32, #tpu.memory_space<hbm>>
    %dma_start3A_9 = arith.constant 0 : i32
    %dma_start3A_10 = tpu.memref_slice %arg6[%dma_start3A_9] : memref<65536xf32, #tpu.memory_space<vmem>> -> memref<1024xf32, #tpu.memory_space<vmem>>
    %dma_start3A_11 = arith.constant 0 : i32
    %dma_start3A_12 = tpu.memref_slice %arg2[%add3A_4, %dma_start3A_11] : memref<16384x1024xf32, #tpu.memory_space<hbm>> -> memref<1x1024xf32, #tpu.memory_space<hbm>>
    %dma_start3A_13 = tpu.memref_squeeze %dma_start3A_12 : memref<1x1024xf32, #tpu.memory_space<hbm>> -> memref<1024xf32, #tpu.memory_space<hbm>>
    tpu.enqueue_dma source(%dma_start3A_13 : memref<1024xf32, #tpu.memory_space<hbm>>) target(%dma_start3A_10 : memref<1024xf32, #tpu.memory_space<vmem>>) target_semaphore(%arg10 : memref<!tpu.dma_semaphore, #tpu.memory_space<semaphore_mem>>)
    %add3A_14 = arith.constant 1 : i32
    %add3A_15 = arith.addi %mul3A_2, %add3A_14 : i32
    %dma_start3A_16 = arith.constant 1024 : i32
    %dma_start3A_17 = tpu.memref_slice %arg6[%dma_start3A_16] : memref<65536xf32, #tpu.memory_space<vmem>> -> memref<1024xf32, #tpu.memory_space<vmem>>
    %dma_start3A_18 = arith.constant 0 : i32
    %dma_start3A_19 = tpu.memref_slice %arg2[%add3A_15, %dma_start3A_18] : memref<16384x1024xf32, #tpu.memory_space<hbm>> -> memref<1x1024xf32, #tpu.memory_space<hbm>>
    %dma_start3A_20 = tpu.memref_squeeze %dma_start3A_19 : memref<1x1024xf32, #tpu.memory_space<hbm>> -> memref<1024xf32, #tpu.memory_space<hbm>>
    %dma_start3A_21 = arith.constant 1024 : i32
    %dma_start3A_22 = tpu.memref_slice %arg6[%dma_start3A_21] : memref<65536xf32, #tpu.memory_space<vmem>> -> memref<1024xf32, #tpu.memory_space<vmem>>
    %dma_start3A_23 = arith.constant 0 : i32
    %dma_start3A_24 = tpu.memref_slice %arg2[%add3A_15, %dma_start3A_23] : memref<16384x1024xf32, #tpu.memory_space<hbm>> -> memref<1x1024xf32, #tpu.memory_space<hbm>>
    %dma_start3A_25 = tpu.memref_squeeze %dma_start3A_24 : memref<1x1024xf32, #tpu.memory_space<hbm>> -> memref<1024xf32, #tpu.memory_space<hbm>>
    tpu.enqueue_dma source(%dma_start3A_25 : memref<1024xf32, #tpu.memory_space<hbm>>) target(%dma_start3A_22 : memref<1024xf32, #tpu.memory_space<vmem>>) target_semaphore(%arg10 : memref<!tpu.dma_semaphore, #tpu.memory_space<semaphore_mem>>)
    %add3A_26 = arith.constant 2 : i32
    %add3A_27 = arith.addi %mul3A_2, %add3A_26 : i32
    %dma_start3A_28 = arith.constant 2048 : i32
    %dma_start3A_29 = tpu.memref_slice %arg6[%dma_start3A_28] : memref<65536xf32, #tpu.memory_space<vmem>> -> memref<1024xf32, #tpu.memory_space<vmem>>
    %dma_start3A_30 = arith.constant 0 : i32
    %dma_start3A_31 = tpu.memref_slice %arg2[%add3A_27, %dma_start3A_30] : memref<16384x1024xf32, #tpu.memory_space<hbm>> -> memref<1x1024xf32, #tpu.memory_space<hbm>>
    %dma_start3A_32 = tpu.memref_squeeze %dma_start3A_31 : memref<1x1024xf32, #tpu.memory_space<hbm>> -> memref<1024xf32, #tpu.memory_space<hbm>>
    %dma_start3A_33 = arith.constant 2048 : i32
    %dma_start3A_34 = tpu.memref_slice %arg6[%dma_start3A_33] : memref<65536xf32, #tpu.memory_space<vmem>> -> memref<1024xf32, #tpu.memory_space<vmem>>
    %dma_start3A_35 = arith.constant 0 : i32
    %dma_start3A_36 = tpu.memref_slice %arg2[%add3A_27, %dma_start3A_35] : memref<16384x1024xf32, #tpu.memory_space<hbm>> -> memref<1x1024xf32, #tpu.memory_space<hbm>>
    %dma_start3A_37 = tpu.memref_squeeze %dma_start3A_36 : memref<1x1024xf32, #tpu.memory_space<hbm>> -> memref<1024xf32, #tpu.memory_space<hbm>>
    tpu.enqueue_dma source(%dma_start3A_37 : memref<1024xf32, #tpu.memory_space<hbm>>) target(%dma_start3A_34 : memref<1024xf32, #tpu.memory_space<vmem>>) target_semaphore(%arg10 : memref<!tpu.dma_semaphore, #tpu.memory_space<semaphore_mem>>)
    %add3A_38 = arith.constant 3 : i32
    %add3A_39 = arith.addi %mul3A_2, %add3A_38 : i32
    %dma_start3A_40 = arith.constant 3072 : i32
    %dma_start3A_41 = tpu.memref_slice %arg6[%dma_start3A_40] : memref<65536xf32, #tpu.memory_space<vmem>> -> memref<1024xf32, #tpu.memory_space<vmem>>
    %dma_start3A_42 = arith.constant 0 : i32
    %dma_start3A_43 = tpu.memref_slice %arg2[%add3A_39, %dma_start3A_42] : memref<16384x1024xf32, #tpu.memory_space<hbm>> -> memref<1x1024xf32, #tpu.memory_space<hbm>>
    %dma_start3A_44 = tpu.memref_squeeze %dma_start3A_43 : memref<1x1024xf32, #tpu.memory_space<hbm>> -> memref<1024xf32, #tpu.memory_space<hbm>>
    %dma_start3A_45 = arith.constant 3072 : i32
    %dma_start3A_46 = tpu.memref_slice %arg6[%dma_start3A_45] : memref<65536xf32, #tpu.memory_space<vmem>> -> memref<1024xf32, #tpu.memory_space<vmem>>
    %dma_start3A_47 = arith.constant 0 : i32
    %dma_start3A_48 = tpu.memref_slice %arg2[%add3A_39, %dma_start3A_47] : memref<16384x1024xf32, #tpu.memory_space<hbm>> -> memref<1x1024xf32, #tpu.memory_space<hbm>>
    %dma_start3A_49 = tpu.memref_squeeze %dma_start3A_48 : memref<1x1024xf32, #tpu.memory_space<hbm>> -> memref<1024xf32, #tpu.memory_space<hbm>>
    tpu.enqueue_dma source(%dma_start3A_49 : memref<1024xf32, #tpu.memory_space<hbm>>) target(%dma_start3A_46 : memref<1024xf32, #tpu.memory_space<vmem>>) target_semaphore(%arg10 : memref<!tpu.dma_semaphore, #tpu.memory_space<semaphore_mem>>)
    %add3A_50 = arith.constant 4 : i32
    %add3A_51 = arith.addi %mul3A_2, %add3A_50 : i32
    %dma_start3A_52 = arith.constant 4096 : i32
    %dma_start3A_53 = tpu.memref_slice %arg6[%dma_start3A_52] : memref<65536xf32, #tpu.memory_space<vmem>> -> memref<1024xf32, #tpu.memory_space<vmem>>
    %dma_start3A_54 = arith.constant 0 : i32
    %dma_start3A_55 = tpu.memref_slice %arg2[%add3A_51, %dma_start3A_54] : memref<16384x1024xf32, #tpu.memory_space<hbm>> -> memref<1x1024xf32, #tpu.memory_space<hbm>>
    %dma_start3A_56 = tpu.memref_squeeze %dma_start3A_55 : memref<1x1024xf32, #tpu.memory_space<hbm>> -> memref<1024xf32, #tpu.memory_space<hbm>>
    %dma_start3A_57 = arith.constant 4096 : i32
    %dma_start3A_58 = tpu.memref_slice %arg6[%dma_start3A_57] : memref<65536xf32, #tpu.memory_space<vmem>> -> memref<1024xf32, #tpu.memory_space<vmem>>
    %dma_start3A_59 = arith.constant 0 : i32
    %dma_start3A_60 = tpu.memref_slice %arg2[%add3A_51, %dma_start3A_59] : memref<16384x1024xf32, #tpu.memory_space<hbm>> -> memref<1x1024xf32, #tpu.memory_space<hbm>>
    %dma_start3A_61 = tpu.memref_squeeze %dma_start3A_60 : memref<1x1024xf32, #tpu.memory_space<hbm>> -> memref<1024xf32, #tpu.memory_space<hbm>>
    tpu.enqueue_dma source(%dma_start3A_61 : memref<1024xf32, #tpu.memory_space<hbm>>) target(%dma_start3A_58 : memref<1024xf32, #tpu.memory_space<vmem>>) target_semaphore(%arg10 : memref<!tpu.dma_semaphore, #tpu.memory_space<semaphore_mem>>)
    %add3A_62 = arith.constant 5 : i32
    %add3A_63 = arith.addi %mul3A_2, %add3A_62 : i32
    %dma_start3A_64 = arith.constant 5120 : i32
    %dma_start3A_65 = tpu.memref_slice %arg6[%dma_start3A_64] : memref<65536xf32, #tpu.memory_space<vmem>> -> memref<1024xf32, #tpu.memory_space<vmem>>
    %dma_start3A_66 = arith.constant 0 : i32
    %dma_start3A_67 = tpu.memref_slice %arg2[%add3A_63, %dma_start3A_66] : memref<16384x1024xf32, #tpu.memory_space<hbm>> -> memref<1x1024xf32, #tpu.memory_space<hbm>>
    %dma_start3A_68 = tpu.memref_squeeze %dma_start3A_67 : memref<1x1024xf32, #tpu.memory_space<hbm>> -> memref<1024xf32, #tpu.memory_space<hbm>>
    %dma_start3A_69 = arith.constant 5120 : i32
    %dma_start3A_70 = tpu.memref_slice %arg6[%dma_start3A_69] : memref<65536xf32, #tpu.memory_space<vmem>> -> memref<1024xf32, #tpu.memory_space<vmem>>
    %dma_start3A_71 = arith.constant 0 : i32
    %dma_start3A_72 = tpu.memref_slice %arg2[%add3A_63, %dma_start3A_71] : memref<16384x1024xf32, #tpu.memory_space<hbm>> -> memref<1x1024xf32, #tpu.memory_space<hbm>>
    %dma_start3A_73 = tpu.memref_squeeze %dma_start3A_72 : memref<1x1024xf32, #tpu.memory_space<hbm>> -> memref<1024xf32, #tpu.memory_space<hbm>>
    tpu.enqueue_dma source(%dma_start3A_73 : memref<1024xf32, #tpu.memory_space<hbm>>) target(%dma_start3A_70 : memref<1024xf32, #tpu.memory_space<vmem>>) target_semaphore(%arg10 : memref<!tpu.dma_semaphore, #tpu.memory_space<semaphore_mem>>)
    %add3A_74 = arith.constant 6 : i32
    %add3A_75 = arith.addi %mul3A_2, %add3A_74 : i32
    %dma_start3A_76 = arith.constant 6144 : i32
    %dma_start3A_77 = tpu.memref_slice %arg6[%dma_start3A_76] : memref<65536xf32, #tpu.memory_space<vmem>> -> memref<1024xf32, #tpu.memory_space<vmem>>
    %dma_start3A_78 = arith.constant 0 : i32
    %dma_start3A_79 = tpu.memref_slice %arg2[%add3A_75, %dma_start3A_78] : memref<16384x1024xf32, #tpu.memory_space<hbm>> -> memref<1x1024xf32, #tpu.memory_space<hbm>>
    %dma_start3A_80 = tpu.memref_squeeze %dma_start3A_79 : memref<1x1024xf32, #tpu.memory_space<hbm>> -> memref<1024xf32, #tpu.memory_space<hbm>>
    %dma_start3A_81 = arith.constant 6144 : i32
    %dma_start3A_82 = tpu.memref_slice %arg6[%dma_start3A_81] : memref<65536xf32, #tpu.memory_space<vmem>> -> memref<1024xf32, #tpu.memory_space<vmem>>
    %dma_start3A_83 = arith.constant 0 : i32
    %dma_start3A_84 = tpu.memref_slice %arg2[%add3A_75, %dma_start3A_83] : memref<16384x1024xf32, #tpu.memory_space<hbm>> -> memref<1x1024xf32, #tpu.memory_space<hbm>>
    %dma_start3A_85 = tpu.memref_squeeze %dma_start3A_84 : memref<1x1024xf32, #tpu.memory_space<hbm>> -> memref<1024xf32, #tpu.memory_space<hbm>>
    tpu.enqueue_dma source(%dma_start3A_85 : memref<1024xf32, #tpu.memory_space<hbm>>) target(%dma_start3A_82 : memref<1024xf32, #tpu.memory_space<vmem>>) target_semaphore(%arg10 : memref<!tpu.dma_semaphore, #tpu.memory_space<semaphore_mem>>)
    %add3A_86 = arith.constant 7 : i32
    %add3A_87 = arith.addi %mul3A_2, %add3A_86 : i32
    %dma_start3A_88 = arith.constant 7168 : i32
    %dma_start3A_89 = tpu.memref_slice %arg6[%dma_start3A_88] : memref<65536xf32, #tpu.memory_space<vmem>> -> memref<1024xf32, #tpu.memory_space<vmem>>
    %dma_start3A_90 = arith.constant 0 : i32
    %dma_start3A_91 = tpu.memref_slice %arg2[%add3A_87, %dma_start3A_90] : memref<16384x1024xf32, #tpu.memory_space<hbm>> -> memref<1x1024xf32, #tpu.memory_space<hbm>>
    %dma_start3A_92 = tpu.memref_squeeze %dma_start3A_91 : memref<1x1024xf32, #tpu.memory_space<hbm>> -> memref<1024xf32, #tpu.memory_space<hbm>>
    %dma_start3A_93 = arith.constant 7168 : i32
    %dma_start3A_94 = tpu.memref_slice %arg6[%dma_start3A_93] : memref<65536xf32, #tpu.memory_space<vmem>> -> memref<1024xf32, #tpu.memory_space<vmem>>
    %dma_start3A_95 = arith.constant 0 : i32
    %dma_start3A_96 = tpu.memref_slice %arg2[%add3A_87, %dma_start3A_95] : memref<16384x1024xf32, #tpu.memory_space<hbm>> -> memref<1x1024xf32, #tpu.memory_space<hbm>>
    %dma_start3A_97 = tpu.memref_squeeze %dma_start3A_96 : memref<1x1024xf32, #tpu.memory_space<hbm>> -> memref<1024xf32, #tpu.memory_space<hbm>>
    tpu.enqueue_dma source(%dma_start3A_97 : memref<1024xf32, #tpu.memory_space<hbm>>) target(%dma_start3A_94 : memref<1024xf32, #tpu.memory_space<vmem>>) target_semaphore(%arg10 : memref<!tpu.dma_semaphore, #tpu.memory_space<semaphore_mem>>)
    %add3A_98 = arith.constant 8 : i32
    %add3A_99 = arith.addi %mul3A_2, %add3A_98 : i32
    %dma_start3A_100 = arith.constant 8192 : i32
    %dma_start3A_101 = tpu.memref_slice %arg6[%dma_start3A_100] : memref<65536xf32, #tpu.memory_space<vmem>> -> memref<1024xf32, #tpu.memory_space<vmem>>
    %dma_start3A_102 = arith.constant 0 : i32
    %dma_start3A_103 = tpu.memref_slice %arg2[%add3A_99, %dma_start3A_102] : memref<16384x1024xf32, #tpu.memory_space<hbm>> -> memref<1x1024xf32, #tpu.memory_space<hbm>>
    %dma_start3A_104 = tpu.memref_squeeze %dma_start3A_103 : memref<1x1024xf32, #tpu.memory_space<hbm>> -> memref<1024xf32, #tpu.memory_space<hbm>>
    %dma_start3A_105 = arith.constant 8192 : i32
    %dma_start3A_106 = tpu.memref_slice %arg6[%dma_start3A_105] : memref<65536xf32, #tpu.memory_space<vmem>> -> memref<1024xf32, #tpu.memory_space<vmem>>
    %dma_start3A_107 = arith.constant 0 : i32
    %dma_start3A_108 = tpu.memref_slice %arg2[%add3A_99, %dma_start3A_107] : memref<16384x1024xf32, #tpu.memory_space<hbm>> -> memref<1x1024xf32, #tpu.memory_space<hbm>>
    %dma_start3A_109 = tpu.memref_squeeze %dma_start3A_108 : memref<1x1024xf32, #tpu.memory_space<hbm>> -> memref<1024xf32, #tpu.memory_space<hbm>>
    tpu.enqueue_dma source(%dma_start3A_109 : memref<1024xf32, #tpu.memory_space<hbm>>) target(%dma_start3A_106 : memref<1024xf32, #tpu.memory_space<vmem>>) target_semaphore(%arg10 : memref<!tpu.dma_semaphore, #tpu.memory_space<semaphore_mem>>)
    %add3A_110 = arith.constant 9 : i32
    %add3A_111 = arith.addi %mul3A_2, %add3A_110 : i32
    %dma_start3A_112 = arith.constant 9216 : i32
    %dma_start3A_113 = tpu.memref_slice %arg6[%dma_start3A_112] : memref<65536xf32, #tpu.memory_space<vmem>> -> memref<1024xf32, #tpu.memory_space<vmem>>
    %dma_start3A_114 = arith.constant 0 : i32
    %dma_start3A_115 = tpu.memref_slice %arg2[%add3A_111, %dma_start3A_114] : memref<16384x1024xf32, #tpu.memory_space<hbm>> -> memref<1x1024xf32, #tpu.memory_space<hbm>>
    %dma_start3A_116 = tpu.memref_squeeze %dma_start3A_115 : memref<1x1024xf32, #tpu.memory_space<hbm>> -> memref<1024xf32, #tpu.memory_space<hbm>>
    %dma_start3A_117 = arith.constant 9216 : i32
    %dma_start3A_118 = tpu.memref_slice %arg6[%dma_start3A_117] : memref<65536xf32, #tpu.memory_space<vmem>> -> memref<1024xf32, #tpu.memory_space<vmem>>
    %dma_start3A_119 = arith.constant 0 : i32
    %dma_start3A_120 = tpu.memref_slice %arg2[%add3A_111, %dma_start3A_119] : memref<16384x1024xf32, #tpu.memory_space<hbm>> -> memref<1x1024xf32, #tpu.memory_space<hbm>>
    %dma_start3A_121 = tpu.memref_squeeze %dma_start3A_120 : memref<1x1024xf32, #tpu.memory_space<hbm>> -> memref<1024xf32, #tpu.memory_space<hbm>>
    tpu.enqueue_dma source(%dma_start3A_121 : memref<1024xf32, #tpu.memory_space<hbm>>) target(%dma_start3A_118 : memref<1024xf32, #tpu.memory_space<vmem>>) target_semaphore(%arg10 : memref<!tpu.dma_semaphore, #tpu.memory_space<semaphore_mem>>)
    %add3A_122 = arith.constant 10 : i32
    %add3A_123 = arith.addi %mul3A_2, %add3A_122 : i32
    %dma_start3A_124 = arith.constant 10240 : i32
    %dma_start3A_125 = tpu.memref_slice %arg6[%dma_start3A_124] : memref<65536xf32, #tpu.memory_space<vmem>> -> memref<1024xf32, #tpu.memory_space<vmem>>
    %dma_start3A_126 = arith.constant 0 : i32
    %dma_start3A_127 = tpu.memref_slice %arg2[%add3A_123, %dma_start3A_126] : memref<16384x1024xf32, #tpu.memory_space<hbm>> -> memref<1x1024xf32, #tpu.memory_space<hbm>>
    %dma_start3A_128 = tpu.memref_squeeze %dma_start3A_127 : memref<1x1024xf32, #tpu.memory_space<hbm>> -> memref<1024xf32, #tpu.memory_space<hbm>>
    %dma_start3A_129 = arith.constant 10240 : i32
    %dma_start3A_130 = tpu.memref_slice %arg6[%dma_start3A_129] : memref<65536xf32, #tpu.memory_space<vmem>> -> memref<1024xf32, #tpu.memory_space<vmem>>
    %dma_start3A_131 = arith.constant 0 : i32
    %dma_start3A_132 = tpu.memref_slice %arg2[%add3A_123, %dma_start3A_131] : memref<16384x1024xf32, #tpu.memory_space<hbm>> -> memref<1x1024xf32, #tpu.memory_space<hbm>>
    %dma_start3A_133 = tpu.memref_squeeze %dma_start3A_132 : memref<1x1024xf32, #tpu.memory_space<hbm>> -> memref<1024xf32, #tpu.memory_space<hbm>>
    tpu.enqueue_dma source(%dma_start3A_133 : memref<1024xf32, #tpu.memory_space<hbm>>) target(%dma_start3A_130 : memref<1024xf32, #tpu.memory_space<vmem>>) target_semaphore(%arg10 : memref<!tpu.dma_semaphore, #tpu.memory_space<semaphore_mem>>)
    %add3A_134 = arith.constant 11 : i32
    %add3A_135 = arith.addi %mul3A_2, %add3A_134 : i32
    %dma_start3A_136 = arith.constant 11264 : i32
    %dma_start3A_137 = tpu.memref_slice %arg6[%dma_start3A_136] : memref<65536xf32, #tpu.memory_space<vmem>> -> memref<1024xf32, #tpu.memory_space<vmem>>
    %dma_start3A_138 = arith.constant 0 : i32
    %dma_start3A_139 = tpu.memref_slice %arg2[%add3A_135, %dma_start3A_138] : memref<16384x1024xf32, #tpu.memory_space<hbm>> -> memref<1x1024xf32, #tpu.memory_space<hbm>>
    %dma_start3A_140 = tpu.memref_squeeze %dma_start3A_139 : memref<1x1024xf32, #tpu.memory_space<hbm>> -> memref<1024xf32, #tpu.memory_space<hbm>>
    %dma_start3A_141 = arith.constant 11264 : i32
    %dma_start3A_142 = tpu.memref_slice %arg6[%dma_start3A_141] : memref<65536xf32, #tpu.memory_space<vmem>> -> memref<1024xf32, #tpu.memory_space<vmem>>
    %dma_start3A_143 = arith.constant 0 : i32
    %dma_start3A_144 = tpu.memref_slice %arg2[%add3A_135, %dma_start3A_143] : memref<16384x1024xf32, #tpu.memory_space<hbm>> -> memref<1x1024xf32, #tpu.memory_space<hbm>>
    %dma_start3A_145 = tpu.memref_squeeze %dma_start3A_144 : memref<1x1024xf32, #tpu.memory_space<hbm>> -> memref<1024xf32, #tpu.memory_space<hbm>>
    tpu.enqueue_dma source(%dma_start3A_145 : memref<1024xf32, #tpu.memory_space<hbm>>) target(%dma_start3A_142 : memref<1024xf32, #tpu.memory_space<vmem>>) target_semaphore(%arg10 : memref<!tpu.dma_semaphore, #tpu.memory_space<semaphore_mem>>)
    %add3A_146 = arith.constant 12 : i32
    %add3A_147 = arith.addi %mul3A_2, %add3A_146 : i32
    %dma_start3A_148 = arith.constant 12288 : i32
    %dma_start3A_149 = tpu.memref_slice %arg6[%dma_start3A_148] : memref<65536xf32, #tpu.memory_space<vmem>> -> memref<1024xf32, #tpu.memory_space<vmem>>
    %dma_start3A_150 = arith.constant 0 : i32
    %dma_start3A_151 = tpu.memref_slice %arg2[%add3A_147, %dma_start3A_150] : memref<16384x1024xf32, #tpu.memory_space<hbm>> -> memref<1x1024xf32, #tpu.memory_space<hbm>>
    %dma_start3A_152 = tpu.memref_squeeze %dma_start3A_151 : memref<1x1024xf32, #tpu.memory_space<hbm>> -> memref<1024xf32, #tpu.memory_space<hbm>>
    %dma_start3A_153 = arith.constant 12288 : i32
    %dma_start3A_154 = tpu.memref_slice %arg6[%dma_start3A_153] : memref<65536xf32, #tpu.memory_space<vmem>> -> memref<1024xf32, #tpu.memory_space<vmem>>
    %dma_start3A_155 = arith.constant 0 : i32
    %dma_start3A_156 = tpu.memref_slice %arg2[%add3A_147, %dma_start3A_155] : memref<16384x1024xf32, #tpu.memory_space<hbm>> -> memref<1x1024xf32, #tpu.memory_space<hbm>>
    %dma_start3A_157 = tpu.memref_squeeze %dma_start3A_156 : memref<1x1024xf32, #tpu.memory_space<hbm>> -> memref<1024xf32, #tpu.memory_space<hbm>>
    tpu.enqueue_dma source(%dma_start3A_157 : memref<1024xf32, #tpu.memory_space<hbm>>) target(%dma_start3A_154 : memref<1024xf32, #tpu.memory_space<vmem>>) target_semaphore(%arg10 : memref<!tpu.dma_semaphore, #tpu.memory_space<semaphore_mem>>)
    %add3A_158 = arith.constant 13 : i32
    %add3A_159 = arith.addi %mul3A_2, %add3A_158 : i32
    %dma_start3A_160 = arith.constant 13312 : i32
    %dma_start3A_161 = tpu.memref_slice %arg6[%dma_start3A_160] : memref<65536xf32, #tpu.memory_space<vmem>> -> memref<1024xf32, #tpu.memory_space<vmem>>
    %dma_start3A_162 = arith.constant 0 : i32
    %dma_start3A_163 = tpu.memref_slice %arg2[%add3A_159, %dma_start3A_162] : memref<16384x1024xf32, #tpu.memory_space<hbm>> -> memref<1x1024xf32, #tpu.memory_space<hbm>>
    %dma_start3A_164 = tpu.memref_squeeze %dma_start3A_163 : memref<1x1024xf32, #tpu.memory_space<hbm>> -> memref<1024xf32, #tpu.memory_space<hbm>>
    %dma_start3A_165 = arith.constant 13312 : i32
    %dma_start3A_166 = tpu.memref_slice %arg6[%dma_start3A_165] : memref<65536xf32, #tpu.memory_space<vmem>> -> memref<1024xf32, #tpu.memory_space<vmem>>
    %dma_start3A_167 = arith.constant 0 : i32
    %dma_start3A_168 = tpu.memref_slice %arg2[%add3A_159, %dma_start3A_167] : memref<16384x1024xf32, #tpu.memory_space<hbm>> -> memref<1x1024xf32, #tpu.memory_space<hbm>>
    %dma_start3A_169 = tpu.memref_squeeze %dma_start3A_168 : memref<1x1024xf32, #tpu.memory_space<hbm>> -> memref<1024xf32, #tpu.memory_space<hbm>>
    tpu.enqueue_dma source(%dma_start3A_169 : memref<1024xf32, #tpu.memory_space<hbm>>) target(%dma_start3A_166 : memref<1024xf32, #tpu.memory_space<vmem>>) target_semaphore(%arg10 : memref<!tpu.dma_semaphore, #tpu.memory_space<semaphore_mem>>)
    %add3A_170 = arith.constant 14 : i32
    %add3A_171 = arith.addi %mul3A_2, %add3A_170 : i32
    %dma_start3A_172 = arith.constant 14336 : i32
    %dma_start3A_173 = tpu.memref_slice %arg6[%dma_start3A_172] : memref<65536xf32, #tpu.memory_space<vmem>> -> memref<1024xf32, #tpu.memory_space<vmem>>
    %dma_start3A_174 = arith.constant 0 : i32
    %dma_start3A_175 = tpu.memref_slice %arg2[%add3A_171, %dma_start3A_174] : memref<16384x1024xf32, #tpu.memory_space<hbm>> -> memref<1x1024xf32, #tpu.memory_space<hbm>>
    %dma_start3A_176 = tpu.memref_squeeze %dma_start3A_175 : memref<1x1024xf32, #tpu.memory_space<hbm>> -> memref<1024xf32, #tpu.memory_space<hbm>>
    %dma_start3A_177 = arith.constant 14336 : i32
    %dma_start3A_178 = tpu.memref_slice %arg6[%dma_start3A_177] : memref<65536xf32, #tpu.memory_space<vmem>> -> memref<1024xf32, #tpu.memory_space<vmem>>
    %dma_start3A_179 = arith.constant 0 : i32
    %dma_start3A_180 = tpu.memref_slice %arg2[%add3A_171, %dma_start3A_179] : memref<16384x1024xf32, #tpu.memory_space<hbm>> -> memref<1x1024xf32, #tpu.memory_space<hbm>>
    %dma_start3A_181 = tpu.memref_squeeze %dma_start3A_180 : memref<1x1024xf32, #tpu.memory_space<hbm>> -> memref<1024xf32, #tpu.memory_space<hbm>>
    tpu.enqueue_dma source(%dma_start3A_181 : memref<1024xf32, #tpu.memory_space<hbm>>) target(%dma_start3A_178 : memref<1024xf32, #tpu.memory_space<vmem>>) target_semaphore(%arg10 : memref<!tpu.dma_semaphore, #tpu.memory_space<semaphore_mem>>)
    %add3A_182 = arith.constant 15 : i32
    %add3A_183 = arith.addi %mul3A_2, %add3A_182 : i32
    %dma_start3A_184 = arith.constant 15360 : i32
    %dma_start3A_185 = tpu.memref_slice %arg6[%dma_start3A_184] : memref<65536xf32, #tpu.memory_space<vmem>> -> memref<1024xf32, #tpu.memory_space<vmem>>
    %dma_start3A_186 = arith.constant 0 : i32
    %dma_start3A_187 = tpu.memref_slice %arg2[%add3A_183, %dma_start3A_186] : memref<16384x1024xf32, #tpu.memory_space<hbm>> -> memref<1x1024xf32, #tpu.memory_space<hbm>>
    %dma_start3A_188 = tpu.memref_squeeze %dma_start3A_187 : memref<1x1024xf32, #tpu.memory_space<hbm>> -> memref<1024xf32, #tpu.memory_space<hbm>>
    %dma_start3A_189 = arith.constant 15360 : i32
    %dma_start3A_190 = tpu.memref_slice %arg6[%dma_start3A_189] : memref<65536xf32, #tpu.memory_space<vmem>> -> memref<1024xf32, #tpu.memory_space<vmem>>
    %dma_start3A_191 = arith.constant 0 : i32
    %dma_start3A_192 = tpu.memref_slice %arg2[%add3A_183, %dma_start3A_191] : memref<16384x1024xf32, #tpu.memory_space<hbm>> -> memref<1x1024xf32, #tpu.memory_space<hbm>>
    %dma_start3A_193 = tpu.memref_squeeze %dma_start3A_192 : memref<1x1024xf32, #tpu.memory_space<hbm>> -> memref<1024xf32, #tpu.memory_space<hbm>>
    tpu.enqueue_dma source(%dma_start3A_193 : memref<1024xf32, #tpu.memory_space<hbm>>) target(%dma_start3A_190 : memref<1024xf32, #tpu.memory_space<vmem>>) target_semaphore(%arg10 : memref<!tpu.dma_semaphore, #tpu.memory_space<semaphore_mem>>)
    %add3A_194 = arith.constant 16 : i32
    %add3A_195 = arith.addi %mul3A_2, %add3A_194 : i32
    %dma_start3A_196 = arith.constant 16384 : i32
    %dma_start3A_197 = tpu.memref_slice %arg6[%dma_start3A_196] : memref<65536xf32, #tpu.memory_space<vmem>> -> memref<1024xf32, #tpu.memory_space<vmem>>
    %dma_start3A_198 = arith.constant 0 : i32
    %dma_start3A_199 = tpu.memref_slice %arg2[%add3A_195, %dma_start3A_198] : memref<16384x1024xf32, #tpu.memory_space<hbm>> -> memref<1x1024xf32, #tpu.memory_space<hbm>>
    %dma_start3A_200 = tpu.memref_squeeze %dma_start3A_199 : memref<1x1024xf32, #tpu.memory_space<hbm>> -> memref<1024xf32, #tpu.memory_space<hbm>>
    %dma_start3A_201 = arith.constant 16384 : i32
    %dma_start3A_202 = tpu.memref_slice %arg6[%dma_start3A_201] : memref<65536xf32, #tpu.memory_space<vmem>> -> memref<1024xf32, #tpu.memory_space<vmem>>
    %dma_start3A_203 = arith.constant 0 : i32
    %dma_start3A_204 = tpu.memref_slice %arg2[%add3A_195, %dma_start3A_203] : memref<16384x1024xf32, #tpu.memory_space<hbm>> -> memref<1x1024xf32, #tpu.memory_space<hbm>>
    %dma_start3A_205 = tpu.memref_squeeze %dma_start3A_204 : memref<1x1024xf32, #tpu.memory_space<hbm>> -> memref<1024xf32, #tpu.memory_space<hbm>>
    tpu.enqueue_dma source(%dma_start3A_205 : memref<1024xf32, #tpu.memory_space<hbm>>) target(%dma_start3A_202 : memref<1024xf32, #tpu.memory_space<vmem>>) target_semaphore(%arg10 : memref<!tpu.dma_semaphore, #tpu.memory_space<semaphore_mem>>)
    %add3A_206 = arith.constant 17 : i32
    %add3A_207 = arith.addi %mul3A_2, %add3A_206 : i32
    %dma_start3A_208 = arith.constant 17408 : i32
    %dma_start3A_209 = tpu.memref_slice %arg6[%dma_start3A_208] : memref<65536xf32, #tpu.memory_space<vmem>> -> memref<1024xf32, #tpu.memory_space<vmem>>
    %dma_start3A_210 = arith.constant 0 : i32
    %dma_start3A_211 = tpu.memref_slice %arg2[%add3A_207, %dma_start3A_210] : memref<16384x1024xf32, #tpu.memory_space<hbm>> -> memref<1x1024xf32, #tpu.memory_space<hbm>>
    %dma_start3A_212 = tpu.memref_squeeze %dma_start3A_211 : memref<1x1024xf32, #tpu.memory_space<hbm>> -> memref<1024xf32, #tpu.memory_space<hbm>>
    %dma_start3A_213 = arith.constant 17408 : i32
    %dma_start3A_214 = tpu.memref_slice %arg6[%dma_start3A_213] : memref<65536xf32, #tpu.memory_space<vmem>> -> memref<1024xf32, #tpu.memory_space<vmem>>
    %dma_start3A_215 = arith.constant 0 : i32
    %dma_start3A_216 = tpu.memref_slice %arg2[%add3A_207, %dma_start3A_215] : memref<16384x1024xf32, #tpu.memory_space<hbm>> -> memref<1x1024xf32, #tpu.memory_space<hbm>>
    %dma_start3A_217 = tpu.memref_squeeze %dma_start3A_216 : memref<1x1024xf32, #tpu.memory_space<hbm>> -> memref<1024xf32, #tpu.memory_space<hbm>>
    tpu.enqueue_dma source(%dma_start3A_217 : memref<1024xf32, #tpu.memory_space<hbm>>) target(%dma_start3A_214 : memref<1024xf32, #tpu.memory_space<vmem>>) target_semaphore(%arg10 : memref<!tpu.dma_semaphore, #tpu.memory_space<semaphore_mem>>)
    %add3A_218 = arith.constant 18 : i32
    %add3A_219 = arith.addi %mul3A_2, %add3A_218 : i32
    %dma_start3A_220 = arith.constant 18432 : i32
    %dma_start3A_221 = tpu.memref_slice %arg6[%dma_start3A_220] : memref<65536xf32, #tpu.memory_space<vmem>> -> memref<1024xf32, #tpu.memory_space<vmem>>
    %dma_start3A_222 = arith.constant 0 : i32
    %dma_start3A_223 = tpu.memref_slice %arg2[%add3A_219, %dma_start3A_222] : memref<16384x1024xf32, #tpu.memory_space<hbm>> -> memref<1x1024xf32, #tpu.memory_space<hbm>>
    %dma_start3A_224 = tpu.memref_squeeze %dma_start3A_223 : memref<1x1024xf32, #tpu.memory_space<hbm>> -> memref<1024xf32, #tpu.memory_space<hbm>>
    %dma_start3A_225 = arith.constant 18432 : i32
    %dma_start3A_226 = tpu.memref_slice %arg6[%dma_start3A_225] : memref<65536xf32, #tpu.memory_space<vmem>> -> memref<1024xf32, #tpu.memory_space<vmem>>
    %dma_start3A_227 = arith.constant 0 : i32
    %dma_start3A_228 = tpu.memref_slice %arg2[%add3A_219, %dma_start3A_227] : memref<16384x1024xf32, #tpu.memory_space<hbm>> -> memref<1x1024xf32, #tpu.memory_space<hbm>>
    %dma_start3A_229 = tpu.memref_squeeze %dma_start3A_228 : memref<1x1024xf32, #tpu.memory_space<hbm>> -> memref<1024xf32, #tpu.memory_space<hbm>>
    tpu.enqueue_dma source(%dma_start3A_229 : memref<1024xf32, #tpu.memory_space<hbm>>) target(%dma_start3A_226 : memref<1024xf32, #tpu.memory_space<vmem>>) target_semaphore(%arg10 : memref<!tpu.dma_semaphore, #tpu.memory_space<semaphore_mem>>)
    %add3A_230 = arith.constant 19 : i32
    %add3A_231 = arith.addi %mul3A_2, %add3A_230 : i32
    %dma_start3A_232 = arith.constant 19456 : i32
    %dma_start3A_233 = tpu.memref_slice %arg6[%dma_start3A_232] : memref<65536xf32, #tpu.memory_space<vmem>> -> memref<1024xf32, #tpu.memory_space<vmem>>
    %dma_start3A_234 = arith.constant 0 : i32
    %dma_start3A_235 = tpu.memref_slice %arg2[%add3A_231, %dma_start3A_234] : memref<16384x1024xf32, #tpu.memory_space<hbm>> -> memref<1x1024xf32, #tpu.memory_space<hbm>>
    %dma_start3A_236 = tpu.memref_squeeze %dma_start3A_235 : memref<1x1024xf32, #tpu.memory_space<hbm>> -> memref<1024xf32, #tpu.memory_space<hbm>>
    %dma_start3A_237 = arith.constant 19456 : i32
    %dma_start3A_238 = tpu.memref_slice %arg6[%dma_start3A_237] : memref<65536xf32, #tpu.memory_space<vmem>> -> memref<1024xf32, #tpu.memory_space<vmem>>
    %dma_start3A_239 = arith.constant 0 : i32
    %dma_start3A_240 = tpu.memref_slice %arg2[%add3A_231, %dma_start3A_239] : memref<16384x1024xf32, #tpu.memory_space<hbm>> -> memref<1x1024xf32, #tpu.memory_space<hbm>>
    %dma_start3A_241 = tpu.memref_squeeze %dma_start3A_240 : memref<1x1024xf32, #tpu.memory_space<hbm>> -> memref<1024xf32, #tpu.memory_space<hbm>>
    tpu.enqueue_dma source(%dma_start3A_241 : memref<1024xf32, #tpu.memory_space<hbm>>) target(%dma_start3A_238 : memref<1024xf32, #tpu.memory_space<vmem>>) target_semaphore(%arg10 : memref<!tpu.dma_semaphore, #tpu.memory_space<semaphore_mem>>)
    %add3A_242 = arith.constant 20 : i32
    %add3A_243 = arith.addi %mul3A_2, %add3A_242 : i32
    %dma_start3A_244 = arith.constant 20480 : i32
    %dma_start3A_245 = tpu.memref_slice %arg6[%dma_start3A_244] : memref<65536xf32, #tpu.memory_space<vmem>> -> memref<1024xf32, #tpu.memory_space<vmem>>
    %dma_start3A_246 = arith.constant 0 : i32
    %dma_start3A_247 = tpu.memref_slice %arg2[%add3A_243, %dma_start3A_246] : memref<16384x1024xf32, #tpu.memory_space<hbm>> -> memref<1x1024xf32, #tpu.memory_space<hbm>>
    %dma_start3A_248 = tpu.memref_squeeze %dma_start3A_247 : memref<1x1024xf32, #tpu.memory_space<hbm>> -> memref<1024xf32, #tpu.memory_space<hbm>>
    %dma_start3A_249 = arith.constant 20480 : i32
    %dma_start3A_250 = tpu.memref_slice %arg6[%dma_start3A_249] : memref<65536xf32, #tpu.memory_space<vmem>> -> memref<1024xf32, #tpu.memory_space<vmem>>
    %dma_start3A_251 = arith.constant 0 : i32
    %dma_start3A_252 = tpu.memref_slice %arg2[%add3A_243, %dma_start3A_251] : memref<16384x1024xf32, #tpu.memory_space<hbm>> -> memref<1x1024xf32, #tpu.memory_space<hbm>>
    %dma_start3A_253 = tpu.memref_squeeze %dma_start3A_252 : memref<1x1024xf32, #tpu.memory_space<hbm>> -> memref<1024xf32, #tpu.memory_space<hbm>>
    tpu.enqueue_dma source(%dma_start3A_253 : memref<1024xf32, #tpu.memory_space<hbm>>) target(%dma_start3A_250 : memref<1024xf32, #tpu.memory_space<vmem>>) target_semaphore(%arg10 : memref<!tpu.dma_semaphore, #tpu.memory_space<semaphore_mem>>)
    %add3A_254 = arith.constant 21 : i32
    %add3A_255 = arith.addi %mul3A_2, %add3A_254 : i32
    %dma_start3A_256 = arith.constant 21504 : i32
    %dma_start3A_257 = tpu.memref_slice %arg6[%dma_start3A_256] : memref<65536xf32, #tpu.memory_space<vmem>> -> memref<1024xf32, #tpu.memory_space<vmem>>
    %dma_start3A_258 = arith.constant 0 : i32
    %dma_start3A_259 = tpu.memref_slice %arg2[%add3A_255, %dma_start3A_258] : memref<16384x1024xf32, #tpu.memory_space<hbm>> -> memref<1x1024xf32, #tpu.memory_space<hbm>>
    %dma_start3A_260 = tpu.memref_squeeze %dma_start3A_259 : memref<1x1024xf32, #tpu.memory_space<hbm>> -> memref<1024xf32, #tpu.memory_space<hbm>>
    %dma_start3A_261 = arith.constant 21504 : i32
    %dma_start3A_262 = tpu.memref_slice %arg6[%dma_start3A_261] : memref<65536xf32, #tpu.memory_space<vmem>> -> memref<1024xf32, #tpu.memory_space<vmem>>
    %dma_start3A_263 = arith.constant 0 : i32
    %dma_start3A_264 = tpu.memref_slice %arg2[%add3A_255, %dma_start3A_263] : memref<16384x1024xf32, #tpu.memory_space<hbm>> -> memref<1x1024xf32, #tpu.memory_space<hbm>>
    %dma_start3A_265 = tpu.memref_squeeze %dma_start3A_264 : memref<1x1024xf32, #tpu.memory_space<hbm>> -> memref<1024xf32, #tpu.memory_space<hbm>>
    tpu.enqueue_dma source(%dma_start3A_265 : memref<1024xf32, #tpu.memory_space<hbm>>) target(%dma_start3A_262 : memref<1024xf32, #tpu.memory_space<vmem>>) target_semaphore(%arg10 : memref<!tpu.dma_semaphore, #tpu.memory_space<semaphore_mem>>)
    %add3A_266 = arith.constant 22 : i32
    %add3A_267 = arith.addi %mul3A_2, %add3A_266 : i32
    %dma_start3A_268 = arith.constant 22528 : i32
    %dma_start3A_269 = tpu.memref_slice %arg6[%dma_start3A_268] : memref<65536xf32, #tpu.memory_space<vmem>> -> memref<1024xf32, #tpu.memory_space<vmem>>
    %dma_start3A_270 = arith.constant 0 : i32
    %dma_start3A_271 = tpu.memref_slice %arg2[%add3A_267, %dma_start3A_270] : memref<16384x1024xf32, #tpu.memory_space<hbm>> -> memref<1x1024xf32, #tpu.memory_space<hbm>>
    %dma_start3A_272 = tpu.memref_squeeze %dma_start3A_271 : memref<1x1024xf32, #tpu.memory_space<hbm>> -> memref<1024xf32, #tpu.memory_space<hbm>>
    %dma_start3A_273 = arith.constant 22528 : i32
    %dma_start3A_274 = tpu.memref_slice %arg6[%dma_start3A_273] : memref<65536xf32, #tpu.memory_space<vmem>> -> memref<1024xf32, #tpu.memory_space<vmem>>
    %dma_start3A_275 = arith.constant 0 : i32
    %dma_start3A_276 = tpu.memref_slice %arg2[%add3A_267, %dma_start3A_275] : memref<16384x1024xf32, #tpu.memory_space<hbm>> -> memref<1x1024xf32, #tpu.memory_space<hbm>>
    %dma_start3A_277 = tpu.memref_squeeze %dma_start3A_276 : memref<1x1024xf32, #tpu.memory_space<hbm>> -> memref<1024xf32, #tpu.memory_space<hbm>>
    tpu.enqueue_dma source(%dma_start3A_277 : memref<1024xf32, #tpu.memory_space<hbm>>) target(%dma_start3A_274 : memref<1024xf32, #tpu.memory_space<vmem>>) target_semaphore(%arg10 : memref<!tpu.dma_semaphore, #tpu.memory_space<semaphore_mem>>)
    %add3A_278 = arith.constant 23 : i32
    %add3A_279 = arith.addi %mul3A_2, %add3A_278 : i32
    %dma_start3A_280 = arith.constant 23552 : i32
    %dma_start3A_281 = tpu.memref_slice %arg6[%dma_start3A_280] : memref<65536xf32, #tpu.memory_space<vmem>> -> memref<1024xf32, #tpu.memory_space<vmem>>
    %dma_start3A_282 = arith.constant 0 : i32
    %dma_start3A_283 = tpu.memref_slice %arg2[%add3A_279, %dma_start3A_282] : memref<16384x1024xf32, #tpu.memory_space<hbm>> -> memref<1x1024xf32, #tpu.memory_space<hbm>>
    %dma_start3A_284 = tpu.memref_squeeze %dma_start3A_283 : memref<1x1024xf32, #tpu.memory_space<hbm>> -> memref<1024xf32, #tpu.memory_space<hbm>>
    %dma_start3A_285 = arith.constant 23552 : i32
    %dma_start3A_286 = tpu.memref_slice %arg6[%dma_start3A_285] : memref<65536xf32, #tpu.memory_space<vmem>> -> memref<1024xf32, #tpu.memory_space<vmem>>
    %dma_start3A_287 = arith.constant 0 : i32
    %dma_start3A_288 = tpu.memref_slice %arg2[%add3A_279, %dma_start3A_287] : memref<16384x1024xf32, #tpu.memory_space<hbm>> -> memref<1x1024xf32, #tpu.memory_space<hbm>>
    %dma_start3A_289 = tpu.memref_squeeze %dma_start3A_288 : memref<1x1024xf32, #tpu.memory_space<hbm>> -> memref<1024xf32, #tpu.memory_space<hbm>>
    tpu.enqueue_dma source(%dma_start3A_289 : memref<1024xf32, #tpu.memory_space<hbm>>) target(%dma_start3A_286 : memref<1024xf32, #tpu.memory_space<vmem>>) target_semaphore(%arg10 : memref<!tpu.dma_semaphore, #tpu.memory_space<semaphore_mem>>)
    %add3A_290 = arith.constant 24 : i32
    %add3A_291 = arith.addi %mul3A_2, %add3A_290 : i32
    %dma_start3A_292 = arith.constant 24576 : i32
    %dma_start3A_293 = tpu.memref_slice %arg6[%dma_start3A_292] : memref<65536xf32, #tpu.memory_space<vmem>> -> memref<1024xf32, #tpu.memory_space<vmem>>
    %dma_start3A_294 = arith.constant 0 : i32
    %dma_start3A_295 = tpu.memref_slice %arg2[%add3A_291, %dma_start3A_294] : memref<16384x1024xf32, #tpu.memory_space<hbm>> -> memref<1x1024xf32, #tpu.memory_space<hbm>>
    %dma_start3A_296 = tpu.memref_squeeze %dma_start3A_295 : memref<1x1024xf32, #tpu.memory_space<hbm>> -> memref<1024xf32, #tpu.memory_space<hbm>>
    %dma_start3A_297 = arith.constant 24576 : i32
    %dma_start3A_298 = tpu.memref_slice %arg6[%dma_start3A_297] : memref<65536xf32, #tpu.memory_space<vmem>> -> memref<1024xf32, #tpu.memory_space<vmem>>
    %dma_start3A_299 = arith.constant 0 : i32
    %dma_start3A_300 = tpu.memref_slice %arg2[%add3A_291, %dma_start3A_299] : memref<16384x1024xf32, #tpu.memory_space<hbm>> -> memref<1x1024xf32, #tpu.memory_space<hbm>>
    %dma_start3A_301 = tpu.memref_squeeze %dma_start3A_300 : memref<1x1024xf32, #tpu.memory_space<hbm>> -> memref<1024xf32, #tpu.memory_space<hbm>>
    tpu.enqueue_dma source(%dma_start3A_301 : memref<1024xf32, #tpu.memory_space<hbm>>) target(%dma_start3A_298 : memref<1024xf32, #tpu.memory_space<vmem>>) target_semaphore(%arg10 : memref<!tpu.dma_semaphore, #tpu.memory_space<semaphore_mem>>)
    %add3A_302 = arith.constant 25 : i32
    %add3A_303 = arith.addi %mul3A_2, %add3A_302 : i32
    %dma_start3A_304 = arith.constant 25600 : i32
    %dma_start3A_305 = tpu.memref_slice %arg6[%dma_start3A_304] : memref<65536xf32, #tpu.memory_space<vmem>> -> memref<1024xf32, #tpu.memory_space<vmem>>
    %dma_start3A_306 = arith.constant 0 : i32
    %dma_start3A_307 = tpu.memref_slice %arg2[%add3A_303, %dma_start3A_306] : memref<16384x1024xf32, #tpu.memory_space<hbm>> -> memref<1x1024xf32, #tpu.memory_space<hbm>>
    %dma_start3A_308 = tpu.memref_squeeze %dma_start3A_307 : memref<1x1024xf32, #tpu.memory_space<hbm>> -> memref<1024xf32, #tpu.memory_space<hbm>>
    %dma_start3A_309 = arith.constant 25600 : i32
    %dma_start3A_310 = tpu.memref_slice %arg6[%dma_start3A_309] : memref<65536xf32, #tpu.memory_space<vmem>> -> memref<1024xf32, #tpu.memory_space<vmem>>
    %dma_start3A_311 = arith.constant 0 : i32
    %dma_start3A_312 = tpu.memref_slice %arg2[%add3A_303, %dma_start3A_311] : memref<16384x1024xf32, #tpu.memory_space<hbm>> -> memref<1x1024xf32, #tpu.memory_space<hbm>>
    %dma_start3A_313 = tpu.memref_squeeze %dma_start3A_312 : memref<1x1024xf32, #tpu.memory_space<hbm>> -> memref<1024xf32, #tpu.memory_space<hbm>>
    tpu.enqueue_dma source(%dma_start3A_313 : memref<1024xf32, #tpu.memory_space<hbm>>) target(%dma_start3A_310 : memref<1024xf32, #tpu.memory_space<vmem>>) target_semaphore(%arg10 : memref<!tpu.dma_semaphore, #tpu.memory_space<semaphore_mem>>)
    %add3A_314 = arith.constant 26 : i32
    %add3A_315 = arith.addi %mul3A_2, %add3A_314 : i32
    %dma_start3A_316 = arith.constant 26624 : i32
    %dma_start3A_317 = tpu.memref_slice %arg6[%dma_start3A_316] : memref<65536xf32, #tpu.memory_space<vmem>> -> memref<1024xf32, #tpu.memory_space<vmem>>
    %dma_start3A_318 = arith.constant 0 : i32
    %dma_start3A_319 = tpu.memref_slice %arg2[%add3A_315, %dma_start3A_318] : memref<16384x1024xf32, #tpu.memory_space<hbm>> -> memref<1x1024xf32, #tpu.memory_space<hbm>>
    %dma_start3A_320 = tpu.memref_squeeze %dma_start3A_319 : memref<1x1024xf32, #tpu.memory_space<hbm>> -> memref<1024xf32, #tpu.memory_space<hbm>>
    %dma_start3A_321 = arith.constant 26624 : i32
    %dma_start3A_322 = tpu.memref_slice %arg6[%dma_start3A_321] : memref<65536xf32, #tpu.memory_space<vmem>> -> memref<1024xf32, #tpu.memory_space<vmem>>
    %dma_start3A_323 = arith.constant 0 : i32
    %dma_start3A_324 = tpu.memref_slice %arg2[%add3A_315, %dma_start3A_323] : memref<16384x1024xf32, #tpu.memory_space<hbm>> -> memref<1x1024xf32, #tpu.memory_space<hbm>>
    %dma_start3A_325 = tpu.memref_squeeze %dma_start3A_324 : memref<1x1024xf32, #tpu.memory_space<hbm>> -> memref<1024xf32, #tpu.memory_space<hbm>>
    tpu.enqueue_dma source(%dma_start3A_325 : memref<1024xf32, #tpu.memory_space<hbm>>) target(%dma_start3A_322 : memref<1024xf32, #tpu.memory_space<vmem>>) target_semaphore(%arg10 : memref<!tpu.dma_semaphore, #tpu.memory_space<semaphore_mem>>)
    %add3A_326 = arith.constant 27 : i32
    %add3A_327 = arith.addi %mul3A_2, %add3A_326 : i32
    %dma_start3A_328 = arith.constant 27648 : i32
    %dma_start3A_329 = tpu.memref_slice %arg6[%dma_start3A_328] : memref<65536xf32, #tpu.memory_space<vmem>> -> memref<1024xf32, #tpu.memory_space<vmem>>
    %dma_start3A_330 = arith.constant 0 : i32
    %dma_start3A_331 = tpu.memref_slice %arg2[%add3A_327, %dma_start3A_330] : memref<16384x1024xf32, #tpu.memory_space<hbm>> -> memref<1x1024xf32, #tpu.memory_space<hbm>>
    %dma_start3A_332 = tpu.memref_squeeze %dma_start3A_331 : memref<1x1024xf32, #tpu.memory_space<hbm>> -> memref<1024xf32, #tpu.memory_space<hbm>>
    %dma_start3A_333 = arith.constant 27648 : i32
    %dma_start3A_334 = tpu.memref_slice %arg6[%dma_start3A_333] : memref<65536xf32, #tpu.memory_space<vmem>> -> memref<1024xf32, #tpu.memory_space<vmem>>
    %dma_start3A_335 = arith.constant 0 : i32
    %dma_start3A_336 = tpu.memref_slice %arg2[%add3A_327, %dma_start3A_335] : memref<16384x1024xf32, #tpu.memory_space<hbm>> -> memref<1x1024xf32, #tpu.memory_space<hbm>>
    %dma_start3A_337 = tpu.memref_squeeze %dma_start3A_336 : memref<1x1024xf32, #tpu.memory_space<hbm>> -> memref<1024xf32, #tpu.memory_space<hbm>>
    tpu.enqueue_dma source(%dma_start3A_337 : memref<1024xf32, #tpu.memory_space<hbm>>) target(%dma_start3A_334 : memref<1024xf32, #tpu.memory_space<vmem>>) target_semaphore(%arg10 : memref<!tpu.dma_semaphore, #tpu.memory_space<semaphore_mem>>)
    %add3A_338 = arith.constant 28 : i32
    %add3A_339 = arith.addi %mul3A_2, %add3A_338 : i32
    %dma_start3A_340 = arith.constant 28672 : i32
    %dma_start3A_341 = tpu.memref_slice %arg6[%dma_start3A_340] : memref<65536xf32, #tpu.memory_space<vmem>> -> memref<1024xf32, #tpu.memory_space<vmem>>
    %dma_start3A_342 = arith.constant 0 : i32
    %dma_start3A_343 = tpu.memref_slice %arg2[%add3A_339, %dma_start3A_342] : memref<16384x1024xf32, #tpu.memory_space<hbm>> -> memref<1x1024xf32, #tpu.memory_space<hbm>>
    %dma_start3A_344 = tpu.memref_squeeze %dma_start3A_343 : memref<1x1024xf32, #tpu.memory_space<hbm>> -> memref<1024xf32, #tpu.memory_space<hbm>>
    %dma_start3A_345 = arith.constant 28672 : i32
    %dma_start3A_346 = tpu.memref_slice %arg6[%dma_start3A_345] : memref<65536xf32, #tpu.memory_space<vmem>> -> memref<1024xf32, #tpu.memory_space<vmem>>
    %dma_start3A_347 = arith.constant 0 : i32
    %dma_start3A_348 = tpu.memref_slice %arg2[%add3A_339, %dma_start3A_347] : memref<16384x1024xf32, #tpu.memory_space<hbm>> -> memref<1x1024xf32, #tpu.memory_space<hbm>>
    %dma_start3A_349 = tpu.memref_squeeze %dma_start3A_348 : memref<1x1024xf32, #tpu.memory_space<hbm>> -> memref<1024xf32, #tpu.memory_space<hbm>>
    tpu.enqueue_dma source(%dma_start3A_349 : memref<1024xf32, #tpu.memory_space<hbm>>) target(%dma_start3A_346 : memref<1024xf32, #tpu.memory_space<vmem>>) target_semaphore(%arg10 : memref<!tpu.dma_semaphore, #tpu.memory_space<semaphore_mem>>)
    %add3A_350 = arith.constant 29 : i32
    %add3A_351 = arith.addi %mul3A_2, %add3A_350 : i32
    %dma_start3A_352 = arith.constant 29696 : i32
    %dma_start3A_353 = tpu.memref_slice %arg6[%dma_start3A_352] : memref<65536xf32, #tpu.memory_space<vmem>> -> memref<1024xf32, #tpu.memory_space<vmem>>
    %dma_start3A_354 = arith.constant 0 : i32
    %dma_start3A_355 = tpu.memref_slice %arg2[%add3A_351, %dma_start3A_354] : memref<16384x1024xf32, #tpu.memory_space<hbm>> -> memref<1x1024xf32, #tpu.memory_space<hbm>>
    %dma_start3A_356 = tpu.memref_squeeze %dma_start3A_355 : memref<1x1024xf32, #tpu.memory_space<hbm>> -> memref<1024xf32, #tpu.memory_space<hbm>>
    %dma_start3A_357 = arith.constant 29696 : i32
    %dma_start3A_358 = tpu.memref_slice %arg6[%dma_start3A_357] : memref<65536xf32, #tpu.memory_space<vmem>> -> memref<1024xf32, #tpu.memory_space<vmem>>
    %dma_start3A_359 = arith.constant 0 : i32
    %dma_start3A_360 = tpu.memref_slice %arg2[%add3A_351, %dma_start3A_359] : memref<16384x1024xf32, #tpu.memory_space<hbm>> -> memref<1x1024xf32, #tpu.memory_space<hbm>>
    %dma_start3A_361 = tpu.memref_squeeze %dma_start3A_360 : memref<1x1024xf32, #tpu.memory_space<hbm>> -> memref<1024xf32, #tpu.memory_space<hbm>>
    tpu.enqueue_dma source(%dma_start3A_361 : memref<1024xf32, #tpu.memory_space<hbm>>) target(%dma_start3A_358 : memref<1024xf32, #tpu.memory_space<vmem>>) target_semaphore(%arg10 : memref<!tpu.dma_semaphore, #tpu.memory_space<semaphore_mem>>)
    %add3A_362 = arith.constant 30 : i32
    %add3A_363 = arith.addi %mul3A_2, %add3A_362 : i32
    %dma_start3A_364 = arith.constant 30720 : i32
    %dma_start3A_365 = tpu.memref_slice %arg6[%dma_start3A_364] : memref<65536xf32, #tpu.memory_space<vmem>> -> memref<1024xf32, #tpu.memory_space<vmem>>
    %dma_start3A_366 = arith.constant 0 : i32
    %dma_start3A_367 = tpu.memref_slice %arg2[%add3A_363, %dma_start3A_366] : memref<16384x1024xf32, #tpu.memory_space<hbm>> -> memref<1x1024xf32, #tpu.memory_space<hbm>>
    %dma_start3A_368 = tpu.memref_squeeze %dma_start3A_367 : memref<1x1024xf32, #tpu.memory_space<hbm>> -> memref<1024xf32, #tpu.memory_space<hbm>>
    %dma_start3A_369 = arith.constant 30720 : i32
    %dma_start3A_370 = tpu.memref_slice %arg6[%dma_start3A_369] : memref<65536xf32, #tpu.memory_space<vmem>> -> memref<1024xf32, #tpu.memory_space<vmem>>
    %dma_start3A_371 = arith.constant 0 : i32
    %dma_start3A_372 = tpu.memref_slice %arg2[%add3A_363, %dma_start3A_371] : memref<16384x1024xf32, #tpu.memory_space<hbm>> -> memref<1x1024xf32, #tpu.memory_space<hbm>>
    %dma_start3A_373 = tpu.memref_squeeze %dma_start3A_372 : memref<1x1024xf32, #tpu.memory_space<hbm>> -> memref<1024xf32, #tpu.memory_space<hbm>>
    tpu.enqueue_dma source(%dma_start3A_373 : memref<1024xf32, #tpu.memory_space<hbm>>) target(%dma_start3A_370 : memref<1024xf32, #tpu.memory_space<vmem>>) target_semaphore(%arg10 : memref<!tpu.dma_semaphore, #tpu.memory_space<semaphore_mem>>)
    %add3A_374 = arith.constant 31 : i32
    %add3A_375 = arith.addi %mul3A_2, %add3A_374 : i32
    %dma_start3A_376 = arith.constant 31744 : i32
    %dma_start3A_377 = tpu.memref_slice %arg6[%dma_start3A_376] : memref<65536xf32, #tpu.memory_space<vmem>> -> memref<1024xf32, #tpu.memory_space<vmem>>
    %dma_start3A_378 = arith.constant 0 : i32
    %dma_start3A_379 = tpu.memref_slice %arg2[%add3A_375, %dma_start3A_378] : memref<16384x1024xf32, #tpu.memory_space<hbm>> -> memref<1x1024xf32, #tpu.memory_space<hbm>>
    %dma_start3A_380 = tpu.memref_squeeze %dma_start3A_379 : memref<1x1024xf32, #tpu.memory_space<hbm>> -> memref<1024xf32, #tpu.memory_space<hbm>>
    %dma_start3A_381 = arith.constant 31744 : i32
    %dma_start3A_382 = tpu.memref_slice %arg6[%dma_start3A_381] : memref<65536xf32, #tpu.memory_space<vmem>> -> memref<1024xf32, #tpu.memory_space<vmem>>
    %dma_start3A_383 = arith.constant 0 : i32
    %dma_start3A_384 = tpu.memref_slice %arg2[%add3A_375, %dma_start3A_383] : memref<16384x1024xf32, #tpu.memory_space<hbm>> -> memref<1x1024xf32, #tpu.memory_space<hbm>>
    %dma_start3A_385 = tpu.memref_squeeze %dma_start3A_384 : memref<1x1024xf32, #tpu.memory_space<hbm>> -> memref<1024xf32, #tpu.memory_space<hbm>>
    tpu.enqueue_dma source(%dma_start3A_385 : memref<1024xf32, #tpu.memory_space<hbm>>) target(%dma_start3A_382 : memref<1024xf32, #tpu.memory_space<vmem>>) target_semaphore(%arg10 : memref<!tpu.dma_semaphore, #tpu.memory_space<semaphore_mem>>)
    %add3A_386 = arith.constant 32 : i32
    %add3A_387 = arith.addi %mul3A_2, %add3A_386 : i32
    %dma_start3A_388 = arith.constant 32768 : i32
    %dma_start3A_389 = tpu.memref_slice %arg6[%dma_start3A_388] : memref<65536xf32, #tpu.memory_space<vmem>> -> memref<1024xf32, #tpu.memory_space<vmem>>
    %dma_start3A_390 = arith.constant 0 : i32
    %dma_start3A_391 = tpu.memref_slice %arg2[%add3A_387, %dma_start3A_390] : memref<16384x1024xf32, #tpu.memory_space<hbm>> -> memref<1x1024xf32, #tpu.memory_space<hbm>>
    %dma_start3A_392 = tpu.memref_squeeze %dma_start3A_391 : memref<1x1024xf32, #tpu.memory_space<hbm>> -> memref<1024xf32, #tpu.memory_space<hbm>>
    %dma_start3A_393 = arith.constant 32768 : i32
    %dma_start3A_394 = tpu.memref_slice %arg6[%dma_start3A_393] : memref<65536xf32, #tpu.memory_space<vmem>> -> memref<1024xf32, #tpu.memory_space<vmem>>
    %dma_start3A_395 = arith.constant 0 : i32
    %dma_start3A_396 = tpu.memref_slice %arg2[%add3A_387, %dma_start3A_395] : memref<16384x1024xf32, #tpu.memory_space<hbm>> -> memref<1x1024xf32, #tpu.memory_space<hbm>>
    %dma_start3A_397 = tpu.memref_squeeze %dma_start3A_396 : memref<1x1024xf32, #tpu.memory_space<hbm>> -> memref<1024xf32, #tpu.memory_space<hbm>>
    tpu.enqueue_dma source(%dma_start3A_397 : memref<1024xf32, #tpu.memory_space<hbm>>) target(%dma_start3A_394 : memref<1024xf32, #tpu.memory_space<vmem>>) target_semaphore(%arg10 : memref<!tpu.dma_semaphore, #tpu.memory_space<semaphore_mem>>)
    %add3A_398 = arith.constant 33 : i32
    %add3A_399 = arith.addi %mul3A_2, %add3A_398 : i32
    %dma_start3A_400 = arith.constant 33792 : i32
    %dma_start3A_401 = tpu.memref_slice %arg6[%dma_start3A_400] : memref<65536xf32, #tpu.memory_space<vmem>> -> memref<1024xf32, #tpu.memory_space<vmem>>
    %dma_start3A_402 = arith.constant 0 : i32
    %dma_start3A_403 = tpu.memref_slice %arg2[%add3A_399, %dma_start3A_402] : memref<16384x1024xf32, #tpu.memory_space<hbm>> -> memref<1x1024xf32, #tpu.memory_space<hbm>>
    %dma_start3A_404 = tpu.memref_squeeze %dma_start3A_403 : memref<1x1024xf32, #tpu.memory_space<hbm>> -> memref<1024xf32, #tpu.memory_space<hbm>>
    %dma_start3A_405 = arith.constant 33792 : i32
    %dma_start3A_406 = tpu.memref_slice %arg6[%dma_start3A_405] : memref<65536xf32, #tpu.memory_space<vmem>> -> memref<1024xf32, #tpu.memory_space<vmem>>
    %dma_start3A_407 = arith.constant 0 : i32
    %dma_start3A_408 = tpu.memref_slice %arg2[%add3A_399, %dma_start3A_407] : memref<16384x1024xf32, #tpu.memory_space<hbm>> -> memref<1x1024xf32, #tpu.memory_space<hbm>>
    %dma_start3A_409 = tpu.memref_squeeze %dma_start3A_408 : memref<1x1024xf32, #tpu.memory_space<hbm>> -> memref<1024xf32, #tpu.memory_space<hbm>>
    tpu.enqueue_dma source(%dma_start3A_409 : memref<1024xf32, #tpu.memory_space<hbm>>) target(%dma_start3A_406 : memref<1024xf32, #tpu.memory_space<vmem>>) target_semaphore(%arg10 : memref<!tpu.dma_semaphore, #tpu.memory_space<semaphore_mem>>)
    %add3A_410 = arith.constant 34 : i32
    %add3A_411 = arith.addi %mul3A_2, %add3A_410 : i32
    %dma_start3A_412 = arith.constant 34816 : i32
    %dma_start3A_413 = tpu.memref_slice %arg6[%dma_start3A_412] : memref<65536xf32, #tpu.memory_space<vmem>> -> memref<1024xf32, #tpu.memory_space<vmem>>
    %dma_start3A_414 = arith.constant 0 : i32
    %dma_start3A_415 = tpu.memref_slice %arg2[%add3A_411, %dma_start3A_414] : memref<16384x1024xf32, #tpu.memory_space<hbm>> -> memref<1x1024xf32, #tpu.memory_space<hbm>>
    %dma_start3A_416 = tpu.memref_squeeze %dma_start3A_415 : memref<1x1024xf32, #tpu.memory_space<hbm>> -> memref<1024xf32, #tpu.memory_space<hbm>>
    %dma_start3A_417 = arith.constant 34816 : i32
    %dma_start3A_418 = tpu.memref_slice %arg6[%dma_start3A_417] : memref<65536xf32, #tpu.memory_space<vmem>> -> memref<1024xf32, #tpu.memory_space<vmem>>
    %dma_start3A_419 = arith.constant 0 : i32
    %dma_start3A_420 = tpu.memref_slice %arg2[%add3A_411, %dma_start3A_419] : memref<16384x1024xf32, #tpu.memory_space<hbm>> -> memref<1x1024xf32, #tpu.memory_space<hbm>>
    %dma_start3A_421 = tpu.memref_squeeze %dma_start3A_420 : memref<1x1024xf32, #tpu.memory_space<hbm>> -> memref<1024xf32, #tpu.memory_space<hbm>>
    tpu.enqueue_dma source(%dma_start3A_421 : memref<1024xf32, #tpu.memory_space<hbm>>) target(%dma_start3A_418 : memref<1024xf32, #tpu.memory_space<vmem>>) target_semaphore(%arg10 : memref<!tpu.dma_semaphore, #tpu.memory_space<semaphore_mem>>)
    %add3A_422 = arith.constant 35 : i32
    %add3A_423 = arith.addi %mul3A_2, %add3A_422 : i32
    %dma_start3A_424 = arith.constant 35840 : i32
    %dma_start3A_425 = tpu.memref_slice %arg6[%dma_start3A_424] : memref<65536xf32, #tpu.memory_space<vmem>> -> memref<1024xf32, #tpu.memory_space<vmem>>
    %dma_start3A_426 = arith.constant 0 : i32
    %dma_start3A_427 = tpu.memref_slice %arg2[%add3A_423, %dma_start3A_426] : memref<16384x1024xf32, #tpu.memory_space<hbm>> -> memref<1x1024xf32, #tpu.memory_space<hbm>>
    %dma_start3A_428 = tpu.memref_squeeze %dma_start3A_427 : memref<1x1024xf32, #tpu.memory_space<hbm>> -> memref<1024xf32, #tpu.memory_space<hbm>>
    %dma_start3A_429 = arith.constant 35840 : i32
    %dma_start3A_430 = tpu.memref_slice %arg6[%dma_start3A_429] : memref<65536xf32, #tpu.memory_space<vmem>> -> memref<1024xf32, #tpu.memory_space<vmem>>
    %dma_start3A_431 = arith.constant 0 : i32
    %dma_start3A_432 = tpu.memref_slice %arg2[%add3A_423, %dma_start3A_431] : memref<16384x1024xf32, #tpu.memory_space<hbm>> -> memref<1x1024xf32, #tpu.memory_space<hbm>>
    %dma_start3A_433 = tpu.memref_squeeze %dma_start3A_432 : memref<1x1024xf32, #tpu.memory_space<hbm>> -> memref<1024xf32, #tpu.memory_space<hbm>>
    tpu.enqueue_dma source(%dma_start3A_433 : memref<1024xf32, #tpu.memory_space<hbm>>) target(%dma_start3A_430 : memref<1024xf32, #tpu.memory_space<vmem>>) target_semaphore(%arg10 : memref<!tpu.dma_semaphore, #tpu.memory_space<semaphore_mem>>)
    %add3A_434 = arith.constant 36 : i32
    %add3A_435 = arith.addi %mul3A_2, %add3A_434 : i32
    %dma_start3A_436 = arith.constant 36864 : i32
    %dma_start3A_437 = tpu.memref_slice %arg6[%dma_start3A_436] : memref<65536xf32, #tpu.memory_space<vmem>> -> memref<1024xf32, #tpu.memory_space<vmem>>
    %dma_start3A_438 = arith.constant 0 : i32
    %dma_start3A_439 = tpu.memref_slice %arg2[%add3A_435, %dma_start3A_438] : memref<16384x1024xf32, #tpu.memory_space<hbm>> -> memref<1x1024xf32, #tpu.memory_space<hbm>>
    %dma_start3A_440 = tpu.memref_squeeze %dma_start3A_439 : memref<1x1024xf32, #tpu.memory_space<hbm>> -> memref<1024xf32, #tpu.memory_space<hbm>>
    %dma_start3A_441 = arith.constant 36864 : i32
    %dma_start3A_442 = tpu.memref_slice %arg6[%dma_start3A_441] : memref<65536xf32, #tpu.memory_space<vmem>> -> memref<1024xf32, #tpu.memory_space<vmem>>
    %dma_start3A_443 = arith.constant 0 : i32
    %dma_start3A_444 = tpu.memref_slice %arg2[%add3A_435, %dma_start3A_443] : memref<16384x1024xf32, #tpu.memory_space<hbm>> -> memref<1x1024xf32, #tpu.memory_space<hbm>>
    %dma_start3A_445 = tpu.memref_squeeze %dma_start3A_444 : memref<1x1024xf32, #tpu.memory_space<hbm>> -> memref<1024xf32, #tpu.memory_space<hbm>>
    tpu.enqueue_dma source(%dma_start3A_445 : memref<1024xf32, #tpu.memory_space<hbm>>) target(%dma_start3A_442 : memref<1024xf32, #tpu.memory_space<vmem>>) target_semaphore(%arg10 : memref<!tpu.dma_semaphore, #tpu.memory_space<semaphore_mem>>)
    %add3A_446 = arith.constant 37 : i32
    %add3A_447 = arith.addi %mul3A_2, %add3A_446 : i32
    %dma_start3A_448 = arith.constant 37888 : i32
    %dma_start3A_449 = tpu.memref_slice %arg6[%dma_start3A_448] : memref<65536xf32, #tpu.memory_space<vmem>> -> memref<1024xf32, #tpu.memory_space<vmem>>
    %dma_start3A_450 = arith.constant 0 : i32
    %dma_start3A_451 = tpu.memref_slice %arg2[%add3A_447, %dma_start3A_450] : memref<16384x1024xf32, #tpu.memory_space<hbm>> -> memref<1x1024xf32, #tpu.memory_space<hbm>>
    %dma_start3A_452 = tpu.memref_squeeze %dma_start3A_451 : memref<1x1024xf32, #tpu.memory_space<hbm>> -> memref<1024xf32, #tpu.memory_space<hbm>>
    %dma_start3A_453 = arith.constant 37888 : i32
    %dma_start3A_454 = tpu.memref_slice %arg6[%dma_start3A_453] : memref<65536xf32, #tpu.memory_space<vmem>> -> memref<1024xf32, #tpu.memory_space<vmem>>
    %dma_start3A_455 = arith.constant 0 : i32
    %dma_start3A_456 = tpu.memref_slice %arg2[%add3A_447, %dma_start3A_455] : memref<16384x1024xf32, #tpu.memory_space<hbm>> -> memref<1x1024xf32, #tpu.memory_space<hbm>>
    %dma_start3A_457 = tpu.memref_squeeze %dma_start3A_456 : memref<1x1024xf32, #tpu.memory_space<hbm>> -> memref<1024xf32, #tpu.memory_space<hbm>>
    tpu.enqueue_dma source(%dma_start3A_457 : memref<1024xf32, #tpu.memory_space<hbm>>) target(%dma_start3A_454 : memref<1024xf32, #tpu.memory_space<vmem>>) target_semaphore(%arg10 : memref<!tpu.dma_semaphore, #tpu.memory_space<semaphore_mem>>)
    %add3A_458 = arith.constant 38 : i32
    %add3A_459 = arith.addi %mul3A_2, %add3A_458 : i32
    %dma_start3A_460 = arith.constant 38912 : i32
    %dma_start3A_461 = tpu.memref_slice %arg6[%dma_start3A_460] : memref<65536xf32, #tpu.memory_space<vmem>> -> memref<1024xf32, #tpu.memory_space<vmem>>
    %dma_start3A_462 = arith.constant 0 : i32
    %dma_start3A_463 = tpu.memref_slice %arg2[%add3A_459, %dma_start3A_462] : memref<16384x1024xf32, #tpu.memory_space<hbm>> -> memref<1x1024xf32, #tpu.memory_space<hbm>>
    %dma_start3A_464 = tpu.memref_squeeze %dma_start3A_463 : memref<1x1024xf32, #tpu.memory_space<hbm>> -> memref<1024xf32, #tpu.memory_space<hbm>>
    %dma_start3A_465 = arith.constant 38912 : i32
    %dma_start3A_466 = tpu.memref_slice %arg6[%dma_start3A_465] : memref<65536xf32, #tpu.memory_space<vmem>> -> memref<1024xf32, #tpu.memory_space<vmem>>
    %dma_start3A_467 = arith.constant 0 : i32
    %dma_start3A_468 = tpu.memref_slice %arg2[%add3A_459, %dma_start3A_467] : memref<16384x1024xf32, #tpu.memory_space<hbm>> -> memref<1x1024xf32, #tpu.memory_space<hbm>>
    %dma_start3A_469 = tpu.memref_squeeze %dma_start3A_468 : memref<1x1024xf32, #tpu.memory_space<hbm>> -> memref<1024xf32, #tpu.memory_space<hbm>>
    tpu.enqueue_dma source(%dma_start3A_469 : memref<1024xf32, #tpu.memory_space<hbm>>) target(%dma_start3A_466 : memref<1024xf32, #tpu.memory_space<vmem>>) target_semaphore(%arg10 : memref<!tpu.dma_semaphore, #tpu.memory_space<semaphore_mem>>)
    %add3A_470 = arith.constant 39 : i32
    %add3A_471 = arith.addi %mul3A_2, %add3A_470 : i32
    %dma_start3A_472 = arith.constant 39936 : i32
    %dma_start3A_473 = tpu.memref_slice %arg6[%dma_start3A_472] : memref<65536xf32, #tpu.memory_space<vmem>> -> memref<1024xf32, #tpu.memory_space<vmem>>
    %dma_start3A_474 = arith.constant 0 : i32
    %dma_start3A_475 = tpu.memref_slice %arg2[%add3A_471, %dma_start3A_474] : memref<16384x1024xf32, #tpu.memory_space<hbm>> -> memref<1x1024xf32, #tpu.memory_space<hbm>>
    %dma_start3A_476 = tpu.memref_squeeze %dma_start3A_475 : memref<1x1024xf32, #tpu.memory_space<hbm>> -> memref<1024xf32, #tpu.memory_space<hbm>>
    %dma_start3A_477 = arith.constant 39936 : i32
    %dma_start3A_478 = tpu.memref_slice %arg6[%dma_start3A_477] : memref<65536xf32, #tpu.memory_space<vmem>> -> memref<1024xf32, #tpu.memory_space<vmem>>
    %dma_start3A_479 = arith.constant 0 : i32
    %dma_start3A_480 = tpu.memref_slice %arg2[%add3A_471, %dma_start3A_479] : memref<16384x1024xf32, #tpu.memory_space<hbm>> -> memref<1x1024xf32, #tpu.memory_space<hbm>>
    %dma_start3A_481 = tpu.memref_squeeze %dma_start3A_480 : memref<1x1024xf32, #tpu.memory_space<hbm>> -> memref<1024xf32, #tpu.memory_space<hbm>>
    tpu.enqueue_dma source(%dma_start3A_481 : memref<1024xf32, #tpu.memory_space<hbm>>) target(%dma_start3A_478 : memref<1024xf32, #tpu.memory_space<vmem>>) target_semaphore(%arg10 : memref<!tpu.dma_semaphore, #tpu.memory_space<semaphore_mem>>)
    %add3A_482 = arith.constant 40 : i32
    %add3A_483 = arith.addi %mul3A_2, %add3A_482 : i32
    %dma_start3A_484 = arith.constant 40960 : i32
    %dma_start3A_485 = tpu.memref_slice %arg6[%dma_start3A_484] : memref<65536xf32, #tpu.memory_space<vmem>> -> memref<1024xf32, #tpu.memory_space<vmem>>
    %dma_start3A_486 = arith.constant 0 : i32
    %dma_start3A_487 = tpu.memref_slice %arg2[%add3A_483, %dma_start3A_486] : memref<16384x1024xf32, #tpu.memory_space<hbm>> -> memref<1x1024xf32, #tpu.memory_space<hbm>>
    %dma_start3A_488 = tpu.memref_squeeze %dma_start3A_487 : memref<1x1024xf32, #tpu.memory_space<hbm>> -> memref<1024xf32, #tpu.memory_space<hbm>>
    %dma_start3A_489 = arith.constant 40960 : i32
    %dma_start3A_490 = tpu.memref_slice %arg6[%dma_start3A_489] : memref<65536xf32, #tpu.memory_space<vmem>> -> memref<1024xf32, #tpu.memory_space<vmem>>
    %dma_start3A_491 = arith.constant 0 : i32
    %dma_start3A_492 = tpu.memref_slice %arg2[%add3A_483, %dma_start3A_491] : memref<16384x1024xf32, #tpu.memory_space<hbm>> -> memref<1x1024xf32, #tpu.memory_space<hbm>>
    %dma_start3A_493 = tpu.memref_squeeze %dma_start3A_492 : memref<1x1024xf32, #tpu.memory_space<hbm>> -> memref<1024xf32, #tpu.memory_space<hbm>>
    tpu.enqueue_dma source(%dma_start3A_493 : memref<1024xf32, #tpu.memory_space<hbm>>) target(%dma_start3A_490 : memref<1024xf32, #tpu.memory_space<vmem>>) target_semaphore(%arg10 : memref<!tpu.dma_semaphore, #tpu.memory_space<semaphore_mem>>)
    %add3A_494 = arith.constant 41 : i32
    %add3A_495 = arith.addi %mul3A_2, %add3A_494 : i32
    %dma_start3A_496 = arith.constant 41984 : i32
    %dma_start3A_497 = tpu.memref_slice %arg6[%dma_start3A_496] : memref<65536xf32, #tpu.memory_space<vmem>> -> memref<1024xf32, #tpu.memory_space<vmem>>
    %dma_start3A_498 = arith.constant 0 : i32
    %dma_start3A_499 = tpu.memref_slice %arg2[%add3A_495, %dma_start3A_498] : memref<16384x1024xf32, #tpu.memory_space<hbm>> -> memref<1x1024xf32, #tpu.memory_space<hbm>>
    %dma_start3A_500 = tpu.memref_squeeze %dma_start3A_499 : memref<1x1024xf32, #tpu.memory_space<hbm>> -> memref<1024xf32, #tpu.memory_space<hbm>>
    %dma_start3A_501 = arith.constant 41984 : i32
    %dma_start3A_502 = tpu.memref_slice %arg6[%dma_start3A_501] : memref<65536xf32, #tpu.memory_space<vmem>> -> memref<1024xf32, #tpu.memory_space<vmem>>
    %dma_start3A_503 = arith.constant 0 : i32
    %dma_start3A_504 = tpu.memref_slice %arg2[%add3A_495, %dma_start3A_503] : memref<16384x1024xf32, #tpu.memory_space<hbm>> -> memref<1x1024xf32, #tpu.memory_space<hbm>>
    %dma_start3A_505 = tpu.memref_squeeze %dma_start3A_504 : memref<1x1024xf32, #tpu.memory_space<hbm>> -> memref<1024xf32, #tpu.memory_space<hbm>>
    tpu.enqueue_dma source(%dma_start3A_505 : memref<1024xf32, #tpu.memory_space<hbm>>) target(%dma_start3A_502 : memref<1024xf32, #tpu.memory_space<vmem>>) target_semaphore(%arg10 : memref<!tpu.dma_semaphore, #tpu.memory_space<semaphore_mem>>)
    %add3A_506 = arith.constant 42 : i32
    %add3A_507 = arith.addi %mul3A_2, %add3A_506 : i32
    %dma_start3A_508 = arith.constant 43008 : i32
    %dma_start3A_509 = tpu.memref_slice %arg6[%dma_start3A_508] : memref<65536xf32, #tpu.memory_space<vmem>> -> memref<1024xf32, #tpu.memory_space<vmem>>
    %dma_start3A_510 = arith.constant 0 : i32
    %dma_start3A_511 = tpu.memref_slice %arg2[%add3A_507, %dma_start3A_510] : memref<16384x1024xf32, #tpu.memory_space<hbm>> -> memref<1x1024xf32, #tpu.memory_space<hbm>>
    %dma_start3A_512 = tpu.memref_squeeze %dma_start3A_511 : memref<1x1024xf32, #tpu.memory_space<hbm>> -> memref<1024xf32, #tpu.memory_space<hbm>>
    %dma_start3A_513 = arith.constant 43008 : i32
    %dma_start3A_514 = tpu.memref_slice %arg6[%dma_start3A_513] : memref<65536xf32, #tpu.memory_space<vmem>> -> memref<1024xf32, #tpu.memory_space<vmem>>
    %dma_start3A_515 = arith.constant 0 : i32
    %dma_start3A_516 = tpu.memref_slice %arg2[%add3A_507, %dma_start3A_515] : memref<16384x1024xf32, #tpu.memory_space<hbm>> -> memref<1x1024xf32, #tpu.memory_space<hbm>>
    %dma_start3A_517 = tpu.memref_squeeze %dma_start3A_516 : memref<1x1024xf32, #tpu.memory_space<hbm>> -> memref<1024xf32, #tpu.memory_space<hbm>>
    tpu.enqueue_dma source(%dma_start3A_517 : memref<1024xf32, #tpu.memory_space<hbm>>) target(%dma_start3A_514 : memref<1024xf32, #tpu.memory_space<vmem>>) target_semaphore(%arg10 : memref<!tpu.dma_semaphore, #tpu.memory_space<semaphore_mem>>)
    %add3A_518 = arith.constant 43 : i32
    %add3A_519 = arith.addi %mul3A_2, %add3A_518 : i32
    %dma_start3A_520 = arith.constant 44032 : i32
    %dma_start3A_521 = tpu.memref_slice %arg6[%dma_start3A_520] : memref<65536xf32, #tpu.memory_space<vmem>> -> memref<1024xf32, #tpu.memory_space<vmem>>
    %dma_start3A_522 = arith.constant 0 : i32
    %dma_start3A_523 = tpu.memref_slice %arg2[%add3A_519, %dma_start3A_522] : memref<16384x1024xf32, #tpu.memory_space<hbm>> -> memref<1x1024xf32, #tpu.memory_space<hbm>>
    %dma_start3A_524 = tpu.memref_squeeze %dma_start3A_523 : memref<1x1024xf32, #tpu.memory_space<hbm>> -> memref<1024xf32, #tpu.memory_space<hbm>>
    %dma_start3A_525 = arith.constant 44032 : i32
    %dma_start3A_526 = tpu.memref_slice %arg6[%dma_start3A_525] : memref<65536xf32, #tpu.memory_space<vmem>> -> memref<1024xf32, #tpu.memory_space<vmem>>
    %dma_start3A_527 = arith.constant 0 : i32
    %dma_start3A_528 = tpu.memref_slice %arg2[%add3A_519, %dma_start3A_527] : memref<16384x1024xf32, #tpu.memory_space<hbm>> -> memref<1x1024xf32, #tpu.memory_space<hbm>>
    %dma_start3A_529 = tpu.memref_squeeze %dma_start3A_528 : memref<1x1024xf32, #tpu.memory_space<hbm>> -> memref<1024xf32, #tpu.memory_space<hbm>>
    tpu.enqueue_dma source(%dma_start3A_529 : memref<1024xf32, #tpu.memory_space<hbm>>) target(%dma_start3A_526 : memref<1024xf32, #tpu.memory_space<vmem>>) target_semaphore(%arg10 : memref<!tpu.dma_semaphore, #tpu.memory_space<semaphore_mem>>)
    %add3A_530 = arith.constant 44 : i32
    %add3A_531 = arith.addi %mul3A_2, %add3A_530 : i32
    %dma_start3A_532 = arith.constant 45056 : i32
    %dma_start3A_533 = tpu.memref_slice %arg6[%dma_start3A_532] : memref<65536xf32, #tpu.memory_space<vmem>> -> memref<1024xf32, #tpu.memory_space<vmem>>
    %dma_start3A_534 = arith.constant 0 : i32
    %dma_start3A_535 = tpu.memref_slice %arg2[%add3A_531, %dma_start3A_534] : memref<16384x1024xf32, #tpu.memory_space<hbm>> -> memref<1x1024xf32, #tpu.memory_space<hbm>>
    %dma_start3A_536 = tpu.memref_squeeze %dma_start3A_535 : memref<1x1024xf32, #tpu.memory_space<hbm>> -> memref<1024xf32, #tpu.memory_space<hbm>>
    %dma_start3A_537 = arith.constant 45056 : i32
    %dma_start3A_538 = tpu.memref_slice %arg6[%dma_start3A_537] : memref<65536xf32, #tpu.memory_space<vmem>> -> memref<1024xf32, #tpu.memory_space<vmem>>
    %dma_start3A_539 = arith.constant 0 : i32
    %dma_start3A_540 = tpu.memref_slice %arg2[%add3A_531, %dma_start3A_539] : memref<16384x1024xf32, #tpu.memory_space<hbm>> -> memref<1x1024xf32, #tpu.memory_space<hbm>>
    %dma_start3A_541 = tpu.memref_squeeze %dma_start3A_540 : memref<1x1024xf32, #tpu.memory_space<hbm>> -> memref<1024xf32, #tpu.memory_space<hbm>>
    tpu.enqueue_dma source(%dma_start3A_541 : memref<1024xf32, #tpu.memory_space<hbm>>) target(%dma_start3A_538 : memref<1024xf32, #tpu.memory_space<vmem>>) target_semaphore(%arg10 : memref<!tpu.dma_semaphore, #tpu.memory_space<semaphore_mem>>)
    %add3A_542 = arith.constant 45 : i32
    %add3A_543 = arith.addi %mul3A_2, %add3A_542 : i32
    %dma_start3A_544 = arith.constant 46080 : i32
    %dma_start3A_545 = tpu.memref_slice %arg6[%dma_start3A_544] : memref<65536xf32, #tpu.memory_space<vmem>> -> memref<1024xf32, #tpu.memory_space<vmem>>
    %dma_start3A_546 = arith.constant 0 : i32
    %dma_start3A_547 = tpu.memref_slice %arg2[%add3A_543, %dma_start3A_546] : memref<16384x1024xf32, #tpu.memory_space<hbm>> -> memref<1x1024xf32, #tpu.memory_space<hbm>>
    %dma_start3A_548 = tpu.memref_squeeze %dma_start3A_547 : memref<1x1024xf32, #tpu.memory_space<hbm>> -> memref<1024xf32, #tpu.memory_space<hbm>>
    %dma_start3A_549 = arith.constant 46080 : i32
    %dma_start3A_550 = tpu.memref_slice %arg6[%dma_start3A_549] : memref<65536xf32, #tpu.memory_space<vmem>> -> memref<1024xf32, #tpu.memory_space<vmem>>
    %dma_start3A_551 = arith.constant 0 : i32
    %dma_start3A_552 = tpu.memref_slice %arg2[%add3A_543, %dma_start3A_551] : memref<16384x1024xf32, #tpu.memory_space<hbm>> -> memref<1x1024xf32, #tpu.memory_space<hbm>>
    %dma_start3A_553 = tpu.memref_squeeze %dma_start3A_552 : memref<1x1024xf32, #tpu.memory_space<hbm>> -> memref<1024xf32, #tpu.memory_space<hbm>>
    tpu.enqueue_dma source(%dma_start3A_553 : memref<1024xf32, #tpu.memory_space<hbm>>) target(%dma_start3A_550 : memref<1024xf32, #tpu.memory_space<vmem>>) target_semaphore(%arg10 : memref<!tpu.dma_semaphore, #tpu.memory_space<semaphore_mem>>)
    %add3A_554 = arith.constant 46 : i32
    %add3A_555 = arith.addi %mul3A_2, %add3A_554 : i32
    %dma_start3A_556 = arith.constant 47104 : i32
    %dma_start3A_557 = tpu.memref_slice %arg6[%dma_start3A_556] : memref<65536xf32, #tpu.memory_space<vmem>> -> memref<1024xf32, #tpu.memory_space<vmem>>
    %dma_start3A_558 = arith.constant 0 : i32
    %dma_start3A_559 = tpu.memref_slice %arg2[%add3A_555, %dma_start3A_558] : memref<16384x1024xf32, #tpu.memory_space<hbm>> -> memref<1x1024xf32, #tpu.memory_space<hbm>>
    %dma_start3A_560 = tpu.memref_squeeze %dma_start3A_559 : memref<1x1024xf32, #tpu.memory_space<hbm>> -> memref<1024xf32, #tpu.memory_space<hbm>>
    %dma_start3A_561 = arith.constant 47104 : i32
    %dma_start3A_562 = tpu.memref_slice %arg6[%dma_start3A_561] : memref<65536xf32, #tpu.memory_space<vmem>> -> memref<1024xf32, #tpu.memory_space<vmem>>
    %dma_start3A_563 = arith.constant 0 : i32
    %dma_start3A_564 = tpu.memref_slice %arg2[%add3A_555, %dma_start3A_563] : memref<16384x1024xf32, #tpu.memory_space<hbm>> -> memref<1x1024xf32, #tpu.memory_space<hbm>>
    %dma_start3A_565 = tpu.memref_squeeze %dma_start3A_564 : memref<1x1024xf32, #tpu.memory_space<hbm>> -> memref<1024xf32, #tpu.memory_space<hbm>>
    tpu.enqueue_dma source(%dma_start3A_565 : memref<1024xf32, #tpu.memory_space<hbm>>) target(%dma_start3A_562 : memref<1024xf32, #tpu.memory_space<vmem>>) target_semaphore(%arg10 : memref<!tpu.dma_semaphore, #tpu.memory_space<semaphore_mem>>)
    %add3A_566 = arith.constant 47 : i32
    %add3A_567 = arith.addi %mul3A_2, %add3A_566 : i32
    %dma_start3A_568 = arith.constant 48128 : i32
    %dma_start3A_569 = tpu.memref_slice %arg6[%dma_start3A_568] : memref<65536xf32, #tpu.memory_space<vmem>> -> memref<1024xf32, #tpu.memory_space<vmem>>
    %dma_start3A_570 = arith.constant 0 : i32
    %dma_start3A_571 = tpu.memref_slice %arg2[%add3A_567, %dma_start3A_570] : memref<16384x1024xf32, #tpu.memory_space<hbm>> -> memref<1x1024xf32, #tpu.memory_space<hbm>>
    %dma_start3A_572 = tpu.memref_squeeze %dma_start3A_571 : memref<1x1024xf32, #tpu.memory_space<hbm>> -> memref<1024xf32, #tpu.memory_space<hbm>>
    %dma_start3A_573 = arith.constant 48128 : i32
    %dma_start3A_574 = tpu.memref_slice %arg6[%dma_start3A_573] : memref<65536xf32, #tpu.memory_space<vmem>> -> memref<1024xf32, #tpu.memory_space<vmem>>
    %dma_start3A_575 = arith.constant 0 : i32
    %dma_start3A_576 = tpu.memref_slice %arg2[%add3A_567, %dma_start3A_575] : memref<16384x1024xf32, #tpu.memory_space<hbm>> -> memref<1x1024xf32, #tpu.memory_space<hbm>>
    %dma_start3A_577 = tpu.memref_squeeze %dma_start3A_576 : memref<1x1024xf32, #tpu.memory_space<hbm>> -> memref<1024xf32, #tpu.memory_space<hbm>>
    tpu.enqueue_dma source(%dma_start3A_577 : memref<1024xf32, #tpu.memory_space<hbm>>) target(%dma_start3A_574 : memref<1024xf32, #tpu.memory_space<vmem>>) target_semaphore(%arg10 : memref<!tpu.dma_semaphore, #tpu.memory_space<semaphore_mem>>)
    %add3A_578 = arith.constant 48 : i32
    %add3A_579 = arith.addi %mul3A_2, %add3A_578 : i32
    %dma_start3A_580 = arith.constant 49152 : i32
    %dma_start3A_581 = tpu.memref_slice %arg6[%dma_start3A_580] : memref<65536xf32, #tpu.memory_space<vmem>> -> memref<1024xf32, #tpu.memory_space<vmem>>
    %dma_start3A_582 = arith.constant 0 : i32
    %dma_start3A_583 = tpu.memref_slice %arg2[%add3A_579, %dma_start3A_582] : memref<16384x1024xf32, #tpu.memory_space<hbm>> -> memref<1x1024xf32, #tpu.memory_space<hbm>>
    %dma_start3A_584 = tpu.memref_squeeze %dma_start3A_583 : memref<1x1024xf32, #tpu.memory_space<hbm>> -> memref<1024xf32, #tpu.memory_space<hbm>>
    %dma_start3A_585 = arith.constant 49152 : i32
    %dma_start3A_586 = tpu.memref_slice %arg6[%dma_start3A_585] : memref<65536xf32, #tpu.memory_space<vmem>> -> memref<1024xf32, #tpu.memory_space<vmem>>
    %dma_start3A_587 = arith.constant 0 : i32
    %dma_start3A_588 = tpu.memref_slice %arg2[%add3A_579, %dma_start3A_587] : memref<16384x1024xf32, #tpu.memory_space<hbm>> -> memref<1x1024xf32, #tpu.memory_space<hbm>>
    %dma_start3A_589 = tpu.memref_squeeze %dma_start3A_588 : memref<1x1024xf32, #tpu.memory_space<hbm>> -> memref<1024xf32, #tpu.memory_space<hbm>>
    tpu.enqueue_dma source(%dma_start3A_589 : memref<1024xf32, #tpu.memory_space<hbm>>) target(%dma_start3A_586 : memref<1024xf32, #tpu.memory_space<vmem>>) target_semaphore(%arg10 : memref<!tpu.dma_semaphore, #tpu.memory_space<semaphore_mem>>)
    %add3A_590 = arith.constant 49 : i32
    %add3A_591 = arith.addi %mul3A_2, %add3A_590 : i32
    %dma_start3A_592 = arith.constant 50176 : i32
    %dma_start3A_593 = tpu.memref_slice %arg6[%dma_start3A_592] : memref<65536xf32, #tpu.memory_space<vmem>> -> memref<1024xf32, #tpu.memory_space<vmem>>
    %dma_start3A_594 = arith.constant 0 : i32
    %dma_start3A_595 = tpu.memref_slice %arg2[%add3A_591, %dma_start3A_594] : memref<16384x1024xf32, #tpu.memory_space<hbm>> -> memref<1x1024xf32, #tpu.memory_space<hbm>>
    %dma_start3A_596 = tpu.memref_squeeze %dma_start3A_595 : memref<1x1024xf32, #tpu.memory_space<hbm>> -> memref<1024xf32, #tpu.memory_space<hbm>>
    %dma_start3A_597 = arith.constant 50176 : i32
    %dma_start3A_598 = tpu.memref_slice %arg6[%dma_start3A_597] : memref<65536xf32, #tpu.memory_space<vmem>> -> memref<1024xf32, #tpu.memory_space<vmem>>
    %dma_start3A_599 = arith.constant 0 : i32
    %dma_start3A_600 = tpu.memref_slice %arg2[%add3A_591, %dma_start3A_599] : memref<16384x1024xf32, #tpu.memory_space<hbm>> -> memref<1x1024xf32, #tpu.memory_space<hbm>>
    %dma_start3A_601 = tpu.memref_squeeze %dma_start3A_600 : memref<1x1024xf32, #tpu.memory_space<hbm>> -> memref<1024xf32, #tpu.memory_space<hbm>>
    tpu.enqueue_dma source(%dma_start3A_601 : memref<1024xf32, #tpu.memory_space<hbm>>) target(%dma_start3A_598 : memref<1024xf32, #tpu.memory_space<vmem>>) target_semaphore(%arg10 : memref<!tpu.dma_semaphore, #tpu.memory_space<semaphore_mem>>)
    %add3A_602 = arith.constant 50 : i32
    %add3A_603 = arith.addi %mul3A_2, %add3A_602 : i32
    %dma_start3A_604 = arith.constant 51200 : i32
    %dma_start3A_605 = tpu.memref_slice %arg6[%dma_start3A_604] : memref<65536xf32, #tpu.memory_space<vmem>> -> memref<1024xf32, #tpu.memory_space<vmem>>
    %dma_start3A_606 = arith.constant 0 : i32
    %dma_start3A_607 = tpu.memref_slice %arg2[%add3A_603, %dma_start3A_606] : memref<16384x1024xf32, #tpu.memory_space<hbm>> -> memref<1x1024xf32, #tpu.memory_space<hbm>>
    %dma_start3A_608 = tpu.memref_squeeze %dma_start3A_607 : memref<1x1024xf32, #tpu.memory_space<hbm>> -> memref<1024xf32, #tpu.memory_space<hbm>>
    %dma_start3A_609 = arith.constant 51200 : i32
    %dma_start3A_610 = tpu.memref_slice %arg6[%dma_start3A_609] : memref<65536xf32, #tpu.memory_space<vmem>> -> memref<1024xf32, #tpu.memory_space<vmem>>
    %dma_start3A_611 = arith.constant 0 : i32
    %dma_start3A_612 = tpu.memref_slice %arg2[%add3A_603, %dma_start3A_611] : memref<16384x1024xf32, #tpu.memory_space<hbm>> -> memref<1x1024xf32, #tpu.memory_space<hbm>>
    %dma_start3A_613 = tpu.memref_squeeze %dma_start3A_612 : memref<1x1024xf32, #tpu.memory_space<hbm>> -> memref<1024xf32, #tpu.memory_space<hbm>>
    tpu.enqueue_dma source(%dma_start3A_613 : memref<1024xf32, #tpu.memory_space<hbm>>) target(%dma_start3A_610 : memref<1024xf32, #tpu.memory_space<vmem>>) target_semaphore(%arg10 : memref<!tpu.dma_semaphore, #tpu.memory_space<semaphore_mem>>)
    %add3A_614 = arith.constant 51 : i32
    %add3A_615 = arith.addi %mul3A_2, %add3A_614 : i32
    %dma_start3A_616 = arith.constant 52224 : i32
    %dma_start3A_617 = tpu.memref_slice %arg6[%dma_start3A_616] : memref<65536xf32, #tpu.memory_space<vmem>> -> memref<1024xf32, #tpu.memory_space<vmem>>
    %dma_start3A_618 = arith.constant 0 : i32
    %dma_start3A_619 = tpu.memref_slice %arg2[%add3A_615, %dma_start3A_618] : memref<16384x1024xf32, #tpu.memory_space<hbm>> -> memref<1x1024xf32, #tpu.memory_space<hbm>>
    %dma_start3A_620 = tpu.memref_squeeze %dma_start3A_619 : memref<1x1024xf32, #tpu.memory_space<hbm>> -> memref<1024xf32, #tpu.memory_space<hbm>>
    %dma_start3A_621 = arith.constant 52224 : i32
    %dma_start3A_622 = tpu.memref_slice %arg6[%dma_start3A_621] : memref<65536xf32, #tpu.memory_space<vmem>> -> memref<1024xf32, #tpu.memory_space<vmem>>
    %dma_start3A_623 = arith.constant 0 : i32
    %dma_start3A_624 = tpu.memref_slice %arg2[%add3A_615, %dma_start3A_623] : memref<16384x1024xf32, #tpu.memory_space<hbm>> -> memref<1x1024xf32, #tpu.memory_space<hbm>>
    %dma_start3A_625 = tpu.memref_squeeze %dma_start3A_624 : memref<1x1024xf32, #tpu.memory_space<hbm>> -> memref<1024xf32, #tpu.memory_space<hbm>>
    tpu.enqueue_dma source(%dma_start3A_625 : memref<1024xf32, #tpu.memory_space<hbm>>) target(%dma_start3A_622 : memref<1024xf32, #tpu.memory_space<vmem>>) target_semaphore(%arg10 : memref<!tpu.dma_semaphore, #tpu.memory_space<semaphore_mem>>)
    %add3A_626 = arith.constant 52 : i32
    %add3A_627 = arith.addi %mul3A_2, %add3A_626 : i32
    %dma_start3A_628 = arith.constant 53248 : i32
    %dma_start3A_629 = tpu.memref_slice %arg6[%dma_start3A_628] : memref<65536xf32, #tpu.memory_space<vmem>> -> memref<1024xf32, #tpu.memory_space<vmem>>
    %dma_start3A_630 = arith.constant 0 : i32
    %dma_start3A_631 = tpu.memref_slice %arg2[%add3A_627, %dma_start3A_630] : memref<16384x1024xf32, #tpu.memory_space<hbm>> -> memref<1x1024xf32, #tpu.memory_space<hbm>>
    %dma_start3A_632 = tpu.memref_squeeze %dma_start3A_631 : memref<1x1024xf32, #tpu.memory_space<hbm>> -> memref<1024xf32, #tpu.memory_space<hbm>>
    %dma_start3A_633 = arith.constant 53248 : i32
    %dma_start3A_634 = tpu.memref_slice %arg6[%dma_start3A_633] : memref<65536xf32, #tpu.memory_space<vmem>> -> memref<1024xf32, #tpu.memory_space<vmem>>
    %dma_start3A_635 = arith.constant 0 : i32
    %dma_start3A_636 = tpu.memref_slice %arg2[%add3A_627, %dma_start3A_635] : memref<16384x1024xf32, #tpu.memory_space<hbm>> -> memref<1x1024xf32, #tpu.memory_space<hbm>>
    %dma_start3A_637 = tpu.memref_squeeze %dma_start3A_636 : memref<1x1024xf32, #tpu.memory_space<hbm>> -> memref<1024xf32, #tpu.memory_space<hbm>>
    tpu.enqueue_dma source(%dma_start3A_637 : memref<1024xf32, #tpu.memory_space<hbm>>) target(%dma_start3A_634 : memref<1024xf32, #tpu.memory_space<vmem>>) target_semaphore(%arg10 : memref<!tpu.dma_semaphore, #tpu.memory_space<semaphore_mem>>)
    %add3A_638 = arith.constant 53 : i32
    %add3A_639 = arith.addi %mul3A_2, %add3A_638 : i32
    %dma_start3A_640 = arith.constant 54272 : i32
    %dma_start3A_641 = tpu.memref_slice %arg6[%dma_start3A_640] : memref<65536xf32, #tpu.memory_space<vmem>> -> memref<1024xf32, #tpu.memory_space<vmem>>
    %dma_start3A_642 = arith.constant 0 : i32
    %dma_start3A_643 = tpu.memref_slice %arg2[%add3A_639, %dma_start3A_642] : memref<16384x1024xf32, #tpu.memory_space<hbm>> -> memref<1x1024xf32, #tpu.memory_space<hbm>>
    %dma_start3A_644 = tpu.memref_squeeze %dma_start3A_643 : memref<1x1024xf32, #tpu.memory_space<hbm>> -> memref<1024xf32, #tpu.memory_space<hbm>>
    %dma_start3A_645 = arith.constant 54272 : i32
    %dma_start3A_646 = tpu.memref_slice %arg6[%dma_start3A_645] : memref<65536xf32, #tpu.memory_space<vmem>> -> memref<1024xf32, #tpu.memory_space<vmem>>
    %dma_start3A_647 = arith.constant 0 : i32
    %dma_start3A_648 = tpu.memref_slice %arg2[%add3A_639, %dma_start3A_647] : memref<16384x1024xf32, #tpu.memory_space<hbm>> -> memref<1x1024xf32, #tpu.memory_space<hbm>>
    %dma_start3A_649 = tpu.memref_squeeze %dma_start3A_648 : memref<1x1024xf32, #tpu.memory_space<hbm>> -> memref<1024xf32, #tpu.memory_space<hbm>>
    tpu.enqueue_dma source(%dma_start3A_649 : memref<1024xf32, #tpu.memory_space<hbm>>) target(%dma_start3A_646 : memref<1024xf32, #tpu.memory_space<vmem>>) target_semaphore(%arg10 : memref<!tpu.dma_semaphore, #tpu.memory_space<semaphore_mem>>)
    %add3A_650 = arith.constant 54 : i32
    %add3A_651 = arith.addi %mul3A_2, %add3A_650 : i32
    %dma_start3A_652 = arith.constant 55296 : i32
    %dma_start3A_653 = tpu.memref_slice %arg6[%dma_start3A_652] : memref<65536xf32, #tpu.memory_space<vmem>> -> memref<1024xf32, #tpu.memory_space<vmem>>
    %dma_start3A_654 = arith.constant 0 : i32
    %dma_start3A_655 = tpu.memref_slice %arg2[%add3A_651, %dma_start3A_654] : memref<16384x1024xf32, #tpu.memory_space<hbm>> -> memref<1x1024xf32, #tpu.memory_space<hbm>>
    %dma_start3A_656 = tpu.memref_squeeze %dma_start3A_655 : memref<1x1024xf32, #tpu.memory_space<hbm>> -> memref<1024xf32, #tpu.memory_space<hbm>>
    %dma_start3A_657 = arith.constant 55296 : i32
    %dma_start3A_658 = tpu.memref_slice %arg6[%dma_start3A_657] : memref<65536xf32, #tpu.memory_space<vmem>> -> memref<1024xf32, #tpu.memory_space<vmem>>
    %dma_start3A_659 = arith.constant 0 : i32
    %dma_start3A_660 = tpu.memref_slice %arg2[%add3A_651, %dma_start3A_659] : memref<16384x1024xf32, #tpu.memory_space<hbm>> -> memref<1x1024xf32, #tpu.memory_space<hbm>>
    %dma_start3A_661 = tpu.memref_squeeze %dma_start3A_660 : memref<1x1024xf32, #tpu.memory_space<hbm>> -> memref<1024xf32, #tpu.memory_space<hbm>>
    tpu.enqueue_dma source(%dma_start3A_661 : memref<1024xf32, #tpu.memory_space<hbm>>) target(%dma_start3A_658 : memref<1024xf32, #tpu.memory_space<vmem>>) target_semaphore(%arg10 : memref<!tpu.dma_semaphore, #tpu.memory_space<semaphore_mem>>)
    %add3A_662 = arith.constant 55 : i32
    %add3A_663 = arith.addi %mul3A_2, %add3A_662 : i32
    %dma_start3A_664 = arith.constant 56320 : i32
    %dma_start3A_665 = tpu.memref_slice %arg6[%dma_start3A_664] : memref<65536xf32, #tpu.memory_space<vmem>> -> memref<1024xf32, #tpu.memory_space<vmem>>
    %dma_start3A_666 = arith.constant 0 : i32
    %dma_start3A_667 = tpu.memref_slice %arg2[%add3A_663, %dma_start3A_666] : memref<16384x1024xf32, #tpu.memory_space<hbm>> -> memref<1x1024xf32, #tpu.memory_space<hbm>>
    %dma_start3A_668 = tpu.memref_squeeze %dma_start3A_667 : memref<1x1024xf32, #tpu.memory_space<hbm>> -> memref<1024xf32, #tpu.memory_space<hbm>>
    %dma_start3A_669 = arith.constant 56320 : i32
    %dma_start3A_670 = tpu.memref_slice %arg6[%dma_start3A_669] : memref<65536xf32, #tpu.memory_space<vmem>> -> memref<1024xf32, #tpu.memory_space<vmem>>
    %dma_start3A_671 = arith.constant 0 : i32
    %dma_start3A_672 = tpu.memref_slice %arg2[%add3A_663, %dma_start3A_671] : memref<16384x1024xf32, #tpu.memory_space<hbm>> -> memref<1x1024xf32, #tpu.memory_space<hbm>>
    %dma_start3A_673 = tpu.memref_squeeze %dma_start3A_672 : memref<1x1024xf32, #tpu.memory_space<hbm>> -> memref<1024xf32, #tpu.memory_space<hbm>>
    tpu.enqueue_dma source(%dma_start3A_673 : memref<1024xf32, #tpu.memory_space<hbm>>) target(%dma_start3A_670 : memref<1024xf32, #tpu.memory_space<vmem>>) target_semaphore(%arg10 : memref<!tpu.dma_semaphore, #tpu.memory_space<semaphore_mem>>)
    %add3A_674 = arith.constant 56 : i32
    %add3A_675 = arith.addi %mul3A_2, %add3A_674 : i32
    %dma_start3A_676 = arith.constant 57344 : i32
    %dma_start3A_677 = tpu.memref_slice %arg6[%dma_start3A_676] : memref<65536xf32, #tpu.memory_space<vmem>> -> memref<1024xf32, #tpu.memory_space<vmem>>
    %dma_start3A_678 = arith.constant 0 : i32
    %dma_start3A_679 = tpu.memref_slice %arg2[%add3A_675, %dma_start3A_678] : memref<16384x1024xf32, #tpu.memory_space<hbm>> -> memref<1x1024xf32, #tpu.memory_space<hbm>>
    %dma_start3A_680 = tpu.memref_squeeze %dma_start3A_679 : memref<1x1024xf32, #tpu.memory_space<hbm>> -> memref<1024xf32, #tpu.memory_space<hbm>>
    %dma_start3A_681 = arith.constant 57344 : i32
    %dma_start3A_682 = tpu.memref_slice %arg6[%dma_start3A_681] : memref<65536xf32, #tpu.memory_space<vmem>> -> memref<1024xf32, #tpu.memory_space<vmem>>
    %dma_start3A_683 = arith.constant 0 : i32
    %dma_start3A_684 = tpu.memref_slice %arg2[%add3A_675, %dma_start3A_683] : memref<16384x1024xf32, #tpu.memory_space<hbm>> -> memref<1x1024xf32, #tpu.memory_space<hbm>>
    %dma_start3A_685 = tpu.memref_squeeze %dma_start3A_684 : memref<1x1024xf32, #tpu.memory_space<hbm>> -> memref<1024xf32, #tpu.memory_space<hbm>>
    tpu.enqueue_dma source(%dma_start3A_685 : memref<1024xf32, #tpu.memory_space<hbm>>) target(%dma_start3A_682 : memref<1024xf32, #tpu.memory_space<vmem>>) target_semaphore(%arg10 : memref<!tpu.dma_semaphore, #tpu.memory_space<semaphore_mem>>)
    %add3A_686 = arith.constant 57 : i32
    %add3A_687 = arith.addi %mul3A_2, %add3A_686 : i32
    %dma_start3A_688 = arith.constant 58368 : i32
    %dma_start3A_689 = tpu.memref_slice %arg6[%dma_start3A_688] : memref<65536xf32, #tpu.memory_space<vmem>> -> memref<1024xf32, #tpu.memory_space<vmem>>
    %dma_start3A_690 = arith.constant 0 : i32
    %dma_start3A_691 = tpu.memref_slice %arg2[%add3A_687, %dma_start3A_690] : memref<16384x1024xf32, #tpu.memory_space<hbm>> -> memref<1x1024xf32, #tpu.memory_space<hbm>>
    %dma_start3A_692 = tpu.memref_squeeze %dma_start3A_691 : memref<1x1024xf32, #tpu.memory_space<hbm>> -> memref<1024xf32, #tpu.memory_space<hbm>>
    %dma_start3A_693 = arith.constant 58368 : i32
    %dma_start3A_694 = tpu.memref_slice %arg6[%dma_start3A_693] : memref<65536xf32, #tpu.memory_space<vmem>> -> memref<1024xf32, #tpu.memory_space<vmem>>
    %dma_start3A_695 = arith.constant 0 : i32
    %dma_start3A_696 = tpu.memref_slice %arg2[%add3A_687, %dma_start3A_695] : memref<16384x1024xf32, #tpu.memory_space<hbm>> -> memref<1x1024xf32, #tpu.memory_space<hbm>>
    %dma_start3A_697 = tpu.memref_squeeze %dma_start3A_696 : memref<1x1024xf32, #tpu.memory_space<hbm>> -> memref<1024xf32, #tpu.memory_space<hbm>>
    tpu.enqueue_dma source(%dma_start3A_697 : memref<1024xf32, #tpu.memory_space<hbm>>) target(%dma_start3A_694 : memref<1024xf32, #tpu.memory_space<vmem>>) target_semaphore(%arg10 : memref<!tpu.dma_semaphore, #tpu.memory_space<semaphore_mem>>)
    %add3A_698 = arith.constant 58 : i32
    %add3A_699 = arith.addi %mul3A_2, %add3A_698 : i32
    %dma_start3A_700 = arith.constant 59392 : i32
    %dma_start3A_701 = tpu.memref_slice %arg6[%dma_start3A_700] : memref<65536xf32, #tpu.memory_space<vmem>> -> memref<1024xf32, #tpu.memory_space<vmem>>
    %dma_start3A_702 = arith.constant 0 : i32
    %dma_start3A_703 = tpu.memref_slice %arg2[%add3A_699, %dma_start3A_702] : memref<16384x1024xf32, #tpu.memory_space<hbm>> -> memref<1x1024xf32, #tpu.memory_space<hbm>>
    %dma_start3A_704 = tpu.memref_squeeze %dma_start3A_703 : memref<1x1024xf32, #tpu.memory_space<hbm>> -> memref<1024xf32, #tpu.memory_space<hbm>>
    %dma_start3A_705 = arith.constant 59392 : i32
    %dma_start3A_706 = tpu.memref_slice %arg6[%dma_start3A_705] : memref<65536xf32, #tpu.memory_space<vmem>> -> memref<1024xf32, #tpu.memory_space<vmem>>
    %dma_start3A_707 = arith.constant 0 : i32
    %dma_start3A_708 = tpu.memref_slice %arg2[%add3A_699, %dma_start3A_707] : memref<16384x1024xf32, #tpu.memory_space<hbm>> -> memref<1x1024xf32, #tpu.memory_space<hbm>>
    %dma_start3A_709 = tpu.memref_squeeze %dma_start3A_708 : memref<1x1024xf32, #tpu.memory_space<hbm>> -> memref<1024xf32, #tpu.memory_space<hbm>>
    tpu.enqueue_dma source(%dma_start3A_709 : memref<1024xf32, #tpu.memory_space<hbm>>) target(%dma_start3A_706 : memref<1024xf32, #tpu.memory_space<vmem>>) target_semaphore(%arg10 : memref<!tpu.dma_semaphore, #tpu.memory_space<semaphore_mem>>)
    %add3A_710 = arith.constant 59 : i32
    %add3A_711 = arith.addi %mul3A_2, %add3A_710 : i32
    %dma_start3A_712 = arith.constant 60416 : i32
    %dma_start3A_713 = tpu.memref_slice %arg6[%dma_start3A_712] : memref<65536xf32, #tpu.memory_space<vmem>> -> memref<1024xf32, #tpu.memory_space<vmem>>
    %dma_start3A_714 = arith.constant 0 : i32
    %dma_start3A_715 = tpu.memref_slice %arg2[%add3A_711, %dma_start3A_714] : memref<16384x1024xf32, #tpu.memory_space<hbm>> -> memref<1x1024xf32, #tpu.memory_space<hbm>>
    %dma_start3A_716 = tpu.memref_squeeze %dma_start3A_715 : memref<1x1024xf32, #tpu.memory_space<hbm>> -> memref<1024xf32, #tpu.memory_space<hbm>>
    %dma_start3A_717 = arith.constant 60416 : i32
    %dma_start3A_718 = tpu.memref_slice %arg6[%dma_start3A_717] : memref<65536xf32, #tpu.memory_space<vmem>> -> memref<1024xf32, #tpu.memory_space<vmem>>
    %dma_start3A_719 = arith.constant 0 : i32
    %dma_start3A_720 = tpu.memref_slice %arg2[%add3A_711, %dma_start3A_719] : memref<16384x1024xf32, #tpu.memory_space<hbm>> -> memref<1x1024xf32, #tpu.memory_space<hbm>>
    %dma_start3A_721 = tpu.memref_squeeze %dma_start3A_720 : memref<1x1024xf32, #tpu.memory_space<hbm>> -> memref<1024xf32, #tpu.memory_space<hbm>>
    tpu.enqueue_dma source(%dma_start3A_721 : memref<1024xf32, #tpu.memory_space<hbm>>) target(%dma_start3A_718 : memref<1024xf32, #tpu.memory_space<vmem>>) target_semaphore(%arg10 : memref<!tpu.dma_semaphore, #tpu.memory_space<semaphore_mem>>)
    %add3A_722 = arith.constant 60 : i32
    %add3A_723 = arith.addi %mul3A_2, %add3A_722 : i32
    %dma_start3A_724 = arith.constant 61440 : i32
    %dma_start3A_725 = tpu.memref_slice %arg6[%dma_start3A_724] : memref<65536xf32, #tpu.memory_space<vmem>> -> memref<1024xf32, #tpu.memory_space<vmem>>
    %dma_start3A_726 = arith.constant 0 : i32
    %dma_start3A_727 = tpu.memref_slice %arg2[%add3A_723, %dma_start3A_726] : memref<16384x1024xf32, #tpu.memory_space<hbm>> -> memref<1x1024xf32, #tpu.memory_space<hbm>>
    %dma_start3A_728 = tpu.memref_squeeze %dma_start3A_727 : memref<1x1024xf32, #tpu.memory_space<hbm>> -> memref<1024xf32, #tpu.memory_space<hbm>>
    %dma_start3A_729 = arith.constant 61440 : i32
    %dma_start3A_730 = tpu.memref_slice %arg6[%dma_start3A_729] : memref<65536xf32, #tpu.memory_space<vmem>> -> memref<1024xf32, #tpu.memory_space<vmem>>
    %dma_start3A_731 = arith.constant 0 : i32
    %dma_start3A_732 = tpu.memref_slice %arg2[%add3A_723, %dma_start3A_731] : memref<16384x1024xf32, #tpu.memory_space<hbm>> -> memref<1x1024xf32, #tpu.memory_space<hbm>>
    %dma_start3A_733 = tpu.memref_squeeze %dma_start3A_732 : memref<1x1024xf32, #tpu.memory_space<hbm>> -> memref<1024xf32, #tpu.memory_space<hbm>>
    tpu.enqueue_dma source(%dma_start3A_733 : memref<1024xf32, #tpu.memory_space<hbm>>) target(%dma_start3A_730 : memref<1024xf32, #tpu.memory_space<vmem>>) target_semaphore(%arg10 : memref<!tpu.dma_semaphore, #tpu.memory_space<semaphore_mem>>)
    %add3A_734 = arith.constant 61 : i32
    %add3A_735 = arith.addi %mul3A_2, %add3A_734 : i32
    %dma_start3A_736 = arith.constant 62464 : i32
    %dma_start3A_737 = tpu.memref_slice %arg6[%dma_start3A_736] : memref<65536xf32, #tpu.memory_space<vmem>> -> memref<1024xf32, #tpu.memory_space<vmem>>
    %dma_start3A_738 = arith.constant 0 : i32
    %dma_start3A_739 = tpu.memref_slice %arg2[%add3A_735, %dma_start3A_738] : memref<16384x1024xf32, #tpu.memory_space<hbm>> -> memref<1x1024xf32, #tpu.memory_space<hbm>>
    %dma_start3A_740 = tpu.memref_squeeze %dma_start3A_739 : memref<1x1024xf32, #tpu.memory_space<hbm>> -> memref<1024xf32, #tpu.memory_space<hbm>>
    %dma_start3A_741 = arith.constant 62464 : i32
    %dma_start3A_742 = tpu.memref_slice %arg6[%dma_start3A_741] : memref<65536xf32, #tpu.memory_space<vmem>> -> memref<1024xf32, #tpu.memory_space<vmem>>
    %dma_start3A_743 = arith.constant 0 : i32
    %dma_start3A_744 = tpu.memref_slice %arg2[%add3A_735, %dma_start3A_743] : memref<16384x1024xf32, #tpu.memory_space<hbm>> -> memref<1x1024xf32, #tpu.memory_space<hbm>>
    %dma_start3A_745 = tpu.memref_squeeze %dma_start3A_744 : memref<1x1024xf32, #tpu.memory_space<hbm>> -> memref<1024xf32, #tpu.memory_space<hbm>>
    tpu.enqueue_dma source(%dma_start3A_745 : memref<1024xf32, #tpu.memory_space<hbm>>) target(%dma_start3A_742 : memref<1024xf32, #tpu.memory_space<vmem>>) target_semaphore(%arg10 : memref<!tpu.dma_semaphore, #tpu.memory_space<semaphore_mem>>)
    %add3A_746 = arith.constant 62 : i32
    %add3A_747 = arith.addi %mul3A_2, %add3A_746 : i32
    %dma_start3A_748 = arith.constant 63488 : i32
    %dma_start3A_749 = tpu.memref_slice %arg6[%dma_start3A_748] : memref<65536xf32, #tpu.memory_space<vmem>> -> memref<1024xf32, #tpu.memory_space<vmem>>
    %dma_start3A_750 = arith.constant 0 : i32
    %dma_start3A_751 = tpu.memref_slice %arg2[%add3A_747, %dma_start3A_750] : memref<16384x1024xf32, #tpu.memory_space<hbm>> -> memref<1x1024xf32, #tpu.memory_space<hbm>>
    %dma_start3A_752 = tpu.memref_squeeze %dma_start3A_751 : memref<1x1024xf32, #tpu.memory_space<hbm>> -> memref<1024xf32, #tpu.memory_space<hbm>>
    %dma_start3A_753 = arith.constant 63488 : i32
    %dma_start3A_754 = tpu.memref_slice %arg6[%dma_start3A_753] : memref<65536xf32, #tpu.memory_space<vmem>> -> memref<1024xf32, #tpu.memory_space<vmem>>
    %dma_start3A_755 = arith.constant 0 : i32
    %dma_start3A_756 = tpu.memref_slice %arg2[%add3A_747, %dma_start3A_755] : memref<16384x1024xf32, #tpu.memory_space<hbm>> -> memref<1x1024xf32, #tpu.memory_space<hbm>>
    %dma_start3A_757 = tpu.memref_squeeze %dma_start3A_756 : memref<1x1024xf32, #tpu.memory_space<hbm>> -> memref<1024xf32, #tpu.memory_space<hbm>>
    tpu.enqueue_dma source(%dma_start3A_757 : memref<1024xf32, #tpu.memory_space<hbm>>) target(%dma_start3A_754 : memref<1024xf32, #tpu.memory_space<vmem>>) target_semaphore(%arg10 : memref<!tpu.dma_semaphore, #tpu.memory_space<semaphore_mem>>)
    %add3A_758 = arith.constant 63 : i32
    %add3A_759 = arith.addi %mul3A_2, %add3A_758 : i32
    %dma_start3A_760 = arith.constant 64512 : i32
    %dma_start3A_761 = tpu.memref_slice %arg6[%dma_start3A_760] : memref<65536xf32, #tpu.memory_space<vmem>> -> memref<1024xf32, #tpu.memory_space<vmem>>
    %dma_start3A_762 = arith.constant 0 : i32
    %dma_start3A_763 = tpu.memref_slice %arg2[%add3A_759, %dma_start3A_762] : memref<16384x1024xf32, #tpu.memory_space<hbm>> -> memref<1x1024xf32, #tpu.memory_space<hbm>>
    %dma_start3A_764 = tpu.memref_squeeze %dma_start3A_763 : memref<1x1024xf32, #tpu.memory_space<hbm>> -> memref<1024xf32, #tpu.memory_space<hbm>>
    %dma_start3A_765 = arith.constant 64512 : i32
    %dma_start3A_766 = tpu.memref_slice %arg6[%dma_start3A_765] : memref<65536xf32, #tpu.memory_space<vmem>> -> memref<1024xf32, #tpu.memory_space<vmem>>
    %dma_start3A_767 = arith.constant 0 : i32
    %dma_start3A_768 = tpu.memref_slice %arg2[%add3A_759, %dma_start3A_767] : memref<16384x1024xf32, #tpu.memory_space<hbm>> -> memref<1x1024xf32, #tpu.memory_space<hbm>>
    %dma_start3A_769 = tpu.memref_squeeze %dma_start3A_768 : memref<1x1024xf32, #tpu.memory_space<hbm>> -> memref<1024xf32, #tpu.memory_space<hbm>>
    tpu.enqueue_dma source(%dma_start3A_769 : memref<1024xf32, #tpu.memory_space<hbm>>) target(%dma_start3A_766 : memref<1024xf32, #tpu.memory_space<vmem>>) target_semaphore(%arg10 : memref<!tpu.dma_semaphore, #tpu.memory_space<semaphore_mem>>)
    "tpu.region"() ({
      %run_scoped3A = tpu.sem_alloc : memref<!tpu.dma_semaphore, #tpu.memory_space<semaphore_mem>>
      %dma_start3A_1418 = tpu.memref_slice %arg3[%mul3A_2] : memref<16384xi32, #tpu.memory_space<hbm>> -> memref<64xi32, #tpu.memory_space<hbm>>
      %dma_start3A_1419 = tpu.memref_slice %arg3[%mul3A_2] : memref<16384xi32, #tpu.memory_space<hbm>> -> memref<64xi32, #tpu.memory_space<hbm>>
      tpu.enqueue_dma source(%dma_start3A_1419 : memref<64xi32, #tpu.memory_space<hbm>>) target(%arg7 : memref<64xi32, #tpu.memory_space<vmem>>) target_semaphore(%run_scoped3A : memref<!tpu.dma_semaphore, #tpu.memory_space<semaphore_mem>>)
      %dma_wait3A_1420 = tpu.memref_slice %arg3[%mul3A_2] : memref<16384xi32, #tpu.memory_space<hbm>> -> memref<64xi32, #tpu.memory_space<hbm>>
      %dma_wait3A_1421 = tpu.memref_slice %arg3[%mul3A_2] : memref<16384xi32, #tpu.memory_space<hbm>> -> memref<64xi32, #tpu.memory_space<hbm>>
      tpu.wait_dma2 semaphore(%run_scoped3A : memref<!tpu.dma_semaphore, #tpu.memory_space<semaphore_mem>>) src(%dma_wait3A_1421 : memref<64xi32, #tpu.memory_space<hbm>>) dst(%arg7 : memref<64xi32, #tpu.memory_space<vmem>>)
      tpu.yield
    }) : () -> ()
    "tpu.region"() ({
      %run_scoped3A = tpu.sem_alloc : memref<!tpu.dma_semaphore, #tpu.memory_space<semaphore_mem>>
      %dma_start3A_1418 = tpu.memref_slice %arg4[%mul3A_2] : memref<16384xf32, #tpu.memory_space<hbm>> -> memref<64xf32, #tpu.memory_space<hbm>>
      %dma_start3A_1419 = tpu.memref_slice %arg4[%mul3A_2] : memref<16384xf32, #tpu.memory_space<hbm>> -> memref<64xf32, #tpu.memory_space<hbm>>
      tpu.enqueue_dma source(%dma_start3A_1419 : memref<64xf32, #tpu.memory_space<hbm>>) target(%arg8 : memref<64xf32, #tpu.memory_space<vmem>>) target_semaphore(%run_scoped3A : memref<!tpu.dma_semaphore, #tpu.memory_space<semaphore_mem>>)
      %dma_wait3A_1420 = tpu.memref_slice %arg4[%mul3A_2] : memref<16384xf32, #tpu.memory_space<hbm>> -> memref<64xf32, #tpu.memory_space<hbm>>
      %dma_wait3A_1421 = tpu.memref_slice %arg4[%mul3A_2] : memref<16384xf32, #tpu.memory_space<hbm>> -> memref<64xf32, #tpu.memory_space<hbm>>
      tpu.wait_dma2 semaphore(%run_scoped3A : memref<!tpu.dma_semaphore, #tpu.memory_space<semaphore_mem>>) src(%dma_wait3A_1421 : memref<64xf32, #tpu.memory_space<hbm>>) dst(%arg8 : memref<64xf32, #tpu.memory_space<vmem>>)
      tpu.yield
    }) : () -> ()
    %dma_wait3A = arith.constant 0 : i32
    %dma_wait3A_770 = tpu.memref_slice %arg6[%dma_wait3A] : memref<65536xf32, #tpu.memory_space<vmem>> -> memref<1024xf32, #tpu.memory_space<vmem>>
    %dma_wait3A_771 = arith.constant 0 : i32
    %dma_wait3A_772 = tpu.memref_slice %arg2[%add3A_4, %dma_wait3A_771] : memref<16384x1024xf32, #tpu.memory_space<hbm>> -> memref<1x1024xf32, #tpu.memory_space<hbm>>
    %dma_wait3A_773 = tpu.memref_squeeze %dma_wait3A_772 : memref<1x1024xf32, #tpu.memory_space<hbm>> -> memref<1024xf32, #tpu.memory_space<hbm>>
    %dma_wait3A_774 = arith.constant 0 : i32
    %dma_wait3A_775 = tpu.memref_slice %arg6[%dma_wait3A_774] : memref<65536xf32, #tpu.memory_space<vmem>> -> memref<1024xf32, #tpu.memory_space<vmem>>
    %dma_wait3A_776 = arith.constant 0 : i32
    %dma_wait3A_777 = tpu.memref_slice %arg2[%add3A_4, %dma_wait3A_776] : memref<16384x1024xf32, #tpu.memory_space<hbm>> -> memref<1x1024xf32, #tpu.memory_space<hbm>>
    %dma_wait3A_778 = tpu.memref_squeeze %dma_wait3A_777 : memref<1x1024xf32, #tpu.memory_space<hbm>> -> memref<1024xf32, #tpu.memory_space<hbm>>
    tpu.wait_dma2 semaphore(%arg10 : memref<!tpu.dma_semaphore, #tpu.memory_space<semaphore_mem>>) src(%dma_wait3A_778 : memref<1024xf32, #tpu.memory_space<hbm>>) dst(%dma_wait3A_775 : memref<1024xf32, #tpu.memory_space<vmem>>)
    %dma_wait3A_779 = arith.constant 1024 : i32
    %dma_wait3A_780 = tpu.memref_slice %arg6[%dma_wait3A_779] : memref<65536xf32, #tpu.memory_space<vmem>> -> memref<1024xf32, #tpu.memory_space<vmem>>
    %dma_wait3A_781 = arith.constant 0 : i32
    %dma_wait3A_782 = tpu.memref_slice %arg2[%add3A_15, %dma_wait3A_781] : memref<16384x1024xf32, #tpu.memory_space<hbm>> -> memref<1x1024xf32, #tpu.memory_space<hbm>>
    %dma_wait3A_783 = tpu.memref_squeeze %dma_wait3A_782 : memref<1x1024xf32, #tpu.memory_space<hbm>> -> memref<1024xf32, #tpu.memory_space<hbm>>
    %dma_wait3A_784 = arith.constant 1024 : i32
    %dma_wait3A_785 = tpu.memref_slice %arg6[%dma_wait3A_784] : memref<65536xf32, #tpu.memory_space<vmem>> -> memref<1024xf32, #tpu.memory_space<vmem>>
    %dma_wait3A_786 = arith.constant 0 : i32
    %dma_wait3A_787 = tpu.memref_slice %arg2[%add3A_15, %dma_wait3A_786] : memref<16384x1024xf32, #tpu.memory_space<hbm>> -> memref<1x1024xf32, #tpu.memory_space<hbm>>
    %dma_wait3A_788 = tpu.memref_squeeze %dma_wait3A_787 : memref<1x1024xf32, #tpu.memory_space<hbm>> -> memref<1024xf32, #tpu.memory_space<hbm>>
    tpu.wait_dma2 semaphore(%arg10 : memref<!tpu.dma_semaphore, #tpu.memory_space<semaphore_mem>>) src(%dma_wait3A_788 : memref<1024xf32, #tpu.memory_space<hbm>>) dst(%dma_wait3A_785 : memref<1024xf32, #tpu.memory_space<vmem>>)
    %dma_wait3A_789 = arith.constant 2048 : i32
    %dma_wait3A_790 = tpu.memref_slice %arg6[%dma_wait3A_789] : memref<65536xf32, #tpu.memory_space<vmem>> -> memref<1024xf32, #tpu.memory_space<vmem>>
    %dma_wait3A_791 = arith.constant 0 : i32
    %dma_wait3A_792 = tpu.memref_slice %arg2[%add3A_27, %dma_wait3A_791] : memref<16384x1024xf32, #tpu.memory_space<hbm>> -> memref<1x1024xf32, #tpu.memory_space<hbm>>
    %dma_wait3A_793 = tpu.memref_squeeze %dma_wait3A_792 : memref<1x1024xf32, #tpu.memory_space<hbm>> -> memref<1024xf32, #tpu.memory_space<hbm>>
    %dma_wait3A_794 = arith.constant 2048 : i32
    %dma_wait3A_795 = tpu.memref_slice %arg6[%dma_wait3A_794] : memref<65536xf32, #tpu.memory_space<vmem>> -> memref<1024xf32, #tpu.memory_space<vmem>>
    %dma_wait3A_796 = arith.constant 0 : i32
    %dma_wait3A_797 = tpu.memref_slice %arg2[%add3A_27, %dma_wait3A_796] : memref<16384x1024xf32, #tpu.memory_space<hbm>> -> memref<1x1024xf32, #tpu.memory_space<hbm>>
    %dma_wait3A_798 = tpu.memref_squeeze %dma_wait3A_797 : memref<1x1024xf32, #tpu.memory_space<hbm>> -> memref<1024xf32, #tpu.memory_space<hbm>>
    tpu.wait_dma2 semaphore(%arg10 : memref<!tpu.dma_semaphore, #tpu.memory_space<semaphore_mem>>) src(%dma_wait3A_798 : memref<1024xf32, #tpu.memory_space<hbm>>) dst(%dma_wait3A_795 : memref<1024xf32, #tpu.memory_space<vmem>>)
    %dma_wait3A_799 = arith.constant 3072 : i32
    %dma_wait3A_800 = tpu.memref_slice %arg6[%dma_wait3A_799] : memref<65536xf32, #tpu.memory_space<vmem>> -> memref<1024xf32, #tpu.memory_space<vmem>>
    %dma_wait3A_801 = arith.constant 0 : i32
    %dma_wait3A_802 = tpu.memref_slice %arg2[%add3A_39, %dma_wait3A_801] : memref<16384x1024xf32, #tpu.memory_space<hbm>> -> memref<1x1024xf32, #tpu.memory_space<hbm>>
    %dma_wait3A_803 = tpu.memref_squeeze %dma_wait3A_802 : memref<1x1024xf32, #tpu.memory_space<hbm>> -> memref<1024xf32, #tpu.memory_space<hbm>>
    %dma_wait3A_804 = arith.constant 3072 : i32
    %dma_wait3A_805 = tpu.memref_slice %arg6[%dma_wait3A_804] : memref<65536xf32, #tpu.memory_space<vmem>> -> memref<1024xf32, #tpu.memory_space<vmem>>
    %dma_wait3A_806 = arith.constant 0 : i32
    %dma_wait3A_807 = tpu.memref_slice %arg2[%add3A_39, %dma_wait3A_806] : memref<16384x1024xf32, #tpu.memory_space<hbm>> -> memref<1x1024xf32, #tpu.memory_space<hbm>>
    %dma_wait3A_808 = tpu.memref_squeeze %dma_wait3A_807 : memref<1x1024xf32, #tpu.memory_space<hbm>> -> memref<1024xf32, #tpu.memory_space<hbm>>
    tpu.wait_dma2 semaphore(%arg10 : memref<!tpu.dma_semaphore, #tpu.memory_space<semaphore_mem>>) src(%dma_wait3A_808 : memref<1024xf32, #tpu.memory_space<hbm>>) dst(%dma_wait3A_805 : memref<1024xf32, #tpu.memory_space<vmem>>)
    %dma_wait3A_809 = arith.constant 4096 : i32
    %dma_wait3A_810 = tpu.memref_slice %arg6[%dma_wait3A_809] : memref<65536xf32, #tpu.memory_space<vmem>> -> memref<1024xf32, #tpu.memory_space<vmem>>
    %dma_wait3A_811 = arith.constant 0 : i32
    %dma_wait3A_812 = tpu.memref_slice %arg2[%add3A_51, %dma_wait3A_811] : memref<16384x1024xf32, #tpu.memory_space<hbm>> -> memref<1x1024xf32, #tpu.memory_space<hbm>>
    %dma_wait3A_813 = tpu.memref_squeeze %dma_wait3A_812 : memref<1x1024xf32, #tpu.memory_space<hbm>> -> memref<1024xf32, #tpu.memory_space<hbm>>
    %dma_wait3A_814 = arith.constant 4096 : i32
    %dma_wait3A_815 = tpu.memref_slice %arg6[%dma_wait3A_814] : memref<65536xf32, #tpu.memory_space<vmem>> -> memref<1024xf32, #tpu.memory_space<vmem>>
    %dma_wait3A_816 = arith.constant 0 : i32
    %dma_wait3A_817 = tpu.memref_slice %arg2[%add3A_51, %dma_wait3A_816] : memref<16384x1024xf32, #tpu.memory_space<hbm>> -> memref<1x1024xf32, #tpu.memory_space<hbm>>
    %dma_wait3A_818 = tpu.memref_squeeze %dma_wait3A_817 : memref<1x1024xf32, #tpu.memory_space<hbm>> -> memref<1024xf32, #tpu.memory_space<hbm>>
    tpu.wait_dma2 semaphore(%arg10 : memref<!tpu.dma_semaphore, #tpu.memory_space<semaphore_mem>>) src(%dma_wait3A_818 : memref<1024xf32, #tpu.memory_space<hbm>>) dst(%dma_wait3A_815 : memref<1024xf32, #tpu.memory_space<vmem>>)
    %dma_wait3A_819 = arith.constant 5120 : i32
    %dma_wait3A_820 = tpu.memref_slice %arg6[%dma_wait3A_819] : memref<65536xf32, #tpu.memory_space<vmem>> -> memref<1024xf32, #tpu.memory_space<vmem>>
    %dma_wait3A_821 = arith.constant 0 : i32
    %dma_wait3A_822 = tpu.memref_slice %arg2[%add3A_63, %dma_wait3A_821] : memref<16384x1024xf32, #tpu.memory_space<hbm>> -> memref<1x1024xf32, #tpu.memory_space<hbm>>
    %dma_wait3A_823 = tpu.memref_squeeze %dma_wait3A_822 : memref<1x1024xf32, #tpu.memory_space<hbm>> -> memref<1024xf32, #tpu.memory_space<hbm>>
    %dma_wait3A_824 = arith.constant 5120 : i32
    %dma_wait3A_825 = tpu.memref_slice %arg6[%dma_wait3A_824] : memref<65536xf32, #tpu.memory_space<vmem>> -> memref<1024xf32, #tpu.memory_space<vmem>>
    %dma_wait3A_826 = arith.constant 0 : i32
    %dma_wait3A_827 = tpu.memref_slice %arg2[%add3A_63, %dma_wait3A_826] : memref<16384x1024xf32, #tpu.memory_space<hbm>> -> memref<1x1024xf32, #tpu.memory_space<hbm>>
    %dma_wait3A_828 = tpu.memref_squeeze %dma_wait3A_827 : memref<1x1024xf32, #tpu.memory_space<hbm>> -> memref<1024xf32, #tpu.memory_space<hbm>>
    tpu.wait_dma2 semaphore(%arg10 : memref<!tpu.dma_semaphore, #tpu.memory_space<semaphore_mem>>) src(%dma_wait3A_828 : memref<1024xf32, #tpu.memory_space<hbm>>) dst(%dma_wait3A_825 : memref<1024xf32, #tpu.memory_space<vmem>>)
    %dma_wait3A_829 = arith.constant 6144 : i32
    %dma_wait3A_830 = tpu.memref_slice %arg6[%dma_wait3A_829] : memref<65536xf32, #tpu.memory_space<vmem>> -> memref<1024xf32, #tpu.memory_space<vmem>>
    %dma_wait3A_831 = arith.constant 0 : i32
    %dma_wait3A_832 = tpu.memref_slice %arg2[%add3A_75, %dma_wait3A_831] : memref<16384x1024xf32, #tpu.memory_space<hbm>> -> memref<1x1024xf32, #tpu.memory_space<hbm>>
    %dma_wait3A_833 = tpu.memref_squeeze %dma_wait3A_832 : memref<1x1024xf32, #tpu.memory_space<hbm>> -> memref<1024xf32, #tpu.memory_space<hbm>>
    %dma_wait3A_834 = arith.constant 6144 : i32
    %dma_wait3A_835 = tpu.memref_slice %arg6[%dma_wait3A_834] : memref<65536xf32, #tpu.memory_space<vmem>> -> memref<1024xf32, #tpu.memory_space<vmem>>
    %dma_wait3A_836 = arith.constant 0 : i32
    %dma_wait3A_837 = tpu.memref_slice %arg2[%add3A_75, %dma_wait3A_836] : memref<16384x1024xf32, #tpu.memory_space<hbm>> -> memref<1x1024xf32, #tpu.memory_space<hbm>>
    %dma_wait3A_838 = tpu.memref_squeeze %dma_wait3A_837 : memref<1x1024xf32, #tpu.memory_space<hbm>> -> memref<1024xf32, #tpu.memory_space<hbm>>
    tpu.wait_dma2 semaphore(%arg10 : memref<!tpu.dma_semaphore, #tpu.memory_space<semaphore_mem>>) src(%dma_wait3A_838 : memref<1024xf32, #tpu.memory_space<hbm>>) dst(%dma_wait3A_835 : memref<1024xf32, #tpu.memory_space<vmem>>)
    %dma_wait3A_839 = arith.constant 7168 : i32
    %dma_wait3A_840 = tpu.memref_slice %arg6[%dma_wait3A_839] : memref<65536xf32, #tpu.memory_space<vmem>> -> memref<1024xf32, #tpu.memory_space<vmem>>
    %dma_wait3A_841 = arith.constant 0 : i32
    %dma_wait3A_842 = tpu.memref_slice %arg2[%add3A_87, %dma_wait3A_841] : memref<16384x1024xf32, #tpu.memory_space<hbm>> -> memref<1x1024xf32, #tpu.memory_space<hbm>>
    %dma_wait3A_843 = tpu.memref_squeeze %dma_wait3A_842 : memref<1x1024xf32, #tpu.memory_space<hbm>> -> memref<1024xf32, #tpu.memory_space<hbm>>
    %dma_wait3A_844 = arith.constant 7168 : i32
    %dma_wait3A_845 = tpu.memref_slice %arg6[%dma_wait3A_844] : memref<65536xf32, #tpu.memory_space<vmem>> -> memref<1024xf32, #tpu.memory_space<vmem>>
    %dma_wait3A_846 = arith.constant 0 : i32
    %dma_wait3A_847 = tpu.memref_slice %arg2[%add3A_87, %dma_wait3A_846] : memref<16384x1024xf32, #tpu.memory_space<hbm>> -> memref<1x1024xf32, #tpu.memory_space<hbm>>
    %dma_wait3A_848 = tpu.memref_squeeze %dma_wait3A_847 : memref<1x1024xf32, #tpu.memory_space<hbm>> -> memref<1024xf32, #tpu.memory_space<hbm>>
    tpu.wait_dma2 semaphore(%arg10 : memref<!tpu.dma_semaphore, #tpu.memory_space<semaphore_mem>>) src(%dma_wait3A_848 : memref<1024xf32, #tpu.memory_space<hbm>>) dst(%dma_wait3A_845 : memref<1024xf32, #tpu.memory_space<vmem>>)
    %dma_wait3A_849 = arith.constant 8192 : i32
    %dma_wait3A_850 = tpu.memref_slice %arg6[%dma_wait3A_849] : memref<65536xf32, #tpu.memory_space<vmem>> -> memref<1024xf32, #tpu.memory_space<vmem>>
    %dma_wait3A_851 = arith.constant 0 : i32
    %dma_wait3A_852 = tpu.memref_slice %arg2[%add3A_99, %dma_wait3A_851] : memref<16384x1024xf32, #tpu.memory_space<hbm>> -> memref<1x1024xf32, #tpu.memory_space<hbm>>
    %dma_wait3A_853 = tpu.memref_squeeze %dma_wait3A_852 : memref<1x1024xf32, #tpu.memory_space<hbm>> -> memref<1024xf32, #tpu.memory_space<hbm>>
    %dma_wait3A_854 = arith.constant 8192 : i32
    %dma_wait3A_855 = tpu.memref_slice %arg6[%dma_wait3A_854] : memref<65536xf32, #tpu.memory_space<vmem>> -> memref<1024xf32, #tpu.memory_space<vmem>>
    %dma_wait3A_856 = arith.constant 0 : i32
    %dma_wait3A_857 = tpu.memref_slice %arg2[%add3A_99, %dma_wait3A_856] : memref<16384x1024xf32, #tpu.memory_space<hbm>> -> memref<1x1024xf32, #tpu.memory_space<hbm>>
    %dma_wait3A_858 = tpu.memref_squeeze %dma_wait3A_857 : memref<1x1024xf32, #tpu.memory_space<hbm>> -> memref<1024xf32, #tpu.memory_space<hbm>>
    tpu.wait_dma2 semaphore(%arg10 : memref<!tpu.dma_semaphore, #tpu.memory_space<semaphore_mem>>) src(%dma_wait3A_858 : memref<1024xf32, #tpu.memory_space<hbm>>) dst(%dma_wait3A_855 : memref<1024xf32, #tpu.memory_space<vmem>>)
    %dma_wait3A_859 = arith.constant 9216 : i32
    %dma_wait3A_860 = tpu.memref_slice %arg6[%dma_wait3A_859] : memref<65536xf32, #tpu.memory_space<vmem>> -> memref<1024xf32, #tpu.memory_space<vmem>>
    %dma_wait3A_861 = arith.constant 0 : i32
    %dma_wait3A_862 = tpu.memref_slice %arg2[%add3A_111, %dma_wait3A_861] : memref<16384x1024xf32, #tpu.memory_space<hbm>> -> memref<1x1024xf32, #tpu.memory_space<hbm>>
    %dma_wait3A_863 = tpu.memref_squeeze %dma_wait3A_862 : memref<1x1024xf32, #tpu.memory_space<hbm>> -> memref<1024xf32, #tpu.memory_space<hbm>>
    %dma_wait3A_864 = arith.constant 9216 : i32
    %dma_wait3A_865 = tpu.memref_slice %arg6[%dma_wait3A_864] : memref<65536xf32, #tpu.memory_space<vmem>> -> memref<1024xf32, #tpu.memory_space<vmem>>
    %dma_wait3A_866 = arith.constant 0 : i32
    %dma_wait3A_867 = tpu.memref_slice %arg2[%add3A_111, %dma_wait3A_866] : memref<16384x1024xf32, #tpu.memory_space<hbm>> -> memref<1x1024xf32, #tpu.memory_space<hbm>>
    %dma_wait3A_868 = tpu.memref_squeeze %dma_wait3A_867 : memref<1x1024xf32, #tpu.memory_space<hbm>> -> memref<1024xf32, #tpu.memory_space<hbm>>
    tpu.wait_dma2 semaphore(%arg10 : memref<!tpu.dma_semaphore, #tpu.memory_space<semaphore_mem>>) src(%dma_wait3A_868 : memref<1024xf32, #tpu.memory_space<hbm>>) dst(%dma_wait3A_865 : memref<1024xf32, #tpu.memory_space<vmem>>)
    %dma_wait3A_869 = arith.constant 10240 : i32
    %dma_wait3A_870 = tpu.memref_slice %arg6[%dma_wait3A_869] : memref<65536xf32, #tpu.memory_space<vmem>> -> memref<1024xf32, #tpu.memory_space<vmem>>
    %dma_wait3A_871 = arith.constant 0 : i32
    %dma_wait3A_872 = tpu.memref_slice %arg2[%add3A_123, %dma_wait3A_871] : memref<16384x1024xf32, #tpu.memory_space<hbm>> -> memref<1x1024xf32, #tpu.memory_space<hbm>>
    %dma_wait3A_873 = tpu.memref_squeeze %dma_wait3A_872 : memref<1x1024xf32, #tpu.memory_space<hbm>> -> memref<1024xf32, #tpu.memory_space<hbm>>
    %dma_wait3A_874 = arith.constant 10240 : i32
    %dma_wait3A_875 = tpu.memref_slice %arg6[%dma_wait3A_874] : memref<65536xf32, #tpu.memory_space<vmem>> -> memref<1024xf32, #tpu.memory_space<vmem>>
    %dma_wait3A_876 = arith.constant 0 : i32
    %dma_wait3A_877 = tpu.memref_slice %arg2[%add3A_123, %dma_wait3A_876] : memref<16384x1024xf32, #tpu.memory_space<hbm>> -> memref<1x1024xf32, #tpu.memory_space<hbm>>
    %dma_wait3A_878 = tpu.memref_squeeze %dma_wait3A_877 : memref<1x1024xf32, #tpu.memory_space<hbm>> -> memref<1024xf32, #tpu.memory_space<hbm>>
    tpu.wait_dma2 semaphore(%arg10 : memref<!tpu.dma_semaphore, #tpu.memory_space<semaphore_mem>>) src(%dma_wait3A_878 : memref<1024xf32, #tpu.memory_space<hbm>>) dst(%dma_wait3A_875 : memref<1024xf32, #tpu.memory_space<vmem>>)
    %dma_wait3A_879 = arith.constant 11264 : i32
    %dma_wait3A_880 = tpu.memref_slice %arg6[%dma_wait3A_879] : memref<65536xf32, #tpu.memory_space<vmem>> -> memref<1024xf32, #tpu.memory_space<vmem>>
    %dma_wait3A_881 = arith.constant 0 : i32
    %dma_wait3A_882 = tpu.memref_slice %arg2[%add3A_135, %dma_wait3A_881] : memref<16384x1024xf32, #tpu.memory_space<hbm>> -> memref<1x1024xf32, #tpu.memory_space<hbm>>
    %dma_wait3A_883 = tpu.memref_squeeze %dma_wait3A_882 : memref<1x1024xf32, #tpu.memory_space<hbm>> -> memref<1024xf32, #tpu.memory_space<hbm>>
    %dma_wait3A_884 = arith.constant 11264 : i32
    %dma_wait3A_885 = tpu.memref_slice %arg6[%dma_wait3A_884] : memref<65536xf32, #tpu.memory_space<vmem>> -> memref<1024xf32, #tpu.memory_space<vmem>>
    %dma_wait3A_886 = arith.constant 0 : i32
    %dma_wait3A_887 = tpu.memref_slice %arg2[%add3A_135, %dma_wait3A_886] : memref<16384x1024xf32, #tpu.memory_space<hbm>> -> memref<1x1024xf32, #tpu.memory_space<hbm>>
    %dma_wait3A_888 = tpu.memref_squeeze %dma_wait3A_887 : memref<1x1024xf32, #tpu.memory_space<hbm>> -> memref<1024xf32, #tpu.memory_space<hbm>>
    tpu.wait_dma2 semaphore(%arg10 : memref<!tpu.dma_semaphore, #tpu.memory_space<semaphore_mem>>) src(%dma_wait3A_888 : memref<1024xf32, #tpu.memory_space<hbm>>) dst(%dma_wait3A_885 : memref<1024xf32, #tpu.memory_space<vmem>>)
    %dma_wait3A_889 = arith.constant 12288 : i32
    %dma_wait3A_890 = tpu.memref_slice %arg6[%dma_wait3A_889] : memref<65536xf32, #tpu.memory_space<vmem>> -> memref<1024xf32, #tpu.memory_space<vmem>>
    %dma_wait3A_891 = arith.constant 0 : i32
    %dma_wait3A_892 = tpu.memref_slice %arg2[%add3A_147, %dma_wait3A_891] : memref<16384x1024xf32, #tpu.memory_space<hbm>> -> memref<1x1024xf32, #tpu.memory_space<hbm>>
    %dma_wait3A_893 = tpu.memref_squeeze %dma_wait3A_892 : memref<1x1024xf32, #tpu.memory_space<hbm>> -> memref<1024xf32, #tpu.memory_space<hbm>>
    %dma_wait3A_894 = arith.constant 12288 : i32
    %dma_wait3A_895 = tpu.memref_slice %arg6[%dma_wait3A_894] : memref<65536xf32, #tpu.memory_space<vmem>> -> memref<1024xf32, #tpu.memory_space<vmem>>
    %dma_wait3A_896 = arith.constant 0 : i32
    %dma_wait3A_897 = tpu.memref_slice %arg2[%add3A_147, %dma_wait3A_896] : memref<16384x1024xf32, #tpu.memory_space<hbm>> -> memref<1x1024xf32, #tpu.memory_space<hbm>>
    %dma_wait3A_898 = tpu.memref_squeeze %dma_wait3A_897 : memref<1x1024xf32, #tpu.memory_space<hbm>> -> memref<1024xf32, #tpu.memory_space<hbm>>
    tpu.wait_dma2 semaphore(%arg10 : memref<!tpu.dma_semaphore, #tpu.memory_space<semaphore_mem>>) src(%dma_wait3A_898 : memref<1024xf32, #tpu.memory_space<hbm>>) dst(%dma_wait3A_895 : memref<1024xf32, #tpu.memory_space<vmem>>)
    %dma_wait3A_899 = arith.constant 13312 : i32
    %dma_wait3A_900 = tpu.memref_slice %arg6[%dma_wait3A_899] : memref<65536xf32, #tpu.memory_space<vmem>> -> memref<1024xf32, #tpu.memory_space<vmem>>
    %dma_wait3A_901 = arith.constant 0 : i32
    %dma_wait3A_902 = tpu.memref_slice %arg2[%add3A_159, %dma_wait3A_901] : memref<16384x1024xf32, #tpu.memory_space<hbm>> -> memref<1x1024xf32, #tpu.memory_space<hbm>>
    %dma_wait3A_903 = tpu.memref_squeeze %dma_wait3A_902 : memref<1x1024xf32, #tpu.memory_space<hbm>> -> memref<1024xf32, #tpu.memory_space<hbm>>
    %dma_wait3A_904 = arith.constant 13312 : i32
    %dma_wait3A_905 = tpu.memref_slice %arg6[%dma_wait3A_904] : memref<65536xf32, #tpu.memory_space<vmem>> -> memref<1024xf32, #tpu.memory_space<vmem>>
    %dma_wait3A_906 = arith.constant 0 : i32
    %dma_wait3A_907 = tpu.memref_slice %arg2[%add3A_159, %dma_wait3A_906] : memref<16384x1024xf32, #tpu.memory_space<hbm>> -> memref<1x1024xf32, #tpu.memory_space<hbm>>
    %dma_wait3A_908 = tpu.memref_squeeze %dma_wait3A_907 : memref<1x1024xf32, #tpu.memory_space<hbm>> -> memref<1024xf32, #tpu.memory_space<hbm>>
    tpu.wait_dma2 semaphore(%arg10 : memref<!tpu.dma_semaphore, #tpu.memory_space<semaphore_mem>>) src(%dma_wait3A_908 : memref<1024xf32, #tpu.memory_space<hbm>>) dst(%dma_wait3A_905 : memref<1024xf32, #tpu.memory_space<vmem>>)
    %dma_wait3A_909 = arith.constant 14336 : i32
    %dma_wait3A_910 = tpu.memref_slice %arg6[%dma_wait3A_909] : memref<65536xf32, #tpu.memory_space<vmem>> -> memref<1024xf32, #tpu.memory_space<vmem>>
    %dma_wait3A_911 = arith.constant 0 : i32
    %dma_wait3A_912 = tpu.memref_slice %arg2[%add3A_171, %dma_wait3A_911] : memref<16384x1024xf32, #tpu.memory_space<hbm>> -> memref<1x1024xf32, #tpu.memory_space<hbm>>
    %dma_wait3A_913 = tpu.memref_squeeze %dma_wait3A_912 : memref<1x1024xf32, #tpu.memory_space<hbm>> -> memref<1024xf32, #tpu.memory_space<hbm>>
    %dma_wait3A_914 = arith.constant 14336 : i32
    %dma_wait3A_915 = tpu.memref_slice %arg6[%dma_wait3A_914] : memref<65536xf32, #tpu.memory_space<vmem>> -> memref<1024xf32, #tpu.memory_space<vmem>>
    %dma_wait3A_916 = arith.constant 0 : i32
    %dma_wait3A_917 = tpu.memref_slice %arg2[%add3A_171, %dma_wait3A_916] : memref<16384x1024xf32, #tpu.memory_space<hbm>> -> memref<1x1024xf32, #tpu.memory_space<hbm>>
    %dma_wait3A_918 = tpu.memref_squeeze %dma_wait3A_917 : memref<1x1024xf32, #tpu.memory_space<hbm>> -> memref<1024xf32, #tpu.memory_space<hbm>>
    tpu.wait_dma2 semaphore(%arg10 : memref<!tpu.dma_semaphore, #tpu.memory_space<semaphore_mem>>) src(%dma_wait3A_918 : memref<1024xf32, #tpu.memory_space<hbm>>) dst(%dma_wait3A_915 : memref<1024xf32, #tpu.memory_space<vmem>>)
    %dma_wait3A_919 = arith.constant 15360 : i32
    %dma_wait3A_920 = tpu.memref_slice %arg6[%dma_wait3A_919] : memref<65536xf32, #tpu.memory_space<vmem>> -> memref<1024xf32, #tpu.memory_space<vmem>>
    %dma_wait3A_921 = arith.constant 0 : i32
    %dma_wait3A_922 = tpu.memref_slice %arg2[%add3A_183, %dma_wait3A_921] : memref<16384x1024xf32, #tpu.memory_space<hbm>> -> memref<1x1024xf32, #tpu.memory_space<hbm>>
    %dma_wait3A_923 = tpu.memref_squeeze %dma_wait3A_922 : memref<1x1024xf32, #tpu.memory_space<hbm>> -> memref<1024xf32, #tpu.memory_space<hbm>>
    %dma_wait3A_924 = arith.constant 15360 : i32
    %dma_wait3A_925 = tpu.memref_slice %arg6[%dma_wait3A_924] : memref<65536xf32, #tpu.memory_space<vmem>> -> memref<1024xf32, #tpu.memory_space<vmem>>
    %dma_wait3A_926 = arith.constant 0 : i32
    %dma_wait3A_927 = tpu.memref_slice %arg2[%add3A_183, %dma_wait3A_926] : memref<16384x1024xf32, #tpu.memory_space<hbm>> -> memref<1x1024xf32, #tpu.memory_space<hbm>>
    %dma_wait3A_928 = tpu.memref_squeeze %dma_wait3A_927 : memref<1x1024xf32, #tpu.memory_space<hbm>> -> memref<1024xf32, #tpu.memory_space<hbm>>
    tpu.wait_dma2 semaphore(%arg10 : memref<!tpu.dma_semaphore, #tpu.memory_space<semaphore_mem>>) src(%dma_wait3A_928 : memref<1024xf32, #tpu.memory_space<hbm>>) dst(%dma_wait3A_925 : memref<1024xf32, #tpu.memory_space<vmem>>)
    %dma_wait3A_929 = arith.constant 16384 : i32
    %dma_wait3A_930 = tpu.memref_slice %arg6[%dma_wait3A_929] : memref<65536xf32, #tpu.memory_space<vmem>> -> memref<1024xf32, #tpu.memory_space<vmem>>
    %dma_wait3A_931 = arith.constant 0 : i32
    %dma_wait3A_932 = tpu.memref_slice %arg2[%add3A_195, %dma_wait3A_931] : memref<16384x1024xf32, #tpu.memory_space<hbm>> -> memref<1x1024xf32, #tpu.memory_space<hbm>>
    %dma_wait3A_933 = tpu.memref_squeeze %dma_wait3A_932 : memref<1x1024xf32, #tpu.memory_space<hbm>> -> memref<1024xf32, #tpu.memory_space<hbm>>
    %dma_wait3A_934 = arith.constant 16384 : i32
    %dma_wait3A_935 = tpu.memref_slice %arg6[%dma_wait3A_934] : memref<65536xf32, #tpu.memory_space<vmem>> -> memref<1024xf32, #tpu.memory_space<vmem>>
    %dma_wait3A_936 = arith.constant 0 : i32
    %dma_wait3A_937 = tpu.memref_slice %arg2[%add3A_195, %dma_wait3A_936] : memref<16384x1024xf32, #tpu.memory_space<hbm>> -> memref<1x1024xf32, #tpu.memory_space<hbm>>
    %dma_wait3A_938 = tpu.memref_squeeze %dma_wait3A_937 : memref<1x1024xf32, #tpu.memory_space<hbm>> -> memref<1024xf32, #tpu.memory_space<hbm>>
    tpu.wait_dma2 semaphore(%arg10 : memref<!tpu.dma_semaphore, #tpu.memory_space<semaphore_mem>>) src(%dma_wait3A_938 : memref<1024xf32, #tpu.memory_space<hbm>>) dst(%dma_wait3A_935 : memref<1024xf32, #tpu.memory_space<vmem>>)
    %dma_wait3A_939 = arith.constant 17408 : i32
    %dma_wait3A_940 = tpu.memref_slice %arg6[%dma_wait3A_939] : memref<65536xf32, #tpu.memory_space<vmem>> -> memref<1024xf32, #tpu.memory_space<vmem>>
    %dma_wait3A_941 = arith.constant 0 : i32
    %dma_wait3A_942 = tpu.memref_slice %arg2[%add3A_207, %dma_wait3A_941] : memref<16384x1024xf32, #tpu.memory_space<hbm>> -> memref<1x1024xf32, #tpu.memory_space<hbm>>
    %dma_wait3A_943 = tpu.memref_squeeze %dma_wait3A_942 : memref<1x1024xf32, #tpu.memory_space<hbm>> -> memref<1024xf32, #tpu.memory_space<hbm>>
    %dma_wait3A_944 = arith.constant 17408 : i32
    %dma_wait3A_945 = tpu.memref_slice %arg6[%dma_wait3A_944] : memref<65536xf32, #tpu.memory_space<vmem>> -> memref<1024xf32, #tpu.memory_space<vmem>>
    %dma_wait3A_946 = arith.constant 0 : i32
    %dma_wait3A_947 = tpu.memref_slice %arg2[%add3A_207, %dma_wait3A_946] : memref<16384x1024xf32, #tpu.memory_space<hbm>> -> memref<1x1024xf32, #tpu.memory_space<hbm>>
    %dma_wait3A_948 = tpu.memref_squeeze %dma_wait3A_947 : memref<1x1024xf32, #tpu.memory_space<hbm>> -> memref<1024xf32, #tpu.memory_space<hbm>>
    tpu.wait_dma2 semaphore(%arg10 : memref<!tpu.dma_semaphore, #tpu.memory_space<semaphore_mem>>) src(%dma_wait3A_948 : memref<1024xf32, #tpu.memory_space<hbm>>) dst(%dma_wait3A_945 : memref<1024xf32, #tpu.memory_space<vmem>>)
    %dma_wait3A_949 = arith.constant 18432 : i32
    %dma_wait3A_950 = tpu.memref_slice %arg6[%dma_wait3A_949] : memref<65536xf32, #tpu.memory_space<vmem>> -> memref<1024xf32, #tpu.memory_space<vmem>>
    %dma_wait3A_951 = arith.constant 0 : i32
    %dma_wait3A_952 = tpu.memref_slice %arg2[%add3A_219, %dma_wait3A_951] : memref<16384x1024xf32, #tpu.memory_space<hbm>> -> memref<1x1024xf32, #tpu.memory_space<hbm>>
    %dma_wait3A_953 = tpu.memref_squeeze %dma_wait3A_952 : memref<1x1024xf32, #tpu.memory_space<hbm>> -> memref<1024xf32, #tpu.memory_space<hbm>>
    %dma_wait3A_954 = arith.constant 18432 : i32
    %dma_wait3A_955 = tpu.memref_slice %arg6[%dma_wait3A_954] : memref<65536xf32, #tpu.memory_space<vmem>> -> memref<1024xf32, #tpu.memory_space<vmem>>
    %dma_wait3A_956 = arith.constant 0 : i32
    %dma_wait3A_957 = tpu.memref_slice %arg2[%add3A_219, %dma_wait3A_956] : memref<16384x1024xf32, #tpu.memory_space<hbm>> -> memref<1x1024xf32, #tpu.memory_space<hbm>>
    %dma_wait3A_958 = tpu.memref_squeeze %dma_wait3A_957 : memref<1x1024xf32, #tpu.memory_space<hbm>> -> memref<1024xf32, #tpu.memory_space<hbm>>
    tpu.wait_dma2 semaphore(%arg10 : memref<!tpu.dma_semaphore, #tpu.memory_space<semaphore_mem>>) src(%dma_wait3A_958 : memref<1024xf32, #tpu.memory_space<hbm>>) dst(%dma_wait3A_955 : memref<1024xf32, #tpu.memory_space<vmem>>)
    %dma_wait3A_959 = arith.constant 19456 : i32
    %dma_wait3A_960 = tpu.memref_slice %arg6[%dma_wait3A_959] : memref<65536xf32, #tpu.memory_space<vmem>> -> memref<1024xf32, #tpu.memory_space<vmem>>
    %dma_wait3A_961 = arith.constant 0 : i32
    %dma_wait3A_962 = tpu.memref_slice %arg2[%add3A_231, %dma_wait3A_961] : memref<16384x1024xf32, #tpu.memory_space<hbm>> -> memref<1x1024xf32, #tpu.memory_space<hbm>>
    %dma_wait3A_963 = tpu.memref_squeeze %dma_wait3A_962 : memref<1x1024xf32, #tpu.memory_space<hbm>> -> memref<1024xf32, #tpu.memory_space<hbm>>
    %dma_wait3A_964 = arith.constant 19456 : i32
    %dma_wait3A_965 = tpu.memref_slice %arg6[%dma_wait3A_964] : memref<65536xf32, #tpu.memory_space<vmem>> -> memref<1024xf32, #tpu.memory_space<vmem>>
    %dma_wait3A_966 = arith.constant 0 : i32
    %dma_wait3A_967 = tpu.memref_slice %arg2[%add3A_231, %dma_wait3A_966] : memref<16384x1024xf32, #tpu.memory_space<hbm>> -> memref<1x1024xf32, #tpu.memory_space<hbm>>
    %dma_wait3A_968 = tpu.memref_squeeze %dma_wait3A_967 : memref<1x1024xf32, #tpu.memory_space<hbm>> -> memref<1024xf32, #tpu.memory_space<hbm>>
    tpu.wait_dma2 semaphore(%arg10 : memref<!tpu.dma_semaphore, #tpu.memory_space<semaphore_mem>>) src(%dma_wait3A_968 : memref<1024xf32, #tpu.memory_space<hbm>>) dst(%dma_wait3A_965 : memref<1024xf32, #tpu.memory_space<vmem>>)
    %dma_wait3A_969 = arith.constant 20480 : i32
    %dma_wait3A_970 = tpu.memref_slice %arg6[%dma_wait3A_969] : memref<65536xf32, #tpu.memory_space<vmem>> -> memref<1024xf32, #tpu.memory_space<vmem>>
    %dma_wait3A_971 = arith.constant 0 : i32
    %dma_wait3A_972 = tpu.memref_slice %arg2[%add3A_243, %dma_wait3A_971] : memref<16384x1024xf32, #tpu.memory_space<hbm>> -> memref<1x1024xf32, #tpu.memory_space<hbm>>
    %dma_wait3A_973 = tpu.memref_squeeze %dma_wait3A_972 : memref<1x1024xf32, #tpu.memory_space<hbm>> -> memref<1024xf32, #tpu.memory_space<hbm>>
    %dma_wait3A_974 = arith.constant 20480 : i32
    %dma_wait3A_975 = tpu.memref_slice %arg6[%dma_wait3A_974] : memref<65536xf32, #tpu.memory_space<vmem>> -> memref<1024xf32, #tpu.memory_space<vmem>>
    %dma_wait3A_976 = arith.constant 0 : i32
    %dma_wait3A_977 = tpu.memref_slice %arg2[%add3A_243, %dma_wait3A_976] : memref<16384x1024xf32, #tpu.memory_space<hbm>> -> memref<1x1024xf32, #tpu.memory_space<hbm>>
    %dma_wait3A_978 = tpu.memref_squeeze %dma_wait3A_977 : memref<1x1024xf32, #tpu.memory_space<hbm>> -> memref<1024xf32, #tpu.memory_space<hbm>>
    tpu.wait_dma2 semaphore(%arg10 : memref<!tpu.dma_semaphore, #tpu.memory_space<semaphore_mem>>) src(%dma_wait3A_978 : memref<1024xf32, #tpu.memory_space<hbm>>) dst(%dma_wait3A_975 : memref<1024xf32, #tpu.memory_space<vmem>>)
    %dma_wait3A_979 = arith.constant 21504 : i32
    %dma_wait3A_980 = tpu.memref_slice %arg6[%dma_wait3A_979] : memref<65536xf32, #tpu.memory_space<vmem>> -> memref<1024xf32, #tpu.memory_space<vmem>>
    %dma_wait3A_981 = arith.constant 0 : i32
    %dma_wait3A_982 = tpu.memref_slice %arg2[%add3A_255, %dma_wait3A_981] : memref<16384x1024xf32, #tpu.memory_space<hbm>> -> memref<1x1024xf32, #tpu.memory_space<hbm>>
    %dma_wait3A_983 = tpu.memref_squeeze %dma_wait3A_982 : memref<1x1024xf32, #tpu.memory_space<hbm>> -> memref<1024xf32, #tpu.memory_space<hbm>>
    %dma_wait3A_984 = arith.constant 21504 : i32
    %dma_wait3A_985 = tpu.memref_slice %arg6[%dma_wait3A_984] : memref<65536xf32, #tpu.memory_space<vmem>> -> memref<1024xf32, #tpu.memory_space<vmem>>
    %dma_wait3A_986 = arith.constant 0 : i32
    %dma_wait3A_987 = tpu.memref_slice %arg2[%add3A_255, %dma_wait3A_986] : memref<16384x1024xf32, #tpu.memory_space<hbm>> -> memref<1x1024xf32, #tpu.memory_space<hbm>>
    %dma_wait3A_988 = tpu.memref_squeeze %dma_wait3A_987 : memref<1x1024xf32, #tpu.memory_space<hbm>> -> memref<1024xf32, #tpu.memory_space<hbm>>
    tpu.wait_dma2 semaphore(%arg10 : memref<!tpu.dma_semaphore, #tpu.memory_space<semaphore_mem>>) src(%dma_wait3A_988 : memref<1024xf32, #tpu.memory_space<hbm>>) dst(%dma_wait3A_985 : memref<1024xf32, #tpu.memory_space<vmem>>)
    %dma_wait3A_989 = arith.constant 22528 : i32
    %dma_wait3A_990 = tpu.memref_slice %arg6[%dma_wait3A_989] : memref<65536xf32, #tpu.memory_space<vmem>> -> memref<1024xf32, #tpu.memory_space<vmem>>
    %dma_wait3A_991 = arith.constant 0 : i32
    %dma_wait3A_992 = tpu.memref_slice %arg2[%add3A_267, %dma_wait3A_991] : memref<16384x1024xf32, #tpu.memory_space<hbm>> -> memref<1x1024xf32, #tpu.memory_space<hbm>>
    %dma_wait3A_993 = tpu.memref_squeeze %dma_wait3A_992 : memref<1x1024xf32, #tpu.memory_space<hbm>> -> memref<1024xf32, #tpu.memory_space<hbm>>
    %dma_wait3A_994 = arith.constant 22528 : i32
    %dma_wait3A_995 = tpu.memref_slice %arg6[%dma_wait3A_994] : memref<65536xf32, #tpu.memory_space<vmem>> -> memref<1024xf32, #tpu.memory_space<vmem>>
    %dma_wait3A_996 = arith.constant 0 : i32
    %dma_wait3A_997 = tpu.memref_slice %arg2[%add3A_267, %dma_wait3A_996] : memref<16384x1024xf32, #tpu.memory_space<hbm>> -> memref<1x1024xf32, #tpu.memory_space<hbm>>
    %dma_wait3A_998 = tpu.memref_squeeze %dma_wait3A_997 : memref<1x1024xf32, #tpu.memory_space<hbm>> -> memref<1024xf32, #tpu.memory_space<hbm>>
    tpu.wait_dma2 semaphore(%arg10 : memref<!tpu.dma_semaphore, #tpu.memory_space<semaphore_mem>>) src(%dma_wait3A_998 : memref<1024xf32, #tpu.memory_space<hbm>>) dst(%dma_wait3A_995 : memref<1024xf32, #tpu.memory_space<vmem>>)
    %dma_wait3A_999 = arith.constant 23552 : i32
    %dma_wait3A_1000 = tpu.memref_slice %arg6[%dma_wait3A_999] : memref<65536xf32, #tpu.memory_space<vmem>> -> memref<1024xf32, #tpu.memory_space<vmem>>
    %dma_wait3A_1001 = arith.constant 0 : i32
    %dma_wait3A_1002 = tpu.memref_slice %arg2[%add3A_279, %dma_wait3A_1001] : memref<16384x1024xf32, #tpu.memory_space<hbm>> -> memref<1x1024xf32, #tpu.memory_space<hbm>>
    %dma_wait3A_1003 = tpu.memref_squeeze %dma_wait3A_1002 : memref<1x1024xf32, #tpu.memory_space<hbm>> -> memref<1024xf32, #tpu.memory_space<hbm>>
    %dma_wait3A_1004 = arith.constant 23552 : i32
    %dma_wait3A_1005 = tpu.memref_slice %arg6[%dma_wait3A_1004] : memref<65536xf32, #tpu.memory_space<vmem>> -> memref<1024xf32, #tpu.memory_space<vmem>>
    %dma_wait3A_1006 = arith.constant 0 : i32
    %dma_wait3A_1007 = tpu.memref_slice %arg2[%add3A_279, %dma_wait3A_1006] : memref<16384x1024xf32, #tpu.memory_space<hbm>> -> memref<1x1024xf32, #tpu.memory_space<hbm>>
    %dma_wait3A_1008 = tpu.memref_squeeze %dma_wait3A_1007 : memref<1x1024xf32, #tpu.memory_space<hbm>> -> memref<1024xf32, #tpu.memory_space<hbm>>
    tpu.wait_dma2 semaphore(%arg10 : memref<!tpu.dma_semaphore, #tpu.memory_space<semaphore_mem>>) src(%dma_wait3A_1008 : memref<1024xf32, #tpu.memory_space<hbm>>) dst(%dma_wait3A_1005 : memref<1024xf32, #tpu.memory_space<vmem>>)
    %dma_wait3A_1009 = arith.constant 24576 : i32
    %dma_wait3A_1010 = tpu.memref_slice %arg6[%dma_wait3A_1009] : memref<65536xf32, #tpu.memory_space<vmem>> -> memref<1024xf32, #tpu.memory_space<vmem>>
    %dma_wait3A_1011 = arith.constant 0 : i32
    %dma_wait3A_1012 = tpu.memref_slice %arg2[%add3A_291, %dma_wait3A_1011] : memref<16384x1024xf32, #tpu.memory_space<hbm>> -> memref<1x1024xf32, #tpu.memory_space<hbm>>
    %dma_wait3A_1013 = tpu.memref_squeeze %dma_wait3A_1012 : memref<1x1024xf32, #tpu.memory_space<hbm>> -> memref<1024xf32, #tpu.memory_space<hbm>>
    %dma_wait3A_1014 = arith.constant 24576 : i32
    %dma_wait3A_1015 = tpu.memref_slice %arg6[%dma_wait3A_1014] : memref<65536xf32, #tpu.memory_space<vmem>> -> memref<1024xf32, #tpu.memory_space<vmem>>
    %dma_wait3A_1016 = arith.constant 0 : i32
    %dma_wait3A_1017 = tpu.memref_slice %arg2[%add3A_291, %dma_wait3A_1016] : memref<16384x1024xf32, #tpu.memory_space<hbm>> -> memref<1x1024xf32, #tpu.memory_space<hbm>>
    %dma_wait3A_1018 = tpu.memref_squeeze %dma_wait3A_1017 : memref<1x1024xf32, #tpu.memory_space<hbm>> -> memref<1024xf32, #tpu.memory_space<hbm>>
    tpu.wait_dma2 semaphore(%arg10 : memref<!tpu.dma_semaphore, #tpu.memory_space<semaphore_mem>>) src(%dma_wait3A_1018 : memref<1024xf32, #tpu.memory_space<hbm>>) dst(%dma_wait3A_1015 : memref<1024xf32, #tpu.memory_space<vmem>>)
    %dma_wait3A_1019 = arith.constant 25600 : i32
    %dma_wait3A_1020 = tpu.memref_slice %arg6[%dma_wait3A_1019] : memref<65536xf32, #tpu.memory_space<vmem>> -> memref<1024xf32, #tpu.memory_space<vmem>>
    %dma_wait3A_1021 = arith.constant 0 : i32
    %dma_wait3A_1022 = tpu.memref_slice %arg2[%add3A_303, %dma_wait3A_1021] : memref<16384x1024xf32, #tpu.memory_space<hbm>> -> memref<1x1024xf32, #tpu.memory_space<hbm>>
    %dma_wait3A_1023 = tpu.memref_squeeze %dma_wait3A_1022 : memref<1x1024xf32, #tpu.memory_space<hbm>> -> memref<1024xf32, #tpu.memory_space<hbm>>
    %dma_wait3A_1024 = arith.constant 25600 : i32
    %dma_wait3A_1025 = tpu.memref_slice %arg6[%dma_wait3A_1024] : memref<65536xf32, #tpu.memory_space<vmem>> -> memref<1024xf32, #tpu.memory_space<vmem>>
    %dma_wait3A_1026 = arith.constant 0 : i32
    %dma_wait3A_1027 = tpu.memref_slice %arg2[%add3A_303, %dma_wait3A_1026] : memref<16384x1024xf32, #tpu.memory_space<hbm>> -> memref<1x1024xf32, #tpu.memory_space<hbm>>
    %dma_wait3A_1028 = tpu.memref_squeeze %dma_wait3A_1027 : memref<1x1024xf32, #tpu.memory_space<hbm>> -> memref<1024xf32, #tpu.memory_space<hbm>>
    tpu.wait_dma2 semaphore(%arg10 : memref<!tpu.dma_semaphore, #tpu.memory_space<semaphore_mem>>) src(%dma_wait3A_1028 : memref<1024xf32, #tpu.memory_space<hbm>>) dst(%dma_wait3A_1025 : memref<1024xf32, #tpu.memory_space<vmem>>)
    %dma_wait3A_1029 = arith.constant 26624 : i32
    %dma_wait3A_1030 = tpu.memref_slice %arg6[%dma_wait3A_1029] : memref<65536xf32, #tpu.memory_space<vmem>> -> memref<1024xf32, #tpu.memory_space<vmem>>
    %dma_wait3A_1031 = arith.constant 0 : i32
    %dma_wait3A_1032 = tpu.memref_slice %arg2[%add3A_315, %dma_wait3A_1031] : memref<16384x1024xf32, #tpu.memory_space<hbm>> -> memref<1x1024xf32, #tpu.memory_space<hbm>>
    %dma_wait3A_1033 = tpu.memref_squeeze %dma_wait3A_1032 : memref<1x1024xf32, #tpu.memory_space<hbm>> -> memref<1024xf32, #tpu.memory_space<hbm>>
    %dma_wait3A_1034 = arith.constant 26624 : i32
    %dma_wait3A_1035 = tpu.memref_slice %arg6[%dma_wait3A_1034] : memref<65536xf32, #tpu.memory_space<vmem>> -> memref<1024xf32, #tpu.memory_space<vmem>>
    %dma_wait3A_1036 = arith.constant 0 : i32
    %dma_wait3A_1037 = tpu.memref_slice %arg2[%add3A_315, %dma_wait3A_1036] : memref<16384x1024xf32, #tpu.memory_space<hbm>> -> memref<1x1024xf32, #tpu.memory_space<hbm>>
    %dma_wait3A_1038 = tpu.memref_squeeze %dma_wait3A_1037 : memref<1x1024xf32, #tpu.memory_space<hbm>> -> memref<1024xf32, #tpu.memory_space<hbm>>
    tpu.wait_dma2 semaphore(%arg10 : memref<!tpu.dma_semaphore, #tpu.memory_space<semaphore_mem>>) src(%dma_wait3A_1038 : memref<1024xf32, #tpu.memory_space<hbm>>) dst(%dma_wait3A_1035 : memref<1024xf32, #tpu.memory_space<vmem>>)
    %dma_wait3A_1039 = arith.constant 27648 : i32
    %dma_wait3A_1040 = tpu.memref_slice %arg6[%dma_wait3A_1039] : memref<65536xf32, #tpu.memory_space<vmem>> -> memref<1024xf32, #tpu.memory_space<vmem>>
    %dma_wait3A_1041 = arith.constant 0 : i32
    %dma_wait3A_1042 = tpu.memref_slice %arg2[%add3A_327, %dma_wait3A_1041] : memref<16384x1024xf32, #tpu.memory_space<hbm>> -> memref<1x1024xf32, #tpu.memory_space<hbm>>
    %dma_wait3A_1043 = tpu.memref_squeeze %dma_wait3A_1042 : memref<1x1024xf32, #tpu.memory_space<hbm>> -> memref<1024xf32, #tpu.memory_space<hbm>>
    %dma_wait3A_1044 = arith.constant 27648 : i32
    %dma_wait3A_1045 = tpu.memref_slice %arg6[%dma_wait3A_1044] : memref<65536xf32, #tpu.memory_space<vmem>> -> memref<1024xf32, #tpu.memory_space<vmem>>
    %dma_wait3A_1046 = arith.constant 0 : i32
    %dma_wait3A_1047 = tpu.memref_slice %arg2[%add3A_327, %dma_wait3A_1046] : memref<16384x1024xf32, #tpu.memory_space<hbm>> -> memref<1x1024xf32, #tpu.memory_space<hbm>>
    %dma_wait3A_1048 = tpu.memref_squeeze %dma_wait3A_1047 : memref<1x1024xf32, #tpu.memory_space<hbm>> -> memref<1024xf32, #tpu.memory_space<hbm>>
    tpu.wait_dma2 semaphore(%arg10 : memref<!tpu.dma_semaphore, #tpu.memory_space<semaphore_mem>>) src(%dma_wait3A_1048 : memref<1024xf32, #tpu.memory_space<hbm>>) dst(%dma_wait3A_1045 : memref<1024xf32, #tpu.memory_space<vmem>>)
    %dma_wait3A_1049 = arith.constant 28672 : i32
    %dma_wait3A_1050 = tpu.memref_slice %arg6[%dma_wait3A_1049] : memref<65536xf32, #tpu.memory_space<vmem>> -> memref<1024xf32, #tpu.memory_space<vmem>>
    %dma_wait3A_1051 = arith.constant 0 : i32
    %dma_wait3A_1052 = tpu.memref_slice %arg2[%add3A_339, %dma_wait3A_1051] : memref<16384x1024xf32, #tpu.memory_space<hbm>> -> memref<1x1024xf32, #tpu.memory_space<hbm>>
    %dma_wait3A_1053 = tpu.memref_squeeze %dma_wait3A_1052 : memref<1x1024xf32, #tpu.memory_space<hbm>> -> memref<1024xf32, #tpu.memory_space<hbm>>
    %dma_wait3A_1054 = arith.constant 28672 : i32
    %dma_wait3A_1055 = tpu.memref_slice %arg6[%dma_wait3A_1054] : memref<65536xf32, #tpu.memory_space<vmem>> -> memref<1024xf32, #tpu.memory_space<vmem>>
    %dma_wait3A_1056 = arith.constant 0 : i32
    %dma_wait3A_1057 = tpu.memref_slice %arg2[%add3A_339, %dma_wait3A_1056] : memref<16384x1024xf32, #tpu.memory_space<hbm>> -> memref<1x1024xf32, #tpu.memory_space<hbm>>
    %dma_wait3A_1058 = tpu.memref_squeeze %dma_wait3A_1057 : memref<1x1024xf32, #tpu.memory_space<hbm>> -> memref<1024xf32, #tpu.memory_space<hbm>>
    tpu.wait_dma2 semaphore(%arg10 : memref<!tpu.dma_semaphore, #tpu.memory_space<semaphore_mem>>) src(%dma_wait3A_1058 : memref<1024xf32, #tpu.memory_space<hbm>>) dst(%dma_wait3A_1055 : memref<1024xf32, #tpu.memory_space<vmem>>)
    %dma_wait3A_1059 = arith.constant 29696 : i32
    %dma_wait3A_1060 = tpu.memref_slice %arg6[%dma_wait3A_1059] : memref<65536xf32, #tpu.memory_space<vmem>> -> memref<1024xf32, #tpu.memory_space<vmem>>
    %dma_wait3A_1061 = arith.constant 0 : i32
    %dma_wait3A_1062 = tpu.memref_slice %arg2[%add3A_351, %dma_wait3A_1061] : memref<16384x1024xf32, #tpu.memory_space<hbm>> -> memref<1x1024xf32, #tpu.memory_space<hbm>>
    %dma_wait3A_1063 = tpu.memref_squeeze %dma_wait3A_1062 : memref<1x1024xf32, #tpu.memory_space<hbm>> -> memref<1024xf32, #tpu.memory_space<hbm>>
    %dma_wait3A_1064 = arith.constant 29696 : i32
    %dma_wait3A_1065 = tpu.memref_slice %arg6[%dma_wait3A_1064] : memref<65536xf32, #tpu.memory_space<vmem>> -> memref<1024xf32, #tpu.memory_space<vmem>>
    %dma_wait3A_1066 = arith.constant 0 : i32
    %dma_wait3A_1067 = tpu.memref_slice %arg2[%add3A_351, %dma_wait3A_1066] : memref<16384x1024xf32, #tpu.memory_space<hbm>> -> memref<1x1024xf32, #tpu.memory_space<hbm>>
    %dma_wait3A_1068 = tpu.memref_squeeze %dma_wait3A_1067 : memref<1x1024xf32, #tpu.memory_space<hbm>> -> memref<1024xf32, #tpu.memory_space<hbm>>
    tpu.wait_dma2 semaphore(%arg10 : memref<!tpu.dma_semaphore, #tpu.memory_space<semaphore_mem>>) src(%dma_wait3A_1068 : memref<1024xf32, #tpu.memory_space<hbm>>) dst(%dma_wait3A_1065 : memref<1024xf32, #tpu.memory_space<vmem>>)
    %dma_wait3A_1069 = arith.constant 30720 : i32
    %dma_wait3A_1070 = tpu.memref_slice %arg6[%dma_wait3A_1069] : memref<65536xf32, #tpu.memory_space<vmem>> -> memref<1024xf32, #tpu.memory_space<vmem>>
    %dma_wait3A_1071 = arith.constant 0 : i32
    %dma_wait3A_1072 = tpu.memref_slice %arg2[%add3A_363, %dma_wait3A_1071] : memref<16384x1024xf32, #tpu.memory_space<hbm>> -> memref<1x1024xf32, #tpu.memory_space<hbm>>
    %dma_wait3A_1073 = tpu.memref_squeeze %dma_wait3A_1072 : memref<1x1024xf32, #tpu.memory_space<hbm>> -> memref<1024xf32, #tpu.memory_space<hbm>>
    %dma_wait3A_1074 = arith.constant 30720 : i32
    %dma_wait3A_1075 = tpu.memref_slice %arg6[%dma_wait3A_1074] : memref<65536xf32, #tpu.memory_space<vmem>> -> memref<1024xf32, #tpu.memory_space<vmem>>
    %dma_wait3A_1076 = arith.constant 0 : i32
    %dma_wait3A_1077 = tpu.memref_slice %arg2[%add3A_363, %dma_wait3A_1076] : memref<16384x1024xf32, #tpu.memory_space<hbm>> -> memref<1x1024xf32, #tpu.memory_space<hbm>>
    %dma_wait3A_1078 = tpu.memref_squeeze %dma_wait3A_1077 : memref<1x1024xf32, #tpu.memory_space<hbm>> -> memref<1024xf32, #tpu.memory_space<hbm>>
    tpu.wait_dma2 semaphore(%arg10 : memref<!tpu.dma_semaphore, #tpu.memory_space<semaphore_mem>>) src(%dma_wait3A_1078 : memref<1024xf32, #tpu.memory_space<hbm>>) dst(%dma_wait3A_1075 : memref<1024xf32, #tpu.memory_space<vmem>>)
    %dma_wait3A_1079 = arith.constant 31744 : i32
    %dma_wait3A_1080 = tpu.memref_slice %arg6[%dma_wait3A_1079] : memref<65536xf32, #tpu.memory_space<vmem>> -> memref<1024xf32, #tpu.memory_space<vmem>>
    %dma_wait3A_1081 = arith.constant 0 : i32
    %dma_wait3A_1082 = tpu.memref_slice %arg2[%add3A_375, %dma_wait3A_1081] : memref<16384x1024xf32, #tpu.memory_space<hbm>> -> memref<1x1024xf32, #tpu.memory_space<hbm>>
    %dma_wait3A_1083 = tpu.memref_squeeze %dma_wait3A_1082 : memref<1x1024xf32, #tpu.memory_space<hbm>> -> memref<1024xf32, #tpu.memory_space<hbm>>
    %dma_wait3A_1084 = arith.constant 31744 : i32
    %dma_wait3A_1085 = tpu.memref_slice %arg6[%dma_wait3A_1084] : memref<65536xf32, #tpu.memory_space<vmem>> -> memref<1024xf32, #tpu.memory_space<vmem>>
    %dma_wait3A_1086 = arith.constant 0 : i32
    %dma_wait3A_1087 = tpu.memref_slice %arg2[%add3A_375, %dma_wait3A_1086] : memref<16384x1024xf32, #tpu.memory_space<hbm>> -> memref<1x1024xf32, #tpu.memory_space<hbm>>
    %dma_wait3A_1088 = tpu.memref_squeeze %dma_wait3A_1087 : memref<1x1024xf32, #tpu.memory_space<hbm>> -> memref<1024xf32, #tpu.memory_space<hbm>>
    tpu.wait_dma2 semaphore(%arg10 : memref<!tpu.dma_semaphore, #tpu.memory_space<semaphore_mem>>) src(%dma_wait3A_1088 : memref<1024xf32, #tpu.memory_space<hbm>>) dst(%dma_wait3A_1085 : memref<1024xf32, #tpu.memory_space<vmem>>)
    %dma_wait3A_1089 = arith.constant 32768 : i32
    %dma_wait3A_1090 = tpu.memref_slice %arg6[%dma_wait3A_1089] : memref<65536xf32, #tpu.memory_space<vmem>> -> memref<1024xf32, #tpu.memory_space<vmem>>
    %dma_wait3A_1091 = arith.constant 0 : i32
    %dma_wait3A_1092 = tpu.memref_slice %arg2[%add3A_387, %dma_wait3A_1091] : memref<16384x1024xf32, #tpu.memory_space<hbm>> -> memref<1x1024xf32, #tpu.memory_space<hbm>>
    %dma_wait3A_1093 = tpu.memref_squeeze %dma_wait3A_1092 : memref<1x1024xf32, #tpu.memory_space<hbm>> -> memref<1024xf32, #tpu.memory_space<hbm>>
    %dma_wait3A_1094 = arith.constant 32768 : i32
    %dma_wait3A_1095 = tpu.memref_slice %arg6[%dma_wait3A_1094] : memref<65536xf32, #tpu.memory_space<vmem>> -> memref<1024xf32, #tpu.memory_space<vmem>>
    %dma_wait3A_1096 = arith.constant 0 : i32
    %dma_wait3A_1097 = tpu.memref_slice %arg2[%add3A_387, %dma_wait3A_1096] : memref<16384x1024xf32, #tpu.memory_space<hbm>> -> memref<1x1024xf32, #tpu.memory_space<hbm>>
    %dma_wait3A_1098 = tpu.memref_squeeze %dma_wait3A_1097 : memref<1x1024xf32, #tpu.memory_space<hbm>> -> memref<1024xf32, #tpu.memory_space<hbm>>
    tpu.wait_dma2 semaphore(%arg10 : memref<!tpu.dma_semaphore, #tpu.memory_space<semaphore_mem>>) src(%dma_wait3A_1098 : memref<1024xf32, #tpu.memory_space<hbm>>) dst(%dma_wait3A_1095 : memref<1024xf32, #tpu.memory_space<vmem>>)
    %dma_wait3A_1099 = arith.constant 33792 : i32
    %dma_wait3A_1100 = tpu.memref_slice %arg6[%dma_wait3A_1099] : memref<65536xf32, #tpu.memory_space<vmem>> -> memref<1024xf32, #tpu.memory_space<vmem>>
    %dma_wait3A_1101 = arith.constant 0 : i32
    %dma_wait3A_1102 = tpu.memref_slice %arg2[%add3A_399, %dma_wait3A_1101] : memref<16384x1024xf32, #tpu.memory_space<hbm>> -> memref<1x1024xf32, #tpu.memory_space<hbm>>
    %dma_wait3A_1103 = tpu.memref_squeeze %dma_wait3A_1102 : memref<1x1024xf32, #tpu.memory_space<hbm>> -> memref<1024xf32, #tpu.memory_space<hbm>>
    %dma_wait3A_1104 = arith.constant 33792 : i32
    %dma_wait3A_1105 = tpu.memref_slice %arg6[%dma_wait3A_1104] : memref<65536xf32, #tpu.memory_space<vmem>> -> memref<1024xf32, #tpu.memory_space<vmem>>
    %dma_wait3A_1106 = arith.constant 0 : i32
    %dma_wait3A_1107 = tpu.memref_slice %arg2[%add3A_399, %dma_wait3A_1106] : memref<16384x1024xf32, #tpu.memory_space<hbm>> -> memref<1x1024xf32, #tpu.memory_space<hbm>>
    %dma_wait3A_1108 = tpu.memref_squeeze %dma_wait3A_1107 : memref<1x1024xf32, #tpu.memory_space<hbm>> -> memref<1024xf32, #tpu.memory_space<hbm>>
    tpu.wait_dma2 semaphore(%arg10 : memref<!tpu.dma_semaphore, #tpu.memory_space<semaphore_mem>>) src(%dma_wait3A_1108 : memref<1024xf32, #tpu.memory_space<hbm>>) dst(%dma_wait3A_1105 : memref<1024xf32, #tpu.memory_space<vmem>>)
    %dma_wait3A_1109 = arith.constant 34816 : i32
    %dma_wait3A_1110 = tpu.memref_slice %arg6[%dma_wait3A_1109] : memref<65536xf32, #tpu.memory_space<vmem>> -> memref<1024xf32, #tpu.memory_space<vmem>>
    %dma_wait3A_1111 = arith.constant 0 : i32
    %dma_wait3A_1112 = tpu.memref_slice %arg2[%add3A_411, %dma_wait3A_1111] : memref<16384x1024xf32, #tpu.memory_space<hbm>> -> memref<1x1024xf32, #tpu.memory_space<hbm>>
    %dma_wait3A_1113 = tpu.memref_squeeze %dma_wait3A_1112 : memref<1x1024xf32, #tpu.memory_space<hbm>> -> memref<1024xf32, #tpu.memory_space<hbm>>
    %dma_wait3A_1114 = arith.constant 34816 : i32
    %dma_wait3A_1115 = tpu.memref_slice %arg6[%dma_wait3A_1114] : memref<65536xf32, #tpu.memory_space<vmem>> -> memref<1024xf32, #tpu.memory_space<vmem>>
    %dma_wait3A_1116 = arith.constant 0 : i32
    %dma_wait3A_1117 = tpu.memref_slice %arg2[%add3A_411, %dma_wait3A_1116] : memref<16384x1024xf32, #tpu.memory_space<hbm>> -> memref<1x1024xf32, #tpu.memory_space<hbm>>
    %dma_wait3A_1118 = tpu.memref_squeeze %dma_wait3A_1117 : memref<1x1024xf32, #tpu.memory_space<hbm>> -> memref<1024xf32, #tpu.memory_space<hbm>>
    tpu.wait_dma2 semaphore(%arg10 : memref<!tpu.dma_semaphore, #tpu.memory_space<semaphore_mem>>) src(%dma_wait3A_1118 : memref<1024xf32, #tpu.memory_space<hbm>>) dst(%dma_wait3A_1115 : memref<1024xf32, #tpu.memory_space<vmem>>)
    %dma_wait3A_1119 = arith.constant 35840 : i32
    %dma_wait3A_1120 = tpu.memref_slice %arg6[%dma_wait3A_1119] : memref<65536xf32, #tpu.memory_space<vmem>> -> memref<1024xf32, #tpu.memory_space<vmem>>
    %dma_wait3A_1121 = arith.constant 0 : i32
    %dma_wait3A_1122 = tpu.memref_slice %arg2[%add3A_423, %dma_wait3A_1121] : memref<16384x1024xf32, #tpu.memory_space<hbm>> -> memref<1x1024xf32, #tpu.memory_space<hbm>>
    %dma_wait3A_1123 = tpu.memref_squeeze %dma_wait3A_1122 : memref<1x1024xf32, #tpu.memory_space<hbm>> -> memref<1024xf32, #tpu.memory_space<hbm>>
    %dma_wait3A_1124 = arith.constant 35840 : i32
    %dma_wait3A_1125 = tpu.memref_slice %arg6[%dma_wait3A_1124] : memref<65536xf32, #tpu.memory_space<vmem>> -> memref<1024xf32, #tpu.memory_space<vmem>>
    %dma_wait3A_1126 = arith.constant 0 : i32
    %dma_wait3A_1127 = tpu.memref_slice %arg2[%add3A_423, %dma_wait3A_1126] : memref<16384x1024xf32, #tpu.memory_space<hbm>> -> memref<1x1024xf32, #tpu.memory_space<hbm>>
    %dma_wait3A_1128 = tpu.memref_squeeze %dma_wait3A_1127 : memref<1x1024xf32, #tpu.memory_space<hbm>> -> memref<1024xf32, #tpu.memory_space<hbm>>
    tpu.wait_dma2 semaphore(%arg10 : memref<!tpu.dma_semaphore, #tpu.memory_space<semaphore_mem>>) src(%dma_wait3A_1128 : memref<1024xf32, #tpu.memory_space<hbm>>) dst(%dma_wait3A_1125 : memref<1024xf32, #tpu.memory_space<vmem>>)
    %dma_wait3A_1129 = arith.constant 36864 : i32
    %dma_wait3A_1130 = tpu.memref_slice %arg6[%dma_wait3A_1129] : memref<65536xf32, #tpu.memory_space<vmem>> -> memref<1024xf32, #tpu.memory_space<vmem>>
    %dma_wait3A_1131 = arith.constant 0 : i32
    %dma_wait3A_1132 = tpu.memref_slice %arg2[%add3A_435, %dma_wait3A_1131] : memref<16384x1024xf32, #tpu.memory_space<hbm>> -> memref<1x1024xf32, #tpu.memory_space<hbm>>
    %dma_wait3A_1133 = tpu.memref_squeeze %dma_wait3A_1132 : memref<1x1024xf32, #tpu.memory_space<hbm>> -> memref<1024xf32, #tpu.memory_space<hbm>>
    %dma_wait3A_1134 = arith.constant 36864 : i32
    %dma_wait3A_1135 = tpu.memref_slice %arg6[%dma_wait3A_1134] : memref<65536xf32, #tpu.memory_space<vmem>> -> memref<1024xf32, #tpu.memory_space<vmem>>
    %dma_wait3A_1136 = arith.constant 0 : i32
    %dma_wait3A_1137 = tpu.memref_slice %arg2[%add3A_435, %dma_wait3A_1136] : memref<16384x1024xf32, #tpu.memory_space<hbm>> -> memref<1x1024xf32, #tpu.memory_space<hbm>>
    %dma_wait3A_1138 = tpu.memref_squeeze %dma_wait3A_1137 : memref<1x1024xf32, #tpu.memory_space<hbm>> -> memref<1024xf32, #tpu.memory_space<hbm>>
    tpu.wait_dma2 semaphore(%arg10 : memref<!tpu.dma_semaphore, #tpu.memory_space<semaphore_mem>>) src(%dma_wait3A_1138 : memref<1024xf32, #tpu.memory_space<hbm>>) dst(%dma_wait3A_1135 : memref<1024xf32, #tpu.memory_space<vmem>>)
    %dma_wait3A_1139 = arith.constant 37888 : i32
    %dma_wait3A_1140 = tpu.memref_slice %arg6[%dma_wait3A_1139] : memref<65536xf32, #tpu.memory_space<vmem>> -> memref<1024xf32, #tpu.memory_space<vmem>>
    %dma_wait3A_1141 = arith.constant 0 : i32
    %dma_wait3A_1142 = tpu.memref_slice %arg2[%add3A_447, %dma_wait3A_1141] : memref<16384x1024xf32, #tpu.memory_space<hbm>> -> memref<1x1024xf32, #tpu.memory_space<hbm>>
    %dma_wait3A_1143 = tpu.memref_squeeze %dma_wait3A_1142 : memref<1x1024xf32, #tpu.memory_space<hbm>> -> memref<1024xf32, #tpu.memory_space<hbm>>
    %dma_wait3A_1144 = arith.constant 37888 : i32
    %dma_wait3A_1145 = tpu.memref_slice %arg6[%dma_wait3A_1144] : memref<65536xf32, #tpu.memory_space<vmem>> -> memref<1024xf32, #tpu.memory_space<vmem>>
    %dma_wait3A_1146 = arith.constant 0 : i32
    %dma_wait3A_1147 = tpu.memref_slice %arg2[%add3A_447, %dma_wait3A_1146] : memref<16384x1024xf32, #tpu.memory_space<hbm>> -> memref<1x1024xf32, #tpu.memory_space<hbm>>
    %dma_wait3A_1148 = tpu.memref_squeeze %dma_wait3A_1147 : memref<1x1024xf32, #tpu.memory_space<hbm>> -> memref<1024xf32, #tpu.memory_space<hbm>>
    tpu.wait_dma2 semaphore(%arg10 : memref<!tpu.dma_semaphore, #tpu.memory_space<semaphore_mem>>) src(%dma_wait3A_1148 : memref<1024xf32, #tpu.memory_space<hbm>>) dst(%dma_wait3A_1145 : memref<1024xf32, #tpu.memory_space<vmem>>)
    %dma_wait3A_1149 = arith.constant 38912 : i32
    %dma_wait3A_1150 = tpu.memref_slice %arg6[%dma_wait3A_1149] : memref<65536xf32, #tpu.memory_space<vmem>> -> memref<1024xf32, #tpu.memory_space<vmem>>
    %dma_wait3A_1151 = arith.constant 0 : i32
    %dma_wait3A_1152 = tpu.memref_slice %arg2[%add3A_459, %dma_wait3A_1151] : memref<16384x1024xf32, #tpu.memory_space<hbm>> -> memref<1x1024xf32, #tpu.memory_space<hbm>>
    %dma_wait3A_1153 = tpu.memref_squeeze %dma_wait3A_1152 : memref<1x1024xf32, #tpu.memory_space<hbm>> -> memref<1024xf32, #tpu.memory_space<hbm>>
    %dma_wait3A_1154 = arith.constant 38912 : i32
    %dma_wait3A_1155 = tpu.memref_slice %arg6[%dma_wait3A_1154] : memref<65536xf32, #tpu.memory_space<vmem>> -> memref<1024xf32, #tpu.memory_space<vmem>>
    %dma_wait3A_1156 = arith.constant 0 : i32
    %dma_wait3A_1157 = tpu.memref_slice %arg2[%add3A_459, %dma_wait3A_1156] : memref<16384x1024xf32, #tpu.memory_space<hbm>> -> memref<1x1024xf32, #tpu.memory_space<hbm>>
    %dma_wait3A_1158 = tpu.memref_squeeze %dma_wait3A_1157 : memref<1x1024xf32, #tpu.memory_space<hbm>> -> memref<1024xf32, #tpu.memory_space<hbm>>
    tpu.wait_dma2 semaphore(%arg10 : memref<!tpu.dma_semaphore, #tpu.memory_space<semaphore_mem>>) src(%dma_wait3A_1158 : memref<1024xf32, #tpu.memory_space<hbm>>) dst(%dma_wait3A_1155 : memref<1024xf32, #tpu.memory_space<vmem>>)
    %dma_wait3A_1159 = arith.constant 39936 : i32
    %dma_wait3A_1160 = tpu.memref_slice %arg6[%dma_wait3A_1159] : memref<65536xf32, #tpu.memory_space<vmem>> -> memref<1024xf32, #tpu.memory_space<vmem>>
    %dma_wait3A_1161 = arith.constant 0 : i32
    %dma_wait3A_1162 = tpu.memref_slice %arg2[%add3A_471, %dma_wait3A_1161] : memref<16384x1024xf32, #tpu.memory_space<hbm>> -> memref<1x1024xf32, #tpu.memory_space<hbm>>
    %dma_wait3A_1163 = tpu.memref_squeeze %dma_wait3A_1162 : memref<1x1024xf32, #tpu.memory_space<hbm>> -> memref<1024xf32, #tpu.memory_space<hbm>>
    %dma_wait3A_1164 = arith.constant 39936 : i32
    %dma_wait3A_1165 = tpu.memref_slice %arg6[%dma_wait3A_1164] : memref<65536xf32, #tpu.memory_space<vmem>> -> memref<1024xf32, #tpu.memory_space<vmem>>
    %dma_wait3A_1166 = arith.constant 0 : i32
    %dma_wait3A_1167 = tpu.memref_slice %arg2[%add3A_471, %dma_wait3A_1166] : memref<16384x1024xf32, #tpu.memory_space<hbm>> -> memref<1x1024xf32, #tpu.memory_space<hbm>>
    %dma_wait3A_1168 = tpu.memref_squeeze %dma_wait3A_1167 : memref<1x1024xf32, #tpu.memory_space<hbm>> -> memref<1024xf32, #tpu.memory_space<hbm>>
    tpu.wait_dma2 semaphore(%arg10 : memref<!tpu.dma_semaphore, #tpu.memory_space<semaphore_mem>>) src(%dma_wait3A_1168 : memref<1024xf32, #tpu.memory_space<hbm>>) dst(%dma_wait3A_1165 : memref<1024xf32, #tpu.memory_space<vmem>>)
    %dma_wait3A_1169 = arith.constant 40960 : i32
    %dma_wait3A_1170 = tpu.memref_slice %arg6[%dma_wait3A_1169] : memref<65536xf32, #tpu.memory_space<vmem>> -> memref<1024xf32, #tpu.memory_space<vmem>>
    %dma_wait3A_1171 = arith.constant 0 : i32
    %dma_wait3A_1172 = tpu.memref_slice %arg2[%add3A_483, %dma_wait3A_1171] : memref<16384x1024xf32, #tpu.memory_space<hbm>> -> memref<1x1024xf32, #tpu.memory_space<hbm>>
    %dma_wait3A_1173 = tpu.memref_squeeze %dma_wait3A_1172 : memref<1x1024xf32, #tpu.memory_space<hbm>> -> memref<1024xf32, #tpu.memory_space<hbm>>
    %dma_wait3A_1174 = arith.constant 40960 : i32
    %dma_wait3A_1175 = tpu.memref_slice %arg6[%dma_wait3A_1174] : memref<65536xf32, #tpu.memory_space<vmem>> -> memref<1024xf32, #tpu.memory_space<vmem>>
    %dma_wait3A_1176 = arith.constant 0 : i32
    %dma_wait3A_1177 = tpu.memref_slice %arg2[%add3A_483, %dma_wait3A_1176] : memref<16384x1024xf32, #tpu.memory_space<hbm>> -> memref<1x1024xf32, #tpu.memory_space<hbm>>
    %dma_wait3A_1178 = tpu.memref_squeeze %dma_wait3A_1177 : memref<1x1024xf32, #tpu.memory_space<hbm>> -> memref<1024xf32, #tpu.memory_space<hbm>>
    tpu.wait_dma2 semaphore(%arg10 : memref<!tpu.dma_semaphore, #tpu.memory_space<semaphore_mem>>) src(%dma_wait3A_1178 : memref<1024xf32, #tpu.memory_space<hbm>>) dst(%dma_wait3A_1175 : memref<1024xf32, #tpu.memory_space<vmem>>)
    %dma_wait3A_1179 = arith.constant 41984 : i32
    %dma_wait3A_1180 = tpu.memref_slice %arg6[%dma_wait3A_1179] : memref<65536xf32, #tpu.memory_space<vmem>> -> memref<1024xf32, #tpu.memory_space<vmem>>
    %dma_wait3A_1181 = arith.constant 0 : i32
    %dma_wait3A_1182 = tpu.memref_slice %arg2[%add3A_495, %dma_wait3A_1181] : memref<16384x1024xf32, #tpu.memory_space<hbm>> -> memref<1x1024xf32, #tpu.memory_space<hbm>>
    %dma_wait3A_1183 = tpu.memref_squeeze %dma_wait3A_1182 : memref<1x1024xf32, #tpu.memory_space<hbm>> -> memref<1024xf32, #tpu.memory_space<hbm>>
    %dma_wait3A_1184 = arith.constant 41984 : i32
    %dma_wait3A_1185 = tpu.memref_slice %arg6[%dma_wait3A_1184] : memref<65536xf32, #tpu.memory_space<vmem>> -> memref<1024xf32, #tpu.memory_space<vmem>>
    %dma_wait3A_1186 = arith.constant 0 : i32
    %dma_wait3A_1187 = tpu.memref_slice %arg2[%add3A_495, %dma_wait3A_1186] : memref<16384x1024xf32, #tpu.memory_space<hbm>> -> memref<1x1024xf32, #tpu.memory_space<hbm>>
    %dma_wait3A_1188 = tpu.memref_squeeze %dma_wait3A_1187 : memref<1x1024xf32, #tpu.memory_space<hbm>> -> memref<1024xf32, #tpu.memory_space<hbm>>
    tpu.wait_dma2 semaphore(%arg10 : memref<!tpu.dma_semaphore, #tpu.memory_space<semaphore_mem>>) src(%dma_wait3A_1188 : memref<1024xf32, #tpu.memory_space<hbm>>) dst(%dma_wait3A_1185 : memref<1024xf32, #tpu.memory_space<vmem>>)
    %dma_wait3A_1189 = arith.constant 43008 : i32
    %dma_wait3A_1190 = tpu.memref_slice %arg6[%dma_wait3A_1189] : memref<65536xf32, #tpu.memory_space<vmem>> -> memref<1024xf32, #tpu.memory_space<vmem>>
    %dma_wait3A_1191 = arith.constant 0 : i32
    %dma_wait3A_1192 = tpu.memref_slice %arg2[%add3A_507, %dma_wait3A_1191] : memref<16384x1024xf32, #tpu.memory_space<hbm>> -> memref<1x1024xf32, #tpu.memory_space<hbm>>
    %dma_wait3A_1193 = tpu.memref_squeeze %dma_wait3A_1192 : memref<1x1024xf32, #tpu.memory_space<hbm>> -> memref<1024xf32, #tpu.memory_space<hbm>>
    %dma_wait3A_1194 = arith.constant 43008 : i32
    %dma_wait3A_1195 = tpu.memref_slice %arg6[%dma_wait3A_1194] : memref<65536xf32, #tpu.memory_space<vmem>> -> memref<1024xf32, #tpu.memory_space<vmem>>
    %dma_wait3A_1196 = arith.constant 0 : i32
    %dma_wait3A_1197 = tpu.memref_slice %arg2[%add3A_507, %dma_wait3A_1196] : memref<16384x1024xf32, #tpu.memory_space<hbm>> -> memref<1x1024xf32, #tpu.memory_space<hbm>>
    %dma_wait3A_1198 = tpu.memref_squeeze %dma_wait3A_1197 : memref<1x1024xf32, #tpu.memory_space<hbm>> -> memref<1024xf32, #tpu.memory_space<hbm>>
    tpu.wait_dma2 semaphore(%arg10 : memref<!tpu.dma_semaphore, #tpu.memory_space<semaphore_mem>>) src(%dma_wait3A_1198 : memref<1024xf32, #tpu.memory_space<hbm>>) dst(%dma_wait3A_1195 : memref<1024xf32, #tpu.memory_space<vmem>>)
    %dma_wait3A_1199 = arith.constant 44032 : i32
    %dma_wait3A_1200 = tpu.memref_slice %arg6[%dma_wait3A_1199] : memref<65536xf32, #tpu.memory_space<vmem>> -> memref<1024xf32, #tpu.memory_space<vmem>>
    %dma_wait3A_1201 = arith.constant 0 : i32
    %dma_wait3A_1202 = tpu.memref_slice %arg2[%add3A_519, %dma_wait3A_1201] : memref<16384x1024xf32, #tpu.memory_space<hbm>> -> memref<1x1024xf32, #tpu.memory_space<hbm>>
    %dma_wait3A_1203 = tpu.memref_squeeze %dma_wait3A_1202 : memref<1x1024xf32, #tpu.memory_space<hbm>> -> memref<1024xf32, #tpu.memory_space<hbm>>
    %dma_wait3A_1204 = arith.constant 44032 : i32
    %dma_wait3A_1205 = tpu.memref_slice %arg6[%dma_wait3A_1204] : memref<65536xf32, #tpu.memory_space<vmem>> -> memref<1024xf32, #tpu.memory_space<vmem>>
    %dma_wait3A_1206 = arith.constant 0 : i32
    %dma_wait3A_1207 = tpu.memref_slice %arg2[%add3A_519, %dma_wait3A_1206] : memref<16384x1024xf32, #tpu.memory_space<hbm>> -> memref<1x1024xf32, #tpu.memory_space<hbm>>
    %dma_wait3A_1208 = tpu.memref_squeeze %dma_wait3A_1207 : memref<1x1024xf32, #tpu.memory_space<hbm>> -> memref<1024xf32, #tpu.memory_space<hbm>>
    tpu.wait_dma2 semaphore(%arg10 : memref<!tpu.dma_semaphore, #tpu.memory_space<semaphore_mem>>) src(%dma_wait3A_1208 : memref<1024xf32, #tpu.memory_space<hbm>>) dst(%dma_wait3A_1205 : memref<1024xf32, #tpu.memory_space<vmem>>)
    %dma_wait3A_1209 = arith.constant 45056 : i32
    %dma_wait3A_1210 = tpu.memref_slice %arg6[%dma_wait3A_1209] : memref<65536xf32, #tpu.memory_space<vmem>> -> memref<1024xf32, #tpu.memory_space<vmem>>
    %dma_wait3A_1211 = arith.constant 0 : i32
    %dma_wait3A_1212 = tpu.memref_slice %arg2[%add3A_531, %dma_wait3A_1211] : memref<16384x1024xf32, #tpu.memory_space<hbm>> -> memref<1x1024xf32, #tpu.memory_space<hbm>>
    %dma_wait3A_1213 = tpu.memref_squeeze %dma_wait3A_1212 : memref<1x1024xf32, #tpu.memory_space<hbm>> -> memref<1024xf32, #tpu.memory_space<hbm>>
    %dma_wait3A_1214 = arith.constant 45056 : i32
    %dma_wait3A_1215 = tpu.memref_slice %arg6[%dma_wait3A_1214] : memref<65536xf32, #tpu.memory_space<vmem>> -> memref<1024xf32, #tpu.memory_space<vmem>>
    %dma_wait3A_1216 = arith.constant 0 : i32
    %dma_wait3A_1217 = tpu.memref_slice %arg2[%add3A_531, %dma_wait3A_1216] : memref<16384x1024xf32, #tpu.memory_space<hbm>> -> memref<1x1024xf32, #tpu.memory_space<hbm>>
    %dma_wait3A_1218 = tpu.memref_squeeze %dma_wait3A_1217 : memref<1x1024xf32, #tpu.memory_space<hbm>> -> memref<1024xf32, #tpu.memory_space<hbm>>
    tpu.wait_dma2 semaphore(%arg10 : memref<!tpu.dma_semaphore, #tpu.memory_space<semaphore_mem>>) src(%dma_wait3A_1218 : memref<1024xf32, #tpu.memory_space<hbm>>) dst(%dma_wait3A_1215 : memref<1024xf32, #tpu.memory_space<vmem>>)
    %dma_wait3A_1219 = arith.constant 46080 : i32
    %dma_wait3A_1220 = tpu.memref_slice %arg6[%dma_wait3A_1219] : memref<65536xf32, #tpu.memory_space<vmem>> -> memref<1024xf32, #tpu.memory_space<vmem>>
    %dma_wait3A_1221 = arith.constant 0 : i32
    %dma_wait3A_1222 = tpu.memref_slice %arg2[%add3A_543, %dma_wait3A_1221] : memref<16384x1024xf32, #tpu.memory_space<hbm>> -> memref<1x1024xf32, #tpu.memory_space<hbm>>
    %dma_wait3A_1223 = tpu.memref_squeeze %dma_wait3A_1222 : memref<1x1024xf32, #tpu.memory_space<hbm>> -> memref<1024xf32, #tpu.memory_space<hbm>>
    %dma_wait3A_1224 = arith.constant 46080 : i32
    %dma_wait3A_1225 = tpu.memref_slice %arg6[%dma_wait3A_1224] : memref<65536xf32, #tpu.memory_space<vmem>> -> memref<1024xf32, #tpu.memory_space<vmem>>
    %dma_wait3A_1226 = arith.constant 0 : i32
    %dma_wait3A_1227 = tpu.memref_slice %arg2[%add3A_543, %dma_wait3A_1226] : memref<16384x1024xf32, #tpu.memory_space<hbm>> -> memref<1x1024xf32, #tpu.memory_space<hbm>>
    %dma_wait3A_1228 = tpu.memref_squeeze %dma_wait3A_1227 : memref<1x1024xf32, #tpu.memory_space<hbm>> -> memref<1024xf32, #tpu.memory_space<hbm>>
    tpu.wait_dma2 semaphore(%arg10 : memref<!tpu.dma_semaphore, #tpu.memory_space<semaphore_mem>>) src(%dma_wait3A_1228 : memref<1024xf32, #tpu.memory_space<hbm>>) dst(%dma_wait3A_1225 : memref<1024xf32, #tpu.memory_space<vmem>>)
    %dma_wait3A_1229 = arith.constant 47104 : i32
    %dma_wait3A_1230 = tpu.memref_slice %arg6[%dma_wait3A_1229] : memref<65536xf32, #tpu.memory_space<vmem>> -> memref<1024xf32, #tpu.memory_space<vmem>>
    %dma_wait3A_1231 = arith.constant 0 : i32
    %dma_wait3A_1232 = tpu.memref_slice %arg2[%add3A_555, %dma_wait3A_1231] : memref<16384x1024xf32, #tpu.memory_space<hbm>> -> memref<1x1024xf32, #tpu.memory_space<hbm>>
    %dma_wait3A_1233 = tpu.memref_squeeze %dma_wait3A_1232 : memref<1x1024xf32, #tpu.memory_space<hbm>> -> memref<1024xf32, #tpu.memory_space<hbm>>
    %dma_wait3A_1234 = arith.constant 47104 : i32
    %dma_wait3A_1235 = tpu.memref_slice %arg6[%dma_wait3A_1234] : memref<65536xf32, #tpu.memory_space<vmem>> -> memref<1024xf32, #tpu.memory_space<vmem>>
    %dma_wait3A_1236 = arith.constant 0 : i32
    %dma_wait3A_1237 = tpu.memref_slice %arg2[%add3A_555, %dma_wait3A_1236] : memref<16384x1024xf32, #tpu.memory_space<hbm>> -> memref<1x1024xf32, #tpu.memory_space<hbm>>
    %dma_wait3A_1238 = tpu.memref_squeeze %dma_wait3A_1237 : memref<1x1024xf32, #tpu.memory_space<hbm>> -> memref<1024xf32, #tpu.memory_space<hbm>>
    tpu.wait_dma2 semaphore(%arg10 : memref<!tpu.dma_semaphore, #tpu.memory_space<semaphore_mem>>) src(%dma_wait3A_1238 : memref<1024xf32, #tpu.memory_space<hbm>>) dst(%dma_wait3A_1235 : memref<1024xf32, #tpu.memory_space<vmem>>)
    %dma_wait3A_1239 = arith.constant 48128 : i32
    %dma_wait3A_1240 = tpu.memref_slice %arg6[%dma_wait3A_1239] : memref<65536xf32, #tpu.memory_space<vmem>> -> memref<1024xf32, #tpu.memory_space<vmem>>
    %dma_wait3A_1241 = arith.constant 0 : i32
    %dma_wait3A_1242 = tpu.memref_slice %arg2[%add3A_567, %dma_wait3A_1241] : memref<16384x1024xf32, #tpu.memory_space<hbm>> -> memref<1x1024xf32, #tpu.memory_space<hbm>>
    %dma_wait3A_1243 = tpu.memref_squeeze %dma_wait3A_1242 : memref<1x1024xf32, #tpu.memory_space<hbm>> -> memref<1024xf32, #tpu.memory_space<hbm>>
    %dma_wait3A_1244 = arith.constant 48128 : i32
    %dma_wait3A_1245 = tpu.memref_slice %arg6[%dma_wait3A_1244] : memref<65536xf32, #tpu.memory_space<vmem>> -> memref<1024xf32, #tpu.memory_space<vmem>>
    %dma_wait3A_1246 = arith.constant 0 : i32
    %dma_wait3A_1247 = tpu.memref_slice %arg2[%add3A_567, %dma_wait3A_1246] : memref<16384x1024xf32, #tpu.memory_space<hbm>> -> memref<1x1024xf32, #tpu.memory_space<hbm>>
    %dma_wait3A_1248 = tpu.memref_squeeze %dma_wait3A_1247 : memref<1x1024xf32, #tpu.memory_space<hbm>> -> memref<1024xf32, #tpu.memory_space<hbm>>
    tpu.wait_dma2 semaphore(%arg10 : memref<!tpu.dma_semaphore, #tpu.memory_space<semaphore_mem>>) src(%dma_wait3A_1248 : memref<1024xf32, #tpu.memory_space<hbm>>) dst(%dma_wait3A_1245 : memref<1024xf32, #tpu.memory_space<vmem>>)
    %dma_wait3A_1249 = arith.constant 49152 : i32
    %dma_wait3A_1250 = tpu.memref_slice %arg6[%dma_wait3A_1249] : memref<65536xf32, #tpu.memory_space<vmem>> -> memref<1024xf32, #tpu.memory_space<vmem>>
    %dma_wait3A_1251 = arith.constant 0 : i32
    %dma_wait3A_1252 = tpu.memref_slice %arg2[%add3A_579, %dma_wait3A_1251] : memref<16384x1024xf32, #tpu.memory_space<hbm>> -> memref<1x1024xf32, #tpu.memory_space<hbm>>
    %dma_wait3A_1253 = tpu.memref_squeeze %dma_wait3A_1252 : memref<1x1024xf32, #tpu.memory_space<hbm>> -> memref<1024xf32, #tpu.memory_space<hbm>>
    %dma_wait3A_1254 = arith.constant 49152 : i32
    %dma_wait3A_1255 = tpu.memref_slice %arg6[%dma_wait3A_1254] : memref<65536xf32, #tpu.memory_space<vmem>> -> memref<1024xf32, #tpu.memory_space<vmem>>
    %dma_wait3A_1256 = arith.constant 0 : i32
    %dma_wait3A_1257 = tpu.memref_slice %arg2[%add3A_579, %dma_wait3A_1256] : memref<16384x1024xf32, #tpu.memory_space<hbm>> -> memref<1x1024xf32, #tpu.memory_space<hbm>>
    %dma_wait3A_1258 = tpu.memref_squeeze %dma_wait3A_1257 : memref<1x1024xf32, #tpu.memory_space<hbm>> -> memref<1024xf32, #tpu.memory_space<hbm>>
    tpu.wait_dma2 semaphore(%arg10 : memref<!tpu.dma_semaphore, #tpu.memory_space<semaphore_mem>>) src(%dma_wait3A_1258 : memref<1024xf32, #tpu.memory_space<hbm>>) dst(%dma_wait3A_1255 : memref<1024xf32, #tpu.memory_space<vmem>>)
    %dma_wait3A_1259 = arith.constant 50176 : i32
    %dma_wait3A_1260 = tpu.memref_slice %arg6[%dma_wait3A_1259] : memref<65536xf32, #tpu.memory_space<vmem>> -> memref<1024xf32, #tpu.memory_space<vmem>>
    %dma_wait3A_1261 = arith.constant 0 : i32
    %dma_wait3A_1262 = tpu.memref_slice %arg2[%add3A_591, %dma_wait3A_1261] : memref<16384x1024xf32, #tpu.memory_space<hbm>> -> memref<1x1024xf32, #tpu.memory_space<hbm>>
    %dma_wait3A_1263 = tpu.memref_squeeze %dma_wait3A_1262 : memref<1x1024xf32, #tpu.memory_space<hbm>> -> memref<1024xf32, #tpu.memory_space<hbm>>
    %dma_wait3A_1264 = arith.constant 50176 : i32
    %dma_wait3A_1265 = tpu.memref_slice %arg6[%dma_wait3A_1264] : memref<65536xf32, #tpu.memory_space<vmem>> -> memref<1024xf32, #tpu.memory_space<vmem>>
    %dma_wait3A_1266 = arith.constant 0 : i32
    %dma_wait3A_1267 = tpu.memref_slice %arg2[%add3A_591, %dma_wait3A_1266] : memref<16384x1024xf32, #tpu.memory_space<hbm>> -> memref<1x1024xf32, #tpu.memory_space<hbm>>
    %dma_wait3A_1268 = tpu.memref_squeeze %dma_wait3A_1267 : memref<1x1024xf32, #tpu.memory_space<hbm>> -> memref<1024xf32, #tpu.memory_space<hbm>>
    tpu.wait_dma2 semaphore(%arg10 : memref<!tpu.dma_semaphore, #tpu.memory_space<semaphore_mem>>) src(%dma_wait3A_1268 : memref<1024xf32, #tpu.memory_space<hbm>>) dst(%dma_wait3A_1265 : memref<1024xf32, #tpu.memory_space<vmem>>)
    %dma_wait3A_1269 = arith.constant 51200 : i32
    %dma_wait3A_1270 = tpu.memref_slice %arg6[%dma_wait3A_1269] : memref<65536xf32, #tpu.memory_space<vmem>> -> memref<1024xf32, #tpu.memory_space<vmem>>
    %dma_wait3A_1271 = arith.constant 0 : i32
    %dma_wait3A_1272 = tpu.memref_slice %arg2[%add3A_603, %dma_wait3A_1271] : memref<16384x1024xf32, #tpu.memory_space<hbm>> -> memref<1x1024xf32, #tpu.memory_space<hbm>>
    %dma_wait3A_1273 = tpu.memref_squeeze %dma_wait3A_1272 : memref<1x1024xf32, #tpu.memory_space<hbm>> -> memref<1024xf32, #tpu.memory_space<hbm>>
    %dma_wait3A_1274 = arith.constant 51200 : i32
    %dma_wait3A_1275 = tpu.memref_slice %arg6[%dma_wait3A_1274] : memref<65536xf32, #tpu.memory_space<vmem>> -> memref<1024xf32, #tpu.memory_space<vmem>>
    %dma_wait3A_1276 = arith.constant 0 : i32
    %dma_wait3A_1277 = tpu.memref_slice %arg2[%add3A_603, %dma_wait3A_1276] : memref<16384x1024xf32, #tpu.memory_space<hbm>> -> memref<1x1024xf32, #tpu.memory_space<hbm>>
    %dma_wait3A_1278 = tpu.memref_squeeze %dma_wait3A_1277 : memref<1x1024xf32, #tpu.memory_space<hbm>> -> memref<1024xf32, #tpu.memory_space<hbm>>
    tpu.wait_dma2 semaphore(%arg10 : memref<!tpu.dma_semaphore, #tpu.memory_space<semaphore_mem>>) src(%dma_wait3A_1278 : memref<1024xf32, #tpu.memory_space<hbm>>) dst(%dma_wait3A_1275 : memref<1024xf32, #tpu.memory_space<vmem>>)
    %dma_wait3A_1279 = arith.constant 52224 : i32
    %dma_wait3A_1280 = tpu.memref_slice %arg6[%dma_wait3A_1279] : memref<65536xf32, #tpu.memory_space<vmem>> -> memref<1024xf32, #tpu.memory_space<vmem>>
    %dma_wait3A_1281 = arith.constant 0 : i32
    %dma_wait3A_1282 = tpu.memref_slice %arg2[%add3A_615, %dma_wait3A_1281] : memref<16384x1024xf32, #tpu.memory_space<hbm>> -> memref<1x1024xf32, #tpu.memory_space<hbm>>
    %dma_wait3A_1283 = tpu.memref_squeeze %dma_wait3A_1282 : memref<1x1024xf32, #tpu.memory_space<hbm>> -> memref<1024xf32, #tpu.memory_space<hbm>>
    %dma_wait3A_1284 = arith.constant 52224 : i32
    %dma_wait3A_1285 = tpu.memref_slice %arg6[%dma_wait3A_1284] : memref<65536xf32, #tpu.memory_space<vmem>> -> memref<1024xf32, #tpu.memory_space<vmem>>
    %dma_wait3A_1286 = arith.constant 0 : i32
    %dma_wait3A_1287 = tpu.memref_slice %arg2[%add3A_615, %dma_wait3A_1286] : memref<16384x1024xf32, #tpu.memory_space<hbm>> -> memref<1x1024xf32, #tpu.memory_space<hbm>>
    %dma_wait3A_1288 = tpu.memref_squeeze %dma_wait3A_1287 : memref<1x1024xf32, #tpu.memory_space<hbm>> -> memref<1024xf32, #tpu.memory_space<hbm>>
    tpu.wait_dma2 semaphore(%arg10 : memref<!tpu.dma_semaphore, #tpu.memory_space<semaphore_mem>>) src(%dma_wait3A_1288 : memref<1024xf32, #tpu.memory_space<hbm>>) dst(%dma_wait3A_1285 : memref<1024xf32, #tpu.memory_space<vmem>>)
    %dma_wait3A_1289 = arith.constant 53248 : i32
    %dma_wait3A_1290 = tpu.memref_slice %arg6[%dma_wait3A_1289] : memref<65536xf32, #tpu.memory_space<vmem>> -> memref<1024xf32, #tpu.memory_space<vmem>>
    %dma_wait3A_1291 = arith.constant 0 : i32
    %dma_wait3A_1292 = tpu.memref_slice %arg2[%add3A_627, %dma_wait3A_1291] : memref<16384x1024xf32, #tpu.memory_space<hbm>> -> memref<1x1024xf32, #tpu.memory_space<hbm>>
    %dma_wait3A_1293 = tpu.memref_squeeze %dma_wait3A_1292 : memref<1x1024xf32, #tpu.memory_space<hbm>> -> memref<1024xf32, #tpu.memory_space<hbm>>
    %dma_wait3A_1294 = arith.constant 53248 : i32
    %dma_wait3A_1295 = tpu.memref_slice %arg6[%dma_wait3A_1294] : memref<65536xf32, #tpu.memory_space<vmem>> -> memref<1024xf32, #tpu.memory_space<vmem>>
    %dma_wait3A_1296 = arith.constant 0 : i32
    %dma_wait3A_1297 = tpu.memref_slice %arg2[%add3A_627, %dma_wait3A_1296] : memref<16384x1024xf32, #tpu.memory_space<hbm>> -> memref<1x1024xf32, #tpu.memory_space<hbm>>
    %dma_wait3A_1298 = tpu.memref_squeeze %dma_wait3A_1297 : memref<1x1024xf32, #tpu.memory_space<hbm>> -> memref<1024xf32, #tpu.memory_space<hbm>>
    tpu.wait_dma2 semaphore(%arg10 : memref<!tpu.dma_semaphore, #tpu.memory_space<semaphore_mem>>) src(%dma_wait3A_1298 : memref<1024xf32, #tpu.memory_space<hbm>>) dst(%dma_wait3A_1295 : memref<1024xf32, #tpu.memory_space<vmem>>)
    %dma_wait3A_1299 = arith.constant 54272 : i32
    %dma_wait3A_1300 = tpu.memref_slice %arg6[%dma_wait3A_1299] : memref<65536xf32, #tpu.memory_space<vmem>> -> memref<1024xf32, #tpu.memory_space<vmem>>
    %dma_wait3A_1301 = arith.constant 0 : i32
    %dma_wait3A_1302 = tpu.memref_slice %arg2[%add3A_639, %dma_wait3A_1301] : memref<16384x1024xf32, #tpu.memory_space<hbm>> -> memref<1x1024xf32, #tpu.memory_space<hbm>>
    %dma_wait3A_1303 = tpu.memref_squeeze %dma_wait3A_1302 : memref<1x1024xf32, #tpu.memory_space<hbm>> -> memref<1024xf32, #tpu.memory_space<hbm>>
    %dma_wait3A_1304 = arith.constant 54272 : i32
    %dma_wait3A_1305 = tpu.memref_slice %arg6[%dma_wait3A_1304] : memref<65536xf32, #tpu.memory_space<vmem>> -> memref<1024xf32, #tpu.memory_space<vmem>>
    %dma_wait3A_1306 = arith.constant 0 : i32
    %dma_wait3A_1307 = tpu.memref_slice %arg2[%add3A_639, %dma_wait3A_1306] : memref<16384x1024xf32, #tpu.memory_space<hbm>> -> memref<1x1024xf32, #tpu.memory_space<hbm>>
    %dma_wait3A_1308 = tpu.memref_squeeze %dma_wait3A_1307 : memref<1x1024xf32, #tpu.memory_space<hbm>> -> memref<1024xf32, #tpu.memory_space<hbm>>
    tpu.wait_dma2 semaphore(%arg10 : memref<!tpu.dma_semaphore, #tpu.memory_space<semaphore_mem>>) src(%dma_wait3A_1308 : memref<1024xf32, #tpu.memory_space<hbm>>) dst(%dma_wait3A_1305 : memref<1024xf32, #tpu.memory_space<vmem>>)
    %dma_wait3A_1309 = arith.constant 55296 : i32
    %dma_wait3A_1310 = tpu.memref_slice %arg6[%dma_wait3A_1309] : memref<65536xf32, #tpu.memory_space<vmem>> -> memref<1024xf32, #tpu.memory_space<vmem>>
    %dma_wait3A_1311 = arith.constant 0 : i32
    %dma_wait3A_1312 = tpu.memref_slice %arg2[%add3A_651, %dma_wait3A_1311] : memref<16384x1024xf32, #tpu.memory_space<hbm>> -> memref<1x1024xf32, #tpu.memory_space<hbm>>
    %dma_wait3A_1313 = tpu.memref_squeeze %dma_wait3A_1312 : memref<1x1024xf32, #tpu.memory_space<hbm>> -> memref<1024xf32, #tpu.memory_space<hbm>>
    %dma_wait3A_1314 = arith.constant 55296 : i32
    %dma_wait3A_1315 = tpu.memref_slice %arg6[%dma_wait3A_1314] : memref<65536xf32, #tpu.memory_space<vmem>> -> memref<1024xf32, #tpu.memory_space<vmem>>
    %dma_wait3A_1316 = arith.constant 0 : i32
    %dma_wait3A_1317 = tpu.memref_slice %arg2[%add3A_651, %dma_wait3A_1316] : memref<16384x1024xf32, #tpu.memory_space<hbm>> -> memref<1x1024xf32, #tpu.memory_space<hbm>>
    %dma_wait3A_1318 = tpu.memref_squeeze %dma_wait3A_1317 : memref<1x1024xf32, #tpu.memory_space<hbm>> -> memref<1024xf32, #tpu.memory_space<hbm>>
    tpu.wait_dma2 semaphore(%arg10 : memref<!tpu.dma_semaphore, #tpu.memory_space<semaphore_mem>>) src(%dma_wait3A_1318 : memref<1024xf32, #tpu.memory_space<hbm>>) dst(%dma_wait3A_1315 : memref<1024xf32, #tpu.memory_space<vmem>>)
    %dma_wait3A_1319 = arith.constant 56320 : i32
    %dma_wait3A_1320 = tpu.memref_slice %arg6[%dma_wait3A_1319] : memref<65536xf32, #tpu.memory_space<vmem>> -> memref<1024xf32, #tpu.memory_space<vmem>>
    %dma_wait3A_1321 = arith.constant 0 : i32
    %dma_wait3A_1322 = tpu.memref_slice %arg2[%add3A_663, %dma_wait3A_1321] : memref<16384x1024xf32, #tpu.memory_space<hbm>> -> memref<1x1024xf32, #tpu.memory_space<hbm>>
    %dma_wait3A_1323 = tpu.memref_squeeze %dma_wait3A_1322 : memref<1x1024xf32, #tpu.memory_space<hbm>> -> memref<1024xf32, #tpu.memory_space<hbm>>
    %dma_wait3A_1324 = arith.constant 56320 : i32
    %dma_wait3A_1325 = tpu.memref_slice %arg6[%dma_wait3A_1324] : memref<65536xf32, #tpu.memory_space<vmem>> -> memref<1024xf32, #tpu.memory_space<vmem>>
    %dma_wait3A_1326 = arith.constant 0 : i32
    %dma_wait3A_1327 = tpu.memref_slice %arg2[%add3A_663, %dma_wait3A_1326] : memref<16384x1024xf32, #tpu.memory_space<hbm>> -> memref<1x1024xf32, #tpu.memory_space<hbm>>
    %dma_wait3A_1328 = tpu.memref_squeeze %dma_wait3A_1327 : memref<1x1024xf32, #tpu.memory_space<hbm>> -> memref<1024xf32, #tpu.memory_space<hbm>>
    tpu.wait_dma2 semaphore(%arg10 : memref<!tpu.dma_semaphore, #tpu.memory_space<semaphore_mem>>) src(%dma_wait3A_1328 : memref<1024xf32, #tpu.memory_space<hbm>>) dst(%dma_wait3A_1325 : memref<1024xf32, #tpu.memory_space<vmem>>)
    %dma_wait3A_1329 = arith.constant 57344 : i32
    %dma_wait3A_1330 = tpu.memref_slice %arg6[%dma_wait3A_1329] : memref<65536xf32, #tpu.memory_space<vmem>> -> memref<1024xf32, #tpu.memory_space<vmem>>
    %dma_wait3A_1331 = arith.constant 0 : i32
    %dma_wait3A_1332 = tpu.memref_slice %arg2[%add3A_675, %dma_wait3A_1331] : memref<16384x1024xf32, #tpu.memory_space<hbm>> -> memref<1x1024xf32, #tpu.memory_space<hbm>>
    %dma_wait3A_1333 = tpu.memref_squeeze %dma_wait3A_1332 : memref<1x1024xf32, #tpu.memory_space<hbm>> -> memref<1024xf32, #tpu.memory_space<hbm>>
    %dma_wait3A_1334 = arith.constant 57344 : i32
    %dma_wait3A_1335 = tpu.memref_slice %arg6[%dma_wait3A_1334] : memref<65536xf32, #tpu.memory_space<vmem>> -> memref<1024xf32, #tpu.memory_space<vmem>>
    %dma_wait3A_1336 = arith.constant 0 : i32
    %dma_wait3A_1337 = tpu.memref_slice %arg2[%add3A_675, %dma_wait3A_1336] : memref<16384x1024xf32, #tpu.memory_space<hbm>> -> memref<1x1024xf32, #tpu.memory_space<hbm>>
    %dma_wait3A_1338 = tpu.memref_squeeze %dma_wait3A_1337 : memref<1x1024xf32, #tpu.memory_space<hbm>> -> memref<1024xf32, #tpu.memory_space<hbm>>
    tpu.wait_dma2 semaphore(%arg10 : memref<!tpu.dma_semaphore, #tpu.memory_space<semaphore_mem>>) src(%dma_wait3A_1338 : memref<1024xf32, #tpu.memory_space<hbm>>) dst(%dma_wait3A_1335 : memref<1024xf32, #tpu.memory_space<vmem>>)
    %dma_wait3A_1339 = arith.constant 58368 : i32
    %dma_wait3A_1340 = tpu.memref_slice %arg6[%dma_wait3A_1339] : memref<65536xf32, #tpu.memory_space<vmem>> -> memref<1024xf32, #tpu.memory_space<vmem>>
    %dma_wait3A_1341 = arith.constant 0 : i32
    %dma_wait3A_1342 = tpu.memref_slice %arg2[%add3A_687, %dma_wait3A_1341] : memref<16384x1024xf32, #tpu.memory_space<hbm>> -> memref<1x1024xf32, #tpu.memory_space<hbm>>
    %dma_wait3A_1343 = tpu.memref_squeeze %dma_wait3A_1342 : memref<1x1024xf32, #tpu.memory_space<hbm>> -> memref<1024xf32, #tpu.memory_space<hbm>>
    %dma_wait3A_1344 = arith.constant 58368 : i32
    %dma_wait3A_1345 = tpu.memref_slice %arg6[%dma_wait3A_1344] : memref<65536xf32, #tpu.memory_space<vmem>> -> memref<1024xf32, #tpu.memory_space<vmem>>
    %dma_wait3A_1346 = arith.constant 0 : i32
    %dma_wait3A_1347 = tpu.memref_slice %arg2[%add3A_687, %dma_wait3A_1346] : memref<16384x1024xf32, #tpu.memory_space<hbm>> -> memref<1x1024xf32, #tpu.memory_space<hbm>>
    %dma_wait3A_1348 = tpu.memref_squeeze %dma_wait3A_1347 : memref<1x1024xf32, #tpu.memory_space<hbm>> -> memref<1024xf32, #tpu.memory_space<hbm>>
    tpu.wait_dma2 semaphore(%arg10 : memref<!tpu.dma_semaphore, #tpu.memory_space<semaphore_mem>>) src(%dma_wait3A_1348 : memref<1024xf32, #tpu.memory_space<hbm>>) dst(%dma_wait3A_1345 : memref<1024xf32, #tpu.memory_space<vmem>>)
    %dma_wait3A_1349 = arith.constant 59392 : i32
    %dma_wait3A_1350 = tpu.memref_slice %arg6[%dma_wait3A_1349] : memref<65536xf32, #tpu.memory_space<vmem>> -> memref<1024xf32, #tpu.memory_space<vmem>>
    %dma_wait3A_1351 = arith.constant 0 : i32
    %dma_wait3A_1352 = tpu.memref_slice %arg2[%add3A_699, %dma_wait3A_1351] : memref<16384x1024xf32, #tpu.memory_space<hbm>> -> memref<1x1024xf32, #tpu.memory_space<hbm>>
    %dma_wait3A_1353 = tpu.memref_squeeze %dma_wait3A_1352 : memref<1x1024xf32, #tpu.memory_space<hbm>> -> memref<1024xf32, #tpu.memory_space<hbm>>
    %dma_wait3A_1354 = arith.constant 59392 : i32
    %dma_wait3A_1355 = tpu.memref_slice %arg6[%dma_wait3A_1354] : memref<65536xf32, #tpu.memory_space<vmem>> -> memref<1024xf32, #tpu.memory_space<vmem>>
    %dma_wait3A_1356 = arith.constant 0 : i32
    %dma_wait3A_1357 = tpu.memref_slice %arg2[%add3A_699, %dma_wait3A_1356] : memref<16384x1024xf32, #tpu.memory_space<hbm>> -> memref<1x1024xf32, #tpu.memory_space<hbm>>
    %dma_wait3A_1358 = tpu.memref_squeeze %dma_wait3A_1357 : memref<1x1024xf32, #tpu.memory_space<hbm>> -> memref<1024xf32, #tpu.memory_space<hbm>>
    tpu.wait_dma2 semaphore(%arg10 : memref<!tpu.dma_semaphore, #tpu.memory_space<semaphore_mem>>) src(%dma_wait3A_1358 : memref<1024xf32, #tpu.memory_space<hbm>>) dst(%dma_wait3A_1355 : memref<1024xf32, #tpu.memory_space<vmem>>)
    %dma_wait3A_1359 = arith.constant 60416 : i32
    %dma_wait3A_1360 = tpu.memref_slice %arg6[%dma_wait3A_1359] : memref<65536xf32, #tpu.memory_space<vmem>> -> memref<1024xf32, #tpu.memory_space<vmem>>
    %dma_wait3A_1361 = arith.constant 0 : i32
    %dma_wait3A_1362 = tpu.memref_slice %arg2[%add3A_711, %dma_wait3A_1361] : memref<16384x1024xf32, #tpu.memory_space<hbm>> -> memref<1x1024xf32, #tpu.memory_space<hbm>>
    %dma_wait3A_1363 = tpu.memref_squeeze %dma_wait3A_1362 : memref<1x1024xf32, #tpu.memory_space<hbm>> -> memref<1024xf32, #tpu.memory_space<hbm>>
    %dma_wait3A_1364 = arith.constant 60416 : i32
    %dma_wait3A_1365 = tpu.memref_slice %arg6[%dma_wait3A_1364] : memref<65536xf32, #tpu.memory_space<vmem>> -> memref<1024xf32, #tpu.memory_space<vmem>>
    %dma_wait3A_1366 = arith.constant 0 : i32
    %dma_wait3A_1367 = tpu.memref_slice %arg2[%add3A_711, %dma_wait3A_1366] : memref<16384x1024xf32, #tpu.memory_space<hbm>> -> memref<1x1024xf32, #tpu.memory_space<hbm>>
    %dma_wait3A_1368 = tpu.memref_squeeze %dma_wait3A_1367 : memref<1x1024xf32, #tpu.memory_space<hbm>> -> memref<1024xf32, #tpu.memory_space<hbm>>
    tpu.wait_dma2 semaphore(%arg10 : memref<!tpu.dma_semaphore, #tpu.memory_space<semaphore_mem>>) src(%dma_wait3A_1368 : memref<1024xf32, #tpu.memory_space<hbm>>) dst(%dma_wait3A_1365 : memref<1024xf32, #tpu.memory_space<vmem>>)
    %dma_wait3A_1369 = arith.constant 61440 : i32
    %dma_wait3A_1370 = tpu.memref_slice %arg6[%dma_wait3A_1369] : memref<65536xf32, #tpu.memory_space<vmem>> -> memref<1024xf32, #tpu.memory_space<vmem>>
    %dma_wait3A_1371 = arith.constant 0 : i32
    %dma_wait3A_1372 = tpu.memref_slice %arg2[%add3A_723, %dma_wait3A_1371] : memref<16384x1024xf32, #tpu.memory_space<hbm>> -> memref<1x1024xf32, #tpu.memory_space<hbm>>
    %dma_wait3A_1373 = tpu.memref_squeeze %dma_wait3A_1372 : memref<1x1024xf32, #tpu.memory_space<hbm>> -> memref<1024xf32, #tpu.memory_space<hbm>>
    %dma_wait3A_1374 = arith.constant 61440 : i32
    %dma_wait3A_1375 = tpu.memref_slice %arg6[%dma_wait3A_1374] : memref<65536xf32, #tpu.memory_space<vmem>> -> memref<1024xf32, #tpu.memory_space<vmem>>
    %dma_wait3A_1376 = arith.constant 0 : i32
    %dma_wait3A_1377 = tpu.memref_slice %arg2[%add3A_723, %dma_wait3A_1376] : memref<16384x1024xf32, #tpu.memory_space<hbm>> -> memref<1x1024xf32, #tpu.memory_space<hbm>>
    %dma_wait3A_1378 = tpu.memref_squeeze %dma_wait3A_1377 : memref<1x1024xf32, #tpu.memory_space<hbm>> -> memref<1024xf32, #tpu.memory_space<hbm>>
    tpu.wait_dma2 semaphore(%arg10 : memref<!tpu.dma_semaphore, #tpu.memory_space<semaphore_mem>>) src(%dma_wait3A_1378 : memref<1024xf32, #tpu.memory_space<hbm>>) dst(%dma_wait3A_1375 : memref<1024xf32, #tpu.memory_space<vmem>>)
    %dma_wait3A_1379 = arith.constant 62464 : i32
    %dma_wait3A_1380 = tpu.memref_slice %arg6[%dma_wait3A_1379] : memref<65536xf32, #tpu.memory_space<vmem>> -> memref<1024xf32, #tpu.memory_space<vmem>>
    %dma_wait3A_1381 = arith.constant 0 : i32
    %dma_wait3A_1382 = tpu.memref_slice %arg2[%add3A_735, %dma_wait3A_1381] : memref<16384x1024xf32, #tpu.memory_space<hbm>> -> memref<1x1024xf32, #tpu.memory_space<hbm>>
    %dma_wait3A_1383 = tpu.memref_squeeze %dma_wait3A_1382 : memref<1x1024xf32, #tpu.memory_space<hbm>> -> memref<1024xf32, #tpu.memory_space<hbm>>
    %dma_wait3A_1384 = arith.constant 62464 : i32
    %dma_wait3A_1385 = tpu.memref_slice %arg6[%dma_wait3A_1384] : memref<65536xf32, #tpu.memory_space<vmem>> -> memref<1024xf32, #tpu.memory_space<vmem>>
    %dma_wait3A_1386 = arith.constant 0 : i32
    %dma_wait3A_1387 = tpu.memref_slice %arg2[%add3A_735, %dma_wait3A_1386] : memref<16384x1024xf32, #tpu.memory_space<hbm>> -> memref<1x1024xf32, #tpu.memory_space<hbm>>
    %dma_wait3A_1388 = tpu.memref_squeeze %dma_wait3A_1387 : memref<1x1024xf32, #tpu.memory_space<hbm>> -> memref<1024xf32, #tpu.memory_space<hbm>>
    tpu.wait_dma2 semaphore(%arg10 : memref<!tpu.dma_semaphore, #tpu.memory_space<semaphore_mem>>) src(%dma_wait3A_1388 : memref<1024xf32, #tpu.memory_space<hbm>>) dst(%dma_wait3A_1385 : memref<1024xf32, #tpu.memory_space<vmem>>)
    %dma_wait3A_1389 = arith.constant 63488 : i32
    %dma_wait3A_1390 = tpu.memref_slice %arg6[%dma_wait3A_1389] : memref<65536xf32, #tpu.memory_space<vmem>> -> memref<1024xf32, #tpu.memory_space<vmem>>
    %dma_wait3A_1391 = arith.constant 0 : i32
    %dma_wait3A_1392 = tpu.memref_slice %arg2[%add3A_747, %dma_wait3A_1391] : memref<16384x1024xf32, #tpu.memory_space<hbm>> -> memref<1x1024xf32, #tpu.memory_space<hbm>>
    %dma_wait3A_1393 = tpu.memref_squeeze %dma_wait3A_1392 : memref<1x1024xf32, #tpu.memory_space<hbm>> -> memref<1024xf32, #tpu.memory_space<hbm>>
    %dma_wait3A_1394 = arith.constant 63488 : i32
    %dma_wait3A_1395 = tpu.memref_slice %arg6[%dma_wait3A_1394] : memref<65536xf32, #tpu.memory_space<vmem>> -> memref<1024xf32, #tpu.memory_space<vmem>>
    %dma_wait3A_1396 = arith.constant 0 : i32
    %dma_wait3A_1397 = tpu.memref_slice %arg2[%add3A_747, %dma_wait3A_1396] : memref<16384x1024xf32, #tpu.memory_space<hbm>> -> memref<1x1024xf32, #tpu.memory_space<hbm>>
    %dma_wait3A_1398 = tpu.memref_squeeze %dma_wait3A_1397 : memref<1x1024xf32, #tpu.memory_space<hbm>> -> memref<1024xf32, #tpu.memory_space<hbm>>
    tpu.wait_dma2 semaphore(%arg10 : memref<!tpu.dma_semaphore, #tpu.memory_space<semaphore_mem>>) src(%dma_wait3A_1398 : memref<1024xf32, #tpu.memory_space<hbm>>) dst(%dma_wait3A_1395 : memref<1024xf32, #tpu.memory_space<vmem>>)
    %dma_wait3A_1399 = arith.constant 64512 : i32
    %dma_wait3A_1400 = tpu.memref_slice %arg6[%dma_wait3A_1399] : memref<65536xf32, #tpu.memory_space<vmem>> -> memref<1024xf32, #tpu.memory_space<vmem>>
    %dma_wait3A_1401 = arith.constant 0 : i32
    %dma_wait3A_1402 = tpu.memref_slice %arg2[%add3A_759, %dma_wait3A_1401] : memref<16384x1024xf32, #tpu.memory_space<hbm>> -> memref<1x1024xf32, #tpu.memory_space<hbm>>
    %dma_wait3A_1403 = tpu.memref_squeeze %dma_wait3A_1402 : memref<1x1024xf32, #tpu.memory_space<hbm>> -> memref<1024xf32, #tpu.memory_space<hbm>>
    %dma_wait3A_1404 = arith.constant 64512 : i32
    %dma_wait3A_1405 = tpu.memref_slice %arg6[%dma_wait3A_1404] : memref<65536xf32, #tpu.memory_space<vmem>> -> memref<1024xf32, #tpu.memory_space<vmem>>
    %dma_wait3A_1406 = arith.constant 0 : i32
    %dma_wait3A_1407 = tpu.memref_slice %arg2[%add3A_759, %dma_wait3A_1406] : memref<16384x1024xf32, #tpu.memory_space<hbm>> -> memref<1x1024xf32, #tpu.memory_space<hbm>>
    %dma_wait3A_1408 = tpu.memref_squeeze %dma_wait3A_1407 : memref<1x1024xf32, #tpu.memory_space<hbm>> -> memref<1024xf32, #tpu.memory_space<hbm>>
    tpu.wait_dma2 semaphore(%arg10 : memref<!tpu.dma_semaphore, #tpu.memory_space<semaphore_mem>>) src(%dma_wait3A_1408 : memref<1024xf32, #tpu.memory_space<hbm>>) dst(%dma_wait3A_1405 : memref<1024xf32, #tpu.memory_space<vmem>>)
    %iota3A = tpu.iota {dimensions = array<i32: 0>} : vector<16xi32>
    %broadcast_in_dim3A = arith.constant 0.000000e+00 : f32
    %broadcast_in_dim3A_1409 = vector.broadcast %broadcast_in_dim3A : f32 to vector<16xf32>
    %scan3A = arith.constant 0 : i32
    %scan3A_1410 = arith.constant 64 : i32
    %scan3A_1411 = arith.addi %scan3A, %scan3A_1410 : i32
    %scan3A_1412 = arith.constant 1 : i32
    %scan3A_1413 = scf.for %scan3A_1418 = %scan3A to %scan3A_1411 step %scan3A_1412 iter_args(%scan3A_1419 = %broadcast_in_dim3A_1409) -> (vector<16xf32>)  : i32 {
      %jit3A = arith.constant 16 : i32
      %div3A = arith.divsi %scan3A_1418, %jit3A : i32
      %sign3A = arith.constant 0 : i32
      %sign3A_1420 = arith.cmpi sgt, %scan3A_1418, %sign3A : i32
      %sign3A_1421 = arith.extui %sign3A_1420 : i1 to i32
      %sign3A_1422 = arith.constant 0 : i32
      %sign3A_1423 = arith.cmpi slt, %scan3A_1418, %sign3A_1422 : i32
      %sign3A_1424 = arith.extui %sign3A_1423 : i1 to i32
      %sign3A_1425 = arith.subi %sign3A_1421, %sign3A_1424 : i32
      %sign3A_1426 = arith.constant 0 : i32
      %sign3A_1427 = arith.cmpi sgt, %jit3A, %sign3A_1426 : i32
      %sign3A_1428 = arith.extui %sign3A_1427 : i1 to i32
      %sign3A_1429 = arith.constant 0 : i32
      %sign3A_1430 = arith.cmpi slt, %jit3A, %sign3A_1429 : i32
      %sign3A_1431 = arith.extui %sign3A_1430 : i1 to i32
      %sign3A_1432 = arith.subi %sign3A_1428, %sign3A_1431 : i32
      %ne3A = arith.cmpi ne, %sign3A_1425, %sign3A_1432 : i32
      %rem3A = arith.remsi %scan3A_1418, %jit3A : i32
      %ne3A_1433 = arith.constant 0 : i32
      %ne3A_1434 = arith.cmpi ne, %rem3A, %ne3A_1433 : i32
      %and3A = arith.andi %ne3A, %ne3A_1434 : i1
      %sub3A = arith.constant 1 : i32
      %sub3A_1435 = arith.subi %div3A, %sub3A : i32
      %select_n3A = arith.select %and3A, %sub3A_1435, %div3A : i32
      %mul3A_1436 = arith.constant 16 : i32
      %mul3A_1437 = arith.muli %select_n3A, %mul3A_1436 : i32
      %sub3A_1438 = arith.subi %scan3A_1418, %mul3A_1437 : i32
      %broadcast_in_dim3A_1439 = vector.broadcast %sub3A_1438 : i32 to vector<16xi32>
      %get3A = arith.index_cast %mul3A_1437 : i32 to index
      %get3A_1440 = tpu.vector_load %arg7[%get3A] {strides = array<i32>} : memref<64xi32, #tpu.memory_space<vmem>>, vector<16xi32>,
      %get3A_1441 = vector.shape_cast %get3A_1440 : vector<16xi32> to vector<16xi32>
      %broadcast_in_dim3A_1442 = vector.shape_cast %broadcast_in_dim3A_1439 : vector<16xi32> to vector<16x1xi32>
      %gather3A = vector.shape_cast %broadcast_in_dim3A_1442 : vector<16x1xi32> to vector<16xi32>
      %gather3A_1443 = tpu.dynamic_gather %get3A_1441[%gather3A] in [0] : vector<16xi32>, vector<16xi32> -> vector<16xi32>
      %get3A_1444 = arith.index_cast %mul3A_1437 : i32 to index
      %get3A_1445 = tpu.vector_load %arg8[%get3A_1444] {strides = array<i32>} : memref<64xf32, #tpu.memory_space<vmem>>, vector<16xf32>,
      %get3A_1446 = vector.shape_cast %get3A_1445 : vector<16xf32> to vector<16xf32>
      %broadcast_in_dim3A_1447 = vector.shape_cast %broadcast_in_dim3A_1439 : vector<16xi32> to vector<16x1xi32>
      %gather3A_1448 = vector.shape_cast %broadcast_in_dim3A_1447 : vector<16x1xi32> to vector<16xi32>
      %gather3A_1449 = tpu.dynamic_gather %get3A_1446[%gather3A_1448] in [0] : vector<16xf32>, vector<16xi32> -> vector<16xf32>
      %mul3A_1450 = arith.constant 1024 : i32
      %mul3A_1451 = arith.muli %scan3A_1418, %mul3A_1450 : i32
      %scan3A_1452 = arith.constant 0 : i32
      %scan3A_1453 = arith.constant 16 : i32
      %scan3A_1454 = arith.addi %scan3A_1452, %scan3A_1453 : i32
      %scan3A_1455 = arith.constant 1 : i32
      %scan3A_1456:2 = scf.for %scan3A_1464 = %scan3A_1452 to %scan3A_1454 step %scan3A_1455 iter_args(%scan3A_1465 = %broadcast_in_dim3A_1409, %scan3A_1466 = %broadcast_in_dim3A_1409) -> (vector<16xf32>, vector<16xf32>)  : i32 {
        %broadcast_in_dim3A_1467 = arith.constant 1.000000e+00 : f32
        %broadcast_in_dim3A_1468 = vector.broadcast %broadcast_in_dim3A_1467 : f32 to vector<16xf32>
        %mul3A_1469 = arith.constant 64 : i32
        %mul3A_1470 = arith.muli %scan3A_1464, %mul3A_1469 : i32
        %add3A_1471 = arith.constant 0 : i32
        %add3A_1472 = arith.addi %mul3A_1470, %add3A_1471 : i32
        %add3A_1473 = vector.broadcast %add3A_1472 : i32 to vector<16xi32>
        %add3A_1474 = arith.addi %iota3A, %add3A_1473 : vector<16xi32>
        %add3A_1475 = arith.addi %mul3A_1451, %add3A_1472 : i32
        %get3A_1476 = arith.index_cast %add3A_1475 : i32 to index
        %get3A_1477 = tpu.vector_load %arg6[%get3A_1476] {strides = array<i32>} : memref<65536xf32, #tpu.memory_space<vmem>>, vector<16xf32>,
        %get3A_1478 = vector.shape_cast %get3A_1477 : vector<16xf32> to vector<16xf32>
        %le3A = arith.cmpi sle, %add3A_1474, %gather3A_1443 : vector<16xi32>
        %jit3A_1479 = arith.constant -1.000000e+30 : f32
        %broadcast_in_dim3A_1480 = vector.broadcast %jit3A_1479 : f32 to vector<16xf32>
        %select_n3A_1481 = arith.select %le3A, %get3A_1478, %broadcast_in_dim3A_1480 : vector<16xi1>, vector<16xf32>
        %exp3A = math.exp %select_n3A_1481 : vector<16xf32>
        %add3A_1482 = arith.constant 1.000000e+00 : f32
        %add3A_1483 = vector.broadcast %add3A_1482 : f32 to vector<16xf32>
        %add3A_1484 = arith.addf %add3A_1483, %exp3A : vector<16xf32>
        %mul3A_1485 = arith.mulf %broadcast_in_dim3A_1468, %add3A_1484 : vector<16xf32>
        %eq3A = arith.cmpi eq, %add3A_1474, %gather3A_1443 : vector<16xi32>
        %jit3A_1486 = arith.constant 0.000000e+00 : f32
        %broadcast_in_dim3A_1487 = vector.broadcast %jit3A_1486 : f32 to vector<16xf32>
        %select_n3A_1488 = arith.select %eq3A, %get3A_1478, %broadcast_in_dim3A_1487 : vector<16xi1>, vector<16xf32>
        %add3A_1489 = arith.addf %scan3A_1466, %select_n3A_1488 : vector<16xf32>
        %mul3A_1490 = arith.constant 64 : i32
        %mul3A_1491 = arith.muli %scan3A_1464, %mul3A_1490 : i32
        %add3A_1492 = arith.constant 16 : i32
        %add3A_1493 = arith.addi %mul3A_1491, %add3A_1492 : i32
        %add3A_1494 = vector.broadcast %add3A_1493 : i32 to vector<16xi32>
        %add3A_1495 = arith.addi %iota3A, %add3A_1494 : vector<16xi32>
        %add3A_1496 = arith.addi %mul3A_1451, %add3A_1493 : i32
        %get3A_1497 = arith.index_cast %add3A_1496 : i32 to index
        %get3A_1498 = tpu.vector_load %arg6[%get3A_1497] {strides = array<i32>} : memref<65536xf32, #tpu.memory_space<vmem>>, vector<16xf32>,
        %get3A_1499 = vector.shape_cast %get3A_1498 : vector<16xf32> to vector<16xf32>
        %le3A_1500 = arith.cmpi sle, %add3A_1495, %gather3A_1443 : vector<16xi32>
        %jit3A_1501 = arith.constant -1.000000e+30 : f32
        %broadcast_in_dim3A_1502 = vector.broadcast %jit3A_1501 : f32 to vector<16xf32>
        %select_n3A_1503 = arith.select %le3A_1500, %get3A_1499, %broadcast_in_dim3A_1502 : vector<16xi1>, vector<16xf32>
        %exp3A_1504 = math.exp %select_n3A_1503 : vector<16xf32>
        %add3A_1505 = arith.constant 1.000000e+00 : f32
        %add3A_1506 = vector.broadcast %add3A_1505 : f32 to vector<16xf32>
        %add3A_1507 = arith.addf %add3A_1506, %exp3A_1504 : vector<16xf32>
        %mul3A_1508 = arith.mulf %mul3A_1485, %add3A_1507 : vector<16xf32>
        %eq3A_1509 = arith.cmpi eq, %add3A_1495, %gather3A_1443 : vector<16xi32>
        %jit3A_1510 = arith.constant 0.000000e+00 : f32
        %broadcast_in_dim3A_1511 = vector.broadcast %jit3A_1510 : f32 to vector<16xf32>
        %select_n3A_1512 = arith.select %eq3A_1509, %get3A_1499, %broadcast_in_dim3A_1511 : vector<16xi1>, vector<16xf32>
        %add3A_1513 = arith.addf %add3A_1489, %select_n3A_1512 : vector<16xf32>
        %mul3A_1514 = arith.constant 64 : i32
        %mul3A_1515 = arith.muli %scan3A_1464, %mul3A_1514 : i32
        %add3A_1516 = arith.constant 32 : i32
        %add3A_1517 = arith.addi %mul3A_1515, %add3A_1516 : i32
        %add3A_1518 = vector.broadcast %add3A_1517 : i32 to vector<16xi32>
        %add3A_1519 = arith.addi %iota3A, %add3A_1518 : vector<16xi32>
        %add3A_1520 = arith.addi %mul3A_1451, %add3A_1517 : i32
        %get3A_1521 = arith.index_cast %add3A_1520 : i32 to index
        %get3A_1522 = tpu.vector_load %arg6[%get3A_1521] {strides = array<i32>} : memref<65536xf32, #tpu.memory_space<vmem>>, vector<16xf32>,
        %get3A_1523 = vector.shape_cast %get3A_1522 : vector<16xf32> to vector<16xf32>
        %le3A_1524 = arith.cmpi sle, %add3A_1519, %gather3A_1443 : vector<16xi32>
        %jit3A_1525 = arith.constant -1.000000e+30 : f32
        %broadcast_in_dim3A_1526 = vector.broadcast %jit3A_1525 : f32 to vector<16xf32>
        %select_n3A_1527 = arith.select %le3A_1524, %get3A_1523, %broadcast_in_dim3A_1526 : vector<16xi1>, vector<16xf32>
        %exp3A_1528 = math.exp %select_n3A_1527 : vector<16xf32>
        %add3A_1529 = arith.constant 1.000000e+00 : f32
        %add3A_1530 = vector.broadcast %add3A_1529 : f32 to vector<16xf32>
        %add3A_1531 = arith.addf %add3A_1530, %exp3A_1528 : vector<16xf32>
        %mul3A_1532 = arith.mulf %mul3A_1508, %add3A_1531 : vector<16xf32>
        %eq3A_1533 = arith.cmpi eq, %add3A_1519, %gather3A_1443 : vector<16xi32>
        %jit3A_1534 = arith.constant 0.000000e+00 : f32
        %broadcast_in_dim3A_1535 = vector.broadcast %jit3A_1534 : f32 to vector<16xf32>
        %select_n3A_1536 = arith.select %eq3A_1533, %get3A_1523, %broadcast_in_dim3A_1535 : vector<16xi1>, vector<16xf32>
        %add3A_1537 = arith.addf %add3A_1513, %select_n3A_1536 : vector<16xf32>
        %mul3A_1538 = arith.constant 64 : i32
        %mul3A_1539 = arith.muli %scan3A_1464, %mul3A_1538 : i32
        %add3A_1540 = arith.constant 48 : i32
        %add3A_1541 = arith.addi %mul3A_1539, %add3A_1540 : i32
        %add3A_1542 = vector.broadcast %add3A_1541 : i32 to vector<16xi32>
        %add3A_1543 = arith.addi %iota3A, %add3A_1542 : vector<16xi32>
        %add3A_1544 = arith.addi %mul3A_1451, %add3A_1541 : i32
        %get3A_1545 = arith.index_cast %add3A_1544 : i32 to index
        %get3A_1546 = tpu.vector_load %arg6[%get3A_1545] {strides = array<i32>} : memref<65536xf32, #tpu.memory_space<vmem>>, vector<16xf32>,
        %get3A_1547 = vector.shape_cast %get3A_1546 : vector<16xf32> to vector<16xf32>
        %le3A_1548 = arith.cmpi sle, %add3A_1543, %gather3A_1443 : vector<16xi32>
        %jit3A_1549 = arith.constant -1.000000e+30 : f32
        %broadcast_in_dim3A_1550 = vector.broadcast %jit3A_1549 : f32 to vector<16xf32>
        %select_n3A_1551 = arith.select %le3A_1548, %get3A_1547, %broadcast_in_dim3A_1550 : vector<16xi1>, vector<16xf32>
        %exp3A_1552 = math.exp %select_n3A_1551 : vector<16xf32>
        %add3A_1553 = arith.constant 1.000000e+00 : f32
        %add3A_1554 = vector.broadcast %add3A_1553 : f32 to vector<16xf32>
        %add3A_1555 = arith.addf %add3A_1554, %exp3A_1552 : vector<16xf32>
        %mul3A_1556 = arith.mulf %mul3A_1532, %add3A_1555 : vector<16xf32>
        %eq3A_1557 = arith.cmpi eq, %add3A_1543, %gather3A_1443 : vector<16xi32>
        %jit3A_1558 = arith.constant 0.000000e+00 : f32
        %broadcast_in_dim3A_1559 = vector.broadcast %jit3A_1558 : f32 to vector<16xf32>
        %select_n3A_1560 = arith.select %eq3A_1557, %get3A_1547, %broadcast_in_dim3A_1559 : vector<16xi1>, vector<16xf32>
        %add3A_1561 = arith.addf %add3A_1537, %select_n3A_1560 : vector<16xf32>
        %bitcast_convert_type3A = tpu.bitcast %mul3A_1556 : vector<16xf32> -> vector<16xi32>
        %shift_right_logical3A = arith.constant 23 : i32
        %shift_right_logical3A_1562 = vector.broadcast %shift_right_logical3A : i32 to vector<16xi32>
        %shift_right_logical3A_1563 = arith.shrui %bitcast_convert_type3A, %shift_right_logical3A_1562 : vector<16xi32>
        %sub3A_1564 = arith.constant 127 : i32
        %sub3A_1565 = vector.broadcast %sub3A_1564 : i32 to vector<16xi32>
        %sub3A_1566 = arith.subi %shift_right_logical3A_1563, %sub3A_1565 : vector<16xi32>
        %and3A_1567 = arith.constant 8388607 : i32
        %and3A_1568 = vector.broadcast %and3A_1567 : i32 to vector<16xi32>
        %and3A_1569 = arith.andi %bitcast_convert_type3A, %and3A_1568 : vector<16xi32>
        %or3A = arith.constant 1065353216 : i32
        %or3A_1570 = vector.broadcast %or3A : i32 to vector<16xi32>
        %or3A_1571 = arith.ori %and3A_1569, %or3A_1570 : vector<16xi32>
        %bitcast_convert_type3A_1572 = tpu.bitcast %or3A_1571 : vector<16xi32> -> vector<16xf32>
        %broadcast_in_dim3A_1573 = arith.constant 0.043428909 : f32
        %broadcast_in_dim3A_1574 = vector.broadcast %broadcast_in_dim3A_1573 : f32 to vector<16xf32>
        %mul3A_1575 = arith.mulf %broadcast_in_dim3A_1574, %bitcast_convert_type3A_1572 : vector<16xf32>
        %add3A_1576 = arith.constant -0.404867172 : f32
        %add3A_1577 = vector.broadcast %add3A_1576 : f32 to vector<16xf32>
        %add3A_1578 = arith.addf %mul3A_1575, %add3A_1577 : vector<16xf32>
        %mul3A_1579 = arith.mulf %add3A_1578, %bitcast_convert_type3A_1572 : vector<16xf32>
        %add3A_1580 = arith.constant 1.5939014 : f32
        %add3A_1581 = vector.broadcast %add3A_1580 : f32 to vector<16xf32>
        %add3A_1582 = arith.addf %mul3A_1579, %add3A_1581 : vector<16xf32>
        %mul3A_1583 = arith.mulf %add3A_1582, %bitcast_convert_type3A_1572 : vector<16xf32>
        %add3A_1584 = arith.constant -3.49249434 : f32
        %add3A_1585 = vector.broadcast %add3A_1584 : f32 to vector<16xf32>
        %add3A_1586 = arith.addf %mul3A_1583, %add3A_1585 : vector<16xf32>
        %mul3A_1587 = arith.mulf %add3A_1586, %bitcast_convert_type3A_1572 : vector<16xf32>
        %add3A_1588 = arith.constant 5.04687595 : f32
        %add3A_1589 = vector.broadcast %add3A_1588 : f32 to vector<16xf32>
        %add3A_1590 = arith.addf %mul3A_1587, %add3A_1589 : vector<16xf32>
        %mul3A_1591 = arith.mulf %add3A_1590, %bitcast_convert_type3A_1572 : vector<16xf32>
        %add3A_1592 = arith.constant -2.78681302 : f32
        %add3A_1593 = vector.broadcast %add3A_1592 : f32 to vector<16xf32>
        %add3A_1594 = arith.addf %mul3A_1591, %add3A_1593 : vector<16xf32>
        %convert_element_type3A = arith.sitofp %sub3A_1566 : vector<16xi32> to vector<16xf32>
        %add3A_1595 = arith.addf %scan3A_1465, %convert_element_type3A : vector<16xf32>
        %add3A_1596 = arith.addf %add3A_1595, %add3A_1594 : vector<16xf32>
        scf.yield %add3A_1596, %add3A_1561 : vector<16xf32>, vector<16xf32>
      }
      %scan3A_1457 = arith.constant 16 : i32
      %mul3A_1458 = arith.constant 0.693147182 : f32
      %mul3A_1459 = vector.broadcast %mul3A_1458 : f32 to vector<16xf32>
      %mul3A_1460 = arith.mulf %scan3A_1456#0, %mul3A_1459 : vector<16xf32>
      %add3A_1461 = arith.addf %scan3A_1419, %mul3A_1460 : vector<16xf32>
      %mul3A_1462 = arith.mulf %scan3A_1456#1, %gather3A_1449 : vector<16xf32>
      %sub3A_1463 = arith.subf %add3A_1461, %mul3A_1462 : vector<16xf32>
      scf.yield %sub3A_1463 : vector<16xf32>
    }
    %scan3A_1414 = arith.constant 64 : i32
    %swap3A = arith.constant 0 : index
    %swap3A_1415 = tpu.vector_load %arg9[%swap3A] {strides = array<i32>} : memref<16xf32, #tpu.memory_space<vmem>>, vector<16xf32>,
    %swap3A_1416 = vector.shape_cast %swap3A_1415 : vector<16xf32> to vector<16xf32>
    %swap3A_1417 = vector.shape_cast %scan3A_1413 : vector<16xf32> to vector<16xf32>
    tpu.vector_store %arg9[%swap3A], %swap3A_1417 {strides = array<i32>} : memref<16xf32, #tpu.memory_space<vmem>>, vector<16xf32>,
    "tpu.region"() ({
      %run_scoped3A = tpu.sem_alloc : memref<!tpu.dma_semaphore, #tpu.memory_space<semaphore_mem>>
      %dma_start3A_1418 = arith.constant 0 : i32
      %dma_start3A_1419 = tpu.memref_slice %arg5[%add3A, %dma_start3A_1418] : memref<32x16xf32, #tpu.memory_space<hbm>> -> memref<1x16xf32, #tpu.memory_space<hbm>>
      %dma_start3A_1420 = tpu.memref_squeeze %dma_start3A_1419 : memref<1x16xf32, #tpu.memory_space<hbm>> -> memref<16xf32, #tpu.memory_space<hbm>>
      %dma_start3A_1421 = arith.constant 0 : i32
      %dma_start3A_1422 = tpu.memref_slice %arg5[%add3A, %dma_start3A_1421] : memref<32x16xf32, #tpu.memory_space<hbm>> -> memref<1x16xf32, #tpu.memory_space<hbm>>
      %dma_start3A_1423 = tpu.memref_squeeze %dma_start3A_1422 : memref<1x16xf32, #tpu.memory_space<hbm>> -> memref<16xf32, #tpu.memory_space<hbm>>
      tpu.enqueue_dma source(%arg9 : memref<16xf32, #tpu.memory_space<vmem>>) target(%dma_start3A_1423 : memref<16xf32, #tpu.memory_space<hbm>>) target_semaphore(%run_scoped3A : memref<!tpu.dma_semaphore, #tpu.memory_space<semaphore_mem>>)
      %dma_wait3A_1424 = arith.constant 0 : i32
      %dma_wait3A_1425 = tpu.memref_slice %arg5[%add3A, %dma_wait3A_1424] : memref<32x16xf32, #tpu.memory_space<hbm>> -> memref<1x16xf32, #tpu.memory_space<hbm>>
      %dma_wait3A_1426 = tpu.memref_squeeze %dma_wait3A_1425 : memref<1x16xf32, #tpu.memory_space<hbm>> -> memref<16xf32, #tpu.memory_space<hbm>>
      %dma_wait3A_1427 = arith.constant 0 : i32
      %dma_wait3A_1428 = tpu.memref_slice %arg5[%add3A, %dma_wait3A_1427] : memref<32x16xf32, #tpu.memory_space<hbm>> -> memref<1x16xf32, #tpu.memory_space<hbm>>
      %dma_wait3A_1429 = tpu.memref_squeeze %dma_wait3A_1428 : memref<1x16xf32, #tpu.memory_space<hbm>> -> memref<16xf32, #tpu.memory_space<hbm>>
      tpu.wait_dma2 semaphore(%run_scoped3A : memref<!tpu.dma_semaphore, #tpu.memory_space<semaphore_mem>>) src(%arg9 : memref<16xf32, #tpu.memory_space<vmem>>) dst(%dma_wait3A_1429 : memref<16xf32, #tpu.memory_space<hbm>>)
      tpu.yield
    }) : () -> ()
    return
  }
}

module attributes {stable_mosaic.version = 14 : i64} {
  func.func @_loss_kernel(%arg0: i32, %arg1: memref<2048x1024xf32, #tpu.memory_space<vmem>>, %arg2: memref<2048xi32, #tpu.memory_space<vmem>>, %arg3: memref<2048xf32, #tpu.memory_space<vmem>>, %arg4: memref<1x1x1xf32, #tpu.memory_space<smem>>) attributes {dimension_semantics = [#tpu.dimension_semantics<arbitrary>], iteration_bounds = array<i64: 7>, scalar_prefetch = 0 : i64, scratch_operands = 0 : i64, tpu.core_type = #tpu.core_type<tc>, window_params = [{transform_indices = @transform_0, window_bounds = array<i64: 2048, 1024>}, {transform_indices = @transform_1, window_bounds = array<i64: 2048>}, {transform_indices = @transform_2, window_bounds = array<i64: 2048>}, {transform_indices = @transform_3, window_bounds = array<i64: 1, 1, 1>}]} {
    %get3A = arith.constant 0 : index
    %get3A_0 = arith.constant 0 : index
    %get3A_1 = vector.load %arg1[%get3A, %get3A_0] : memref<2048x1024xf32, #tpu.memory_space<vmem>>, vector<2048x1024xf32>
    %get3A_2 = arith.constant 0 : index
    %get3A_3 = vector.load %arg2[%get3A_2] : memref<2048xi32, #tpu.memory_space<vmem>>, vector<2048xi32>
    %reshape3A = vector.shape_cast %get3A_3 : vector<2048xi32> to vector<2048x1xi32>
    %get3A_4 = arith.constant 0 : index
    %get3A_5 = vector.load %arg3[%get3A_4] : memref<2048xf32, #tpu.memory_space<vmem>>, vector<2048xf32>
    %reshape3A_6 = vector.shape_cast %get3A_5 : vector<2048xf32> to vector<2048x1xf32>
    %iota3A = tpu.iota {dimensions = array<i32: 1>} : vector<2048x128xi32>
    %slice3A = vector.extract_strided_slice %get3A_1 {offsets = [0, 0], sizes = [2048, 128], strides = [1, 1]} : vector<2048x1024xf32> to vector<2048x128xf32>
    %add3A = arith.constant 0 : i32
    %add3A_7 = vector.broadcast %add3A : i32 to vector<2048x128xi32>
    %add3A_8 = arith.addi %iota3A, %add3A_7 : vector<2048x128xi32>
    %le3A = vector.broadcast %reshape3A : vector<2048x1xi32> to vector<2048x128xi32>
    %le3A_9 = arith.cmpi sle, %add3A_8, %le3A : vector<2048x128xi32>
    %mul3A = arith.constant 1.44269502 : f32
    %mul3A_10 = vector.broadcast %mul3A : f32 to vector<2048x128xf32>
    %mul3A_11 = arith.mulf %slice3A, %mul3A_10 : vector<2048x128xf32>
    %jit3A = arith.constant -1.000000e+30 : f32
    %broadcast_in_dim3A = vector.broadcast %jit3A : f32 to vector<2048x128xf32>
    %select_n3A = arith.select %le3A_9, %mul3A_11, %broadcast_in_dim3A : vector<2048x128xi1>, vector<2048x128xf32>
    %convert_element_type3A = arith.truncf %select_n3A : vector<2048x128xf32> to vector<2048x128xbf16>
    %exp23A = math.exp2 %convert_element_type3A : vector<2048x128xbf16>
    %add3A_12 = arith.constant 1.000000e+00 : bf16
    %add3A_13 = vector.broadcast %add3A_12 : bf16 to vector<2048x128xbf16>
    %add3A_14 = arith.addf %add3A_13, %exp23A : vector<2048x128xbf16>
    %eq3A = vector.broadcast %reshape3A : vector<2048x1xi32> to vector<2048x128xi32>
    %eq3A_15 = arith.cmpi eq, %add3A_8, %eq3A : vector<2048x128xi32>
    %jit3A_16 = arith.constant 0.000000e+00 : f32
    %broadcast_in_dim3A_17 = vector.broadcast %jit3A_16 : f32 to vector<2048x128xf32>
    %select_n3A_18 = arith.select %eq3A_15, %slice3A, %broadcast_in_dim3A_17 : vector<2048x128xi1>, vector<2048x128xf32>
    %slice3A_19 = vector.extract_strided_slice %get3A_1 {offsets = [0, 128], sizes = [2048, 128], strides = [1, 1]} : vector<2048x1024xf32> to vector<2048x128xf32>
    %add3A_20 = arith.constant 128 : i32
    %add3A_21 = vector.broadcast %add3A_20 : i32 to vector<2048x128xi32>
    %add3A_22 = arith.addi %iota3A, %add3A_21 : vector<2048x128xi32>
    %le3A_23 = vector.broadcast %reshape3A : vector<2048x1xi32> to vector<2048x128xi32>
    %le3A_24 = arith.cmpi sle, %add3A_22, %le3A_23 : vector<2048x128xi32>
    %mul3A_25 = arith.constant 1.44269502 : f32
    %mul3A_26 = vector.broadcast %mul3A_25 : f32 to vector<2048x128xf32>
    %mul3A_27 = arith.mulf %slice3A_19, %mul3A_26 : vector<2048x128xf32>
    %jit3A_28 = arith.constant -1.000000e+30 : f32
    %broadcast_in_dim3A_29 = vector.broadcast %jit3A_28 : f32 to vector<2048x128xf32>
    %select_n3A_30 = arith.select %le3A_24, %mul3A_27, %broadcast_in_dim3A_29 : vector<2048x128xi1>, vector<2048x128xf32>
    %convert_element_type3A_31 = arith.truncf %select_n3A_30 : vector<2048x128xf32> to vector<2048x128xbf16>
    %exp23A_32 = math.exp2 %convert_element_type3A_31 : vector<2048x128xbf16>
    %add3A_33 = arith.constant 1.000000e+00 : bf16
    %add3A_34 = vector.broadcast %add3A_33 : bf16 to vector<2048x128xbf16>
    %add3A_35 = arith.addf %add3A_34, %exp23A_32 : vector<2048x128xbf16>
    %eq3A_36 = vector.broadcast %reshape3A : vector<2048x1xi32> to vector<2048x128xi32>
    %eq3A_37 = arith.cmpi eq, %add3A_22, %eq3A_36 : vector<2048x128xi32>
    %jit3A_38 = arith.constant 0.000000e+00 : f32
    %broadcast_in_dim3A_39 = vector.broadcast %jit3A_38 : f32 to vector<2048x128xf32>
    %select_n3A_40 = arith.select %eq3A_37, %slice3A_19, %broadcast_in_dim3A_39 : vector<2048x128xi1>, vector<2048x128xf32>
    %mul3A_41 = arith.mulf %add3A_14, %add3A_35 : vector<2048x128xbf16>
    %add3A_42 = arith.addf %select_n3A_18, %select_n3A_40 : vector<2048x128xf32>
    %slice3A_43 = vector.extract_strided_slice %get3A_1 {offsets = [0, 256], sizes = [2048, 128], strides = [1, 1]} : vector<2048x1024xf32> to vector<2048x128xf32>
    %add3A_44 = arith.constant 256 : i32
    %add3A_45 = vector.broadcast %add3A_44 : i32 to vector<2048x128xi32>
    %add3A_46 = arith.addi %iota3A, %add3A_45 : vector<2048x128xi32>
    %le3A_47 = vector.broadcast %reshape3A : vector<2048x1xi32> to vector<2048x128xi32>
    %le3A_48 = arith.cmpi sle, %add3A_46, %le3A_47 : vector<2048x128xi32>
    %mul3A_49 = arith.constant 1.44269502 : f32
    %mul3A_50 = vector.broadcast %mul3A_49 : f32 to vector<2048x128xf32>
    %mul3A_51 = arith.mulf %slice3A_43, %mul3A_50 : vector<2048x128xf32>
    %jit3A_52 = arith.constant -1.000000e+30 : f32
    %broadcast_in_dim3A_53 = vector.broadcast %jit3A_52 : f32 to vector<2048x128xf32>
    %select_n3A_54 = arith.select %le3A_48, %mul3A_51, %broadcast_in_dim3A_53 : vector<2048x128xi1>, vector<2048x128xf32>
    %convert_element_type3A_55 = arith.truncf %select_n3A_54 : vector<2048x128xf32> to vector<2048x128xbf16>
    %exp23A_56 = math.exp2 %convert_element_type3A_55 : vector<2048x128xbf16>
    %add3A_57 = arith.constant 1.000000e+00 : bf16
    %add3A_58 = vector.broadcast %add3A_57 : bf16 to vector<2048x128xbf16>
    %add3A_59 = arith.addf %add3A_58, %exp23A_56 : vector<2048x128xbf16>
    %eq3A_60 = vector.broadcast %reshape3A : vector<2048x1xi32> to vector<2048x128xi32>
    %eq3A_61 = arith.cmpi eq, %add3A_46, %eq3A_60 : vector<2048x128xi32>
    %jit3A_62 = arith.constant 0.000000e+00 : f32
    %broadcast_in_dim3A_63 = vector.broadcast %jit3A_62 : f32 to vector<2048x128xf32>
    %select_n3A_64 = arith.select %eq3A_61, %slice3A_43, %broadcast_in_dim3A_63 : vector<2048x128xi1>, vector<2048x128xf32>
    %mul3A_65 = arith.mulf %mul3A_41, %add3A_59 : vector<2048x128xbf16>
    %add3A_66 = arith.addf %add3A_42, %select_n3A_64 : vector<2048x128xf32>
    %slice3A_67 = vector.extract_strided_slice %get3A_1 {offsets = [0, 384], sizes = [2048, 128], strides = [1, 1]} : vector<2048x1024xf32> to vector<2048x128xf32>
    %add3A_68 = arith.constant 384 : i32
    %add3A_69 = vector.broadcast %add3A_68 : i32 to vector<2048x128xi32>
    %add3A_70 = arith.addi %iota3A, %add3A_69 : vector<2048x128xi32>
    %le3A_71 = vector.broadcast %reshape3A : vector<2048x1xi32> to vector<2048x128xi32>
    %le3A_72 = arith.cmpi sle, %add3A_70, %le3A_71 : vector<2048x128xi32>
    %mul3A_73 = arith.constant 1.44269502 : f32
    %mul3A_74 = vector.broadcast %mul3A_73 : f32 to vector<2048x128xf32>
    %mul3A_75 = arith.mulf %slice3A_67, %mul3A_74 : vector<2048x128xf32>
    %jit3A_76 = arith.constant -1.000000e+30 : f32
    %broadcast_in_dim3A_77 = vector.broadcast %jit3A_76 : f32 to vector<2048x128xf32>
    %select_n3A_78 = arith.select %le3A_72, %mul3A_75, %broadcast_in_dim3A_77 : vector<2048x128xi1>, vector<2048x128xf32>
    %convert_element_type3A_79 = arith.truncf %select_n3A_78 : vector<2048x128xf32> to vector<2048x128xbf16>
    %exp23A_80 = math.exp2 %convert_element_type3A_79 : vector<2048x128xbf16>
    %add3A_81 = arith.constant 1.000000e+00 : bf16
    %add3A_82 = vector.broadcast %add3A_81 : bf16 to vector<2048x128xbf16>
    %add3A_83 = arith.addf %add3A_82, %exp23A_80 : vector<2048x128xbf16>
    %eq3A_84 = vector.broadcast %reshape3A : vector<2048x1xi32> to vector<2048x128xi32>
    %eq3A_85 = arith.cmpi eq, %add3A_70, %eq3A_84 : vector<2048x128xi32>
    %jit3A_86 = arith.constant 0.000000e+00 : f32
    %broadcast_in_dim3A_87 = vector.broadcast %jit3A_86 : f32 to vector<2048x128xf32>
    %select_n3A_88 = arith.select %eq3A_85, %slice3A_67, %broadcast_in_dim3A_87 : vector<2048x128xi1>, vector<2048x128xf32>
    %mul3A_89 = arith.mulf %mul3A_65, %add3A_83 : vector<2048x128xbf16>
    %add3A_90 = arith.addf %add3A_66, %select_n3A_88 : vector<2048x128xf32>
    %slice3A_91 = vector.extract_strided_slice %get3A_1 {offsets = [0, 512], sizes = [2048, 128], strides = [1, 1]} : vector<2048x1024xf32> to vector<2048x128xf32>
    %add3A_92 = arith.constant 512 : i32
    %add3A_93 = vector.broadcast %add3A_92 : i32 to vector<2048x128xi32>
    %add3A_94 = arith.addi %iota3A, %add3A_93 : vector<2048x128xi32>
    %le3A_95 = vector.broadcast %reshape3A : vector<2048x1xi32> to vector<2048x128xi32>
    %le3A_96 = arith.cmpi sle, %add3A_94, %le3A_95 : vector<2048x128xi32>
    %mul3A_97 = arith.constant 1.44269502 : f32
    %mul3A_98 = vector.broadcast %mul3A_97 : f32 to vector<2048x128xf32>
    %mul3A_99 = arith.mulf %slice3A_91, %mul3A_98 : vector<2048x128xf32>
    %jit3A_100 = arith.constant -1.000000e+30 : f32
    %broadcast_in_dim3A_101 = vector.broadcast %jit3A_100 : f32 to vector<2048x128xf32>
    %select_n3A_102 = arith.select %le3A_96, %mul3A_99, %broadcast_in_dim3A_101 : vector<2048x128xi1>, vector<2048x128xf32>
    %convert_element_type3A_103 = arith.truncf %select_n3A_102 : vector<2048x128xf32> to vector<2048x128xbf16>
    %exp23A_104 = math.exp2 %convert_element_type3A_103 : vector<2048x128xbf16>
    %add3A_105 = arith.constant 1.000000e+00 : bf16
    %add3A_106 = vector.broadcast %add3A_105 : bf16 to vector<2048x128xbf16>
    %add3A_107 = arith.addf %add3A_106, %exp23A_104 : vector<2048x128xbf16>
    %eq3A_108 = vector.broadcast %reshape3A : vector<2048x1xi32> to vector<2048x128xi32>
    %eq3A_109 = arith.cmpi eq, %add3A_94, %eq3A_108 : vector<2048x128xi32>
    %jit3A_110 = arith.constant 0.000000e+00 : f32
    %broadcast_in_dim3A_111 = vector.broadcast %jit3A_110 : f32 to vector<2048x128xf32>
    %select_n3A_112 = arith.select %eq3A_109, %slice3A_91, %broadcast_in_dim3A_111 : vector<2048x128xi1>, vector<2048x128xf32>
    %mul3A_113 = arith.mulf %mul3A_89, %add3A_107 : vector<2048x128xbf16>
    %add3A_114 = arith.addf %add3A_90, %select_n3A_112 : vector<2048x128xf32>
    %slice3A_115 = vector.extract_strided_slice %get3A_1 {offsets = [0, 640], sizes = [2048, 128], strides = [1, 1]} : vector<2048x1024xf32> to vector<2048x128xf32>
    %add3A_116 = arith.constant 640 : i32
    %add3A_117 = vector.broadcast %add3A_116 : i32 to vector<2048x128xi32>
    %add3A_118 = arith.addi %iota3A, %add3A_117 : vector<2048x128xi32>
    %le3A_119 = vector.broadcast %reshape3A : vector<2048x1xi32> to vector<2048x128xi32>
    %le3A_120 = arith.cmpi sle, %add3A_118, %le3A_119 : vector<2048x128xi32>
    %mul3A_121 = arith.constant 1.44269502 : f32
    %mul3A_122 = vector.broadcast %mul3A_121 : f32 to vector<2048x128xf32>
    %mul3A_123 = arith.mulf %slice3A_115, %mul3A_122 : vector<2048x128xf32>
    %jit3A_124 = arith.constant -1.000000e+30 : f32
    %broadcast_in_dim3A_125 = vector.broadcast %jit3A_124 : f32 to vector<2048x128xf32>
    %select_n3A_126 = arith.select %le3A_120, %mul3A_123, %broadcast_in_dim3A_125 : vector<2048x128xi1>, vector<2048x128xf32>
    %convert_element_type3A_127 = arith.truncf %select_n3A_126 : vector<2048x128xf32> to vector<2048x128xbf16>
    %exp23A_128 = math.exp2 %convert_element_type3A_127 : vector<2048x128xbf16>
    %add3A_129 = arith.constant 1.000000e+00 : bf16
    %add3A_130 = vector.broadcast %add3A_129 : bf16 to vector<2048x128xbf16>
    %add3A_131 = arith.addf %add3A_130, %exp23A_128 : vector<2048x128xbf16>
    %eq3A_132 = vector.broadcast %reshape3A : vector<2048x1xi32> to vector<2048x128xi32>
    %eq3A_133 = arith.cmpi eq, %add3A_118, %eq3A_132 : vector<2048x128xi32>
    %jit3A_134 = arith.constant 0.000000e+00 : f32
    %broadcast_in_dim3A_135 = vector.broadcast %jit3A_134 : f32 to vector<2048x128xf32>
    %select_n3A_136 = arith.select %eq3A_133, %slice3A_115, %broadcast_in_dim3A_135 : vector<2048x128xi1>, vector<2048x128xf32>
    %mul3A_137 = arith.mulf %mul3A_113, %add3A_131 : vector<2048x128xbf16>
    %add3A_138 = arith.addf %add3A_114, %select_n3A_136 : vector<2048x128xf32>
    %slice3A_139 = vector.extract_strided_slice %get3A_1 {offsets = [0, 768], sizes = [2048, 128], strides = [1, 1]} : vector<2048x1024xf32> to vector<2048x128xf32>
    %add3A_140 = arith.constant 768 : i32
    %add3A_141 = vector.broadcast %add3A_140 : i32 to vector<2048x128xi32>
    %add3A_142 = arith.addi %iota3A, %add3A_141 : vector<2048x128xi32>
    %le3A_143 = vector.broadcast %reshape3A : vector<2048x1xi32> to vector<2048x128xi32>
    %le3A_144 = arith.cmpi sle, %add3A_142, %le3A_143 : vector<2048x128xi32>
    %mul3A_145 = arith.constant 1.44269502 : f32
    %mul3A_146 = vector.broadcast %mul3A_145 : f32 to vector<2048x128xf32>
    %mul3A_147 = arith.mulf %slice3A_139, %mul3A_146 : vector<2048x128xf32>
    %jit3A_148 = arith.constant -1.000000e+30 : f32
    %broadcast_in_dim3A_149 = vector.broadcast %jit3A_148 : f32 to vector<2048x128xf32>
    %select_n3A_150 = arith.select %le3A_144, %mul3A_147, %broadcast_in_dim3A_149 : vector<2048x128xi1>, vector<2048x128xf32>
    %convert_element_type3A_151 = arith.truncf %select_n3A_150 : vector<2048x128xf32> to vector<2048x128xbf16>
    %exp23A_152 = math.exp2 %convert_element_type3A_151 : vector<2048x128xbf16>
    %add3A_153 = arith.constant 1.000000e+00 : bf16
    %add3A_154 = vector.broadcast %add3A_153 : bf16 to vector<2048x128xbf16>
    %add3A_155 = arith.addf %add3A_154, %exp23A_152 : vector<2048x128xbf16>
    %eq3A_156 = vector.broadcast %reshape3A : vector<2048x1xi32> to vector<2048x128xi32>
    %eq3A_157 = arith.cmpi eq, %add3A_142, %eq3A_156 : vector<2048x128xi32>
    %jit3A_158 = arith.constant 0.000000e+00 : f32
    %broadcast_in_dim3A_159 = vector.broadcast %jit3A_158 : f32 to vector<2048x128xf32>
    %select_n3A_160 = arith.select %eq3A_157, %slice3A_139, %broadcast_in_dim3A_159 : vector<2048x128xi1>, vector<2048x128xf32>
    %mul3A_161 = arith.mulf %mul3A_137, %add3A_155 : vector<2048x128xbf16>
    %add3A_162 = arith.addf %add3A_138, %select_n3A_160 : vector<2048x128xf32>
    %slice3A_163 = vector.extract_strided_slice %get3A_1 {offsets = [0, 896], sizes = [2048, 128], strides = [1, 1]} : vector<2048x1024xf32> to vector<2048x128xf32>
    %add3A_164 = arith.constant 896 : i32
    %add3A_165 = vector.broadcast %add3A_164 : i32 to vector<2048x128xi32>
    %add3A_166 = arith.addi %iota3A, %add3A_165 : vector<2048x128xi32>
    %le3A_167 = vector.broadcast %reshape3A : vector<2048x1xi32> to vector<2048x128xi32>
    %le3A_168 = arith.cmpi sle, %add3A_166, %le3A_167 : vector<2048x128xi32>
    %mul3A_169 = arith.constant 1.44269502 : f32
    %mul3A_170 = vector.broadcast %mul3A_169 : f32 to vector<2048x128xf32>
    %mul3A_171 = arith.mulf %slice3A_163, %mul3A_170 : vector<2048x128xf32>
    %jit3A_172 = arith.constant -1.000000e+30 : f32
    %broadcast_in_dim3A_173 = vector.broadcast %jit3A_172 : f32 to vector<2048x128xf32>
    %select_n3A_174 = arith.select %le3A_168, %mul3A_171, %broadcast_in_dim3A_173 : vector<2048x128xi1>, vector<2048x128xf32>
    %convert_element_type3A_175 = arith.truncf %select_n3A_174 : vector<2048x128xf32> to vector<2048x128xbf16>
    %exp23A_176 = math.exp2 %convert_element_type3A_175 : vector<2048x128xbf16>
    %add3A_177 = arith.constant 1.000000e+00 : bf16
    %add3A_178 = vector.broadcast %add3A_177 : bf16 to vector<2048x128xbf16>
    %add3A_179 = arith.addf %add3A_178, %exp23A_176 : vector<2048x128xbf16>
    %eq3A_180 = vector.broadcast %reshape3A : vector<2048x1xi32> to vector<2048x128xi32>
    %eq3A_181 = arith.cmpi eq, %add3A_166, %eq3A_180 : vector<2048x128xi32>
    %jit3A_182 = arith.constant 0.000000e+00 : f32
    %broadcast_in_dim3A_183 = vector.broadcast %jit3A_182 : f32 to vector<2048x128xf32>
    %select_n3A_184 = arith.select %eq3A_181, %slice3A_163, %broadcast_in_dim3A_183 : vector<2048x128xi1>, vector<2048x128xf32>
    %mul3A_185 = arith.mulf %mul3A_161, %add3A_179 : vector<2048x128xbf16>
    %add3A_186 = arith.addf %add3A_162, %select_n3A_184 : vector<2048x128xf32>
    %convert_element_type3A_187 = arith.extf %mul3A_185 : vector<2048x128xbf16> to vector<2048x128xf32>
    %log3A = math.log %convert_element_type3A_187 : vector<2048x128xf32>
    %log3A_188 = arith.constant 2.000000e+00 : f32
    %log3A_189 = math.log %log3A_188 : f32
    %div3A = vector.broadcast %log3A_189 : f32 to vector<2048x128xf32>
    %div3A_190 = arith.divf %log3A, %div3A : vector<2048x128xf32>
    %reduce_sum3A = vector.shape_cast %div3A_190 : vector<2048x128xf32> to vector<1x2048x128xf32>
    %reduce_sum3A_191 = arith.constant dense<0.000000e+00> : vector<1xf32>
    %reduce_sum3A_192 = vector.multi_reduction <add>, %reduce_sum3A, %reduce_sum3A_191 [1, 2] : vector<1x2048x128xf32> to vector<1xf32>
    %reduce_sum3A_193 = vector.shape_cast %reduce_sum3A_192 : vector<1xf32> to vector<1x1x1xf32>
    %reduce_sum3A_194 = vector.extract %reduce_sum3A_193[0, 0, 0] : f32 from vector<1x1x1xf32>
    %mul3A_195 = arith.constant 0.693147182 : f32
    %mul3A_196 = arith.mulf %reduce_sum3A_194, %mul3A_195 : f32
    %mul3A_197 = vector.broadcast %reshape3A_6 : vector<2048x1xf32> to vector<2048x128xf32>
    %mul3A_198 = arith.mulf %add3A_186, %mul3A_197 : vector<2048x128xf32>
    %reduce_sum3A_199 = vector.shape_cast %mul3A_198 : vector<2048x128xf32> to vector<1x2048x128xf32>
    %reduce_sum3A_200 = arith.constant dense<0.000000e+00> : vector<1xf32>
    %reduce_sum3A_201 = vector.multi_reduction <add>, %reduce_sum3A_199, %reduce_sum3A_200 [1, 2] : vector<1x2048x128xf32> to vector<1xf32>
    %reduce_sum3A_202 = vector.shape_cast %reduce_sum3A_201 : vector<1xf32> to vector<1x1x1xf32>
    %reduce_sum3A_203 = vector.extract %reduce_sum3A_202[0, 0, 0] : f32 from vector<1x1x1xf32>
    %sub3A = arith.subf %mul3A_196, %reduce_sum3A_203 : f32
    %swap3A = arith.constant 0 : index
    %swap3A_204 = arith.constant 0 : index
    %swap3A_205 = arith.constant 0 : index
    %swap3A_206 = memref.load %arg4[%swap3A, %swap3A_204, %swap3A_205] : memref<1x1x1xf32, #tpu.memory_space<smem>>
    memref.store %sub3A, %arg4[%swap3A, %swap3A_204, %swap3A_205] : memref<1x1x1xf32, #tpu.memory_space<smem>>
    return
  }
  func.func @transform_0(%arg0: i32) -> (i32, i32) {
    %add3A = arith.constant 1 : i32
    %add3A_0 = arith.addi %arg0, %add3A : i32
    %c0_i32 = arith.constant 0 : i32
    %c0_i32_1 = arith.constant 0 : i32
    return %add3A_0, %c0_i32 : i32, i32
  }
  func.func @transform_1(%arg0: i32) -> i32 {
    %add3A = arith.constant 1 : i32
    %add3A_0 = arith.addi %arg0, %add3A : i32
    %c0_i32 = arith.constant 0 : i32
    return %add3A_0 : i32
  }
  func.func @transform_2(%arg0: i32) -> i32 {
    %add3A = arith.constant 1 : i32
    %add3A_0 = arith.addi %arg0, %add3A : i32
    %c0_i32 = arith.constant 0 : i32
    return %add3A_0 : i32
  }
  func.func @transform_3(%arg0: i32) -> (i32, i32, i32) {
    %c0_i32 = arith.constant 0 : i32
    %c0_i32_0 = arith.constant 0 : i32
    %c0_i32_1 = arith.constant 0 : i32
    return %arg0, %c0_i32, %c0_i32_0 : i32, i32, i32
  }
}

</mosaic_0001>

<sc_bundles>
// kernel: kernel.4.cloned.1.call-start
scs
__scs_entry_jumppad:
0x0: {  	(pc) =	sbr.rel $0x88, $3  }
0x1: {  	(tag) =	ssettag $0x0;
	lr =	simm.s32 $0x1  }
0x2: {  	[smem:$0x3F9E] =	sst lr;
	_ =	strace $0xD0000000  }
0x3: {  	_ = 	snop  }
0x4: {  	_ = 	snop  }
0x5: {  	_ = 	snop  }
0x6: {  	_ = 	snop  }
0x7: {  	_ = 	snop  }
__scs_overlays_trampoline_lowered:
0x8: {  	[smem:$0x3FAD] =	sst s0  }
0x9: {  	[smem:$0x3FAE] =	sst s1  }
0xa: {  	[smem:$0x3FAF] =	sst s2  }
0xb: {  	[smem:$0x3FB0] =	sst s3  }
0xc: {  	[smem:$0x3FB1] =	sst s4  }
0xd: {  	[smem:$0x3FB2] =	sst s5  }
0xe: {  	[smem:$0x3FB3] =	sst s6  }
0xf: {  	[smem:$0x3FB4] =	sst s7  }
0x10: {  	[smem:$0x3FB5] =	sst s8  }
0x11: {  	[smem:$0x3FB6] =	sst s9;
	s0 =	simm.s32 @!p0 $0x0  }
0x12: {  	s1 =	sld [smem:$0x3F9C];
	s0 =	simm.s32 @p0 $0x1  }
0x13: {  	[smem:$0x3FB7] =	sst s0;
	s0 =	simm.s32 @!p1 $0x0  }
0x14: {  	s2 =	sld [smem:$0x3F9B];
	s0 =	simm.s32 @p1 $0x1  }
0x15: {  	[smem:$0x3FB8] =	sst s0;
	s0 =	simm.s32 @!p2 $0x0  }
0x16: {  	s3 =	sld [smem:$0x3FDB];
	s0 =	simm.s32 @p2 $0x1  }
0x17: {  	s4 =	simm.s32 $0x1BF5;
	[smem:$0x3FBA] =	sst s0  }
0x18: {  	s0 =	sld [smem:$0x3F9D];
	_ =	swait.ge [sflag:s4], $0x0  }
0x19: {  	s7 =	sld [smem:$0x3F9E]  }
0x1a: {  	s8 =	sadd.s32 $0xFFFFE003, lr  }
0x1b: {  	s9 =	sadd.s32 $0xFFFFFEF7, lr;
	s5 =	simm.s32 $0xFFFFFFFF;
	p2 =	slt.u32 s8, $0xFFFFF086  }
0x1c: {  	p1 =	slt.u32 s9, $0xF7A;
	s5 =	simm.s32 @!p2 $0x0  }
0x1d: {  	s5 =	simm.s32 @p1 $0x1;
	p0 =	seq.s32 s7, s2  }
0x1e: {  	s7 =	smul.u32 @!p0 $0xF7A, s2;
	p2 =	seq.s32 @!p0 s5, $0x0  }
0x1f: {  	s9 =	smul.u32 $0xF7A, s1;
	s8 =	simm.s32 @!p0 $0x1BF5;
	p2 =	por !p2, p0  }
0x20: {  	[sflag:s8] =	ssyncset.s32 @!p0 $0xFFFFF086;
	s6 =	sadd.s32 @!p0 s3, s7;
	s7 =	simm.s32 @!p0 $0x108  }
0x21: {  	s3 =	sadd.s32 s3, s9;
	s6 =	sadd.s32 @!p0 $0x88, s6;
	s7 =	simm.s32 @p2 $0x1082  }
0x22: {  	[simem:s7], [sflag:s8] =	dma.local @!p0 [hbm:s6], $0xF7A  }
0x23: {  	s9 =	sor.u32 $0xD0000000, s2;
	s6 =	simm.s32 $0x108;
	_ =	swait.ge @!p0 [sflag:s8], $0x0  }
0x24: {  	s3 =	sadd.s32 $0x88, s3;
	s6 =	simm.s32 @!p1 $0x1082;
	[sflag:s4] =	ssyncset.s32 $0xFFFFF086  }
0x25: {  	[simem:s6], [sflag:s4] =	dma.local [hbm:s3], $0xF7A  }
0x26: {  	[smem:$0x3F9E] =	sst s1;
	(tag) =	ssettag s2;
	_ =	strace s9  }
0x27: {  	s1 =	sld [smem:$0x3FAE]  }
0x28: {  	s2 =	sld [smem:$0x3FAF]  }
0x29: {  	s4 =	sld [smem:$0x3FB1]  }
0x2a: {  	p0 =	seq.s32 s5, $0x0;
	s5 =	sld [smem:$0x3FB2]  }
0x2b: {  	s6 =	sld [smem:$0x3FB3]  }
0x2c: {  	s7 =	sld [smem:$0x3FB4]  }
0x2d: {  	s3 =	simm.s32 $0x108;
	s8 =	sld [smem:$0x3FB5]  }
0x2e: {  	s3 =	simm.s32 @!p0 $0x1082;
	s9 =	sld [smem:$0x3FB6]  }
0x2f: {  	lr =	sadd.s32 s0, s3;
	s0 =	sld [smem:$0x3FAD]  }
0x30: {  	s3 =	sld [smem:$0x3FB0]  }
0x31: {  	[smem:$0x3FB9] =	sst s10  }
0x32: {  	s10 =	sld [smem:$0x3FB7];
	_ =	sdelay $0x3  }
0x33: {  	p0 =	seq.s32 s10, $0x1;
	s10 =	sld [smem:$0x3FB9];
	_ =	sdelay $0x3  }
0x34: {  	[smem:$0x3FB9] =	sst s10  }
0x35: {  	s10 =	sld [smem:$0x3FB8];
	_ =	sdelay $0x3  }
0x36: {  	p1 =	seq.s32 s10, $0x1;
	s10 =	sld [smem:$0x3FB9];
	_ =	sdelay $0x3  }
0x37: {  	[smem:$0x3FB9] =	sst s10  }
0x38: {  	s10 =	sld [smem:$0x3FBA]  }
0x39: {  	_ = 	snop;
	(pc) =	sbr.ind lr, $3  }
0x3a: {  	_ = 	snop  }
0x3b: {  	_ = 	snop  }
0x3c: {  	p2 =	seq.s32 s10, $0x1;
	s10 =	sld [smem:$0x3FB9]  }
0x3d: {  	_ =	shalt  }
0x3e: {  	_ =	shalt  }
0x3f: {  	_ =	shalt  }
0x40: {  	_ =	shalt  }
0x41: {  	_ =	shalt  }
0x42: {  	_ =	shalt  }
0x43: {  	_ =	shalt  }
0x44: {  	_ =	shalt  }
0x45: {  	_ =	shalt  }
0x46: {  	_ =	shalt  }
0x47: {  	_ =	shalt  }
0x48: {  	_ =	shalt  }
0x49: {  	_ =	shalt  }
0x4a: {  	_ =	shalt  }
0x4b: {  	_ =	shalt  }
0x4c: {  	_ =	shalt  }
0x4d: {  	_ =	shalt  }
0x4e: {  	_ =	shalt  }
0x4f: {  	_ =	shalt  }
0x50: {  	_ =	shalt  }
0x51: {  	_ =	shalt  }
0x52: {  	_ =	shalt  }
0x53: {  	_ =	shalt  }
0x54: {  	_ =	shalt  }
0x55: {  	_ =	shalt  }
0x56: {  	_ =	shalt  }
0x57: {  	_ =	shalt  }
0x58: {  	_ =	shalt  }
0x59: {  	_ =	shalt  }
0x5a: {  	_ =	shalt  }
0x5b: {  	_ =	shalt  }
0x5c: {  	_ =	shalt  }
0x5d: {  	_ =	shalt  }
0x5e: {  	_ =	shalt  }
0x5f: {  	_ =	shalt  }
0x60: {  	_ =	shalt  }
0x61: {  	_ =	shalt  }
0x62: {  	_ =	shalt  }
0x63: {  	_ =	shalt  }
0x64: {  	_ =	shalt  }
0x65: {  	_ =	shalt  }
0x66: {  	_ =	shalt  }
0x67: {  	_ =	shalt  }
0x68: {  	_ =	shalt  }
0x69: {  	_ =	shalt  }
0x6a: {  	_ =	shalt  }
0x6b: {  	_ =	shalt  }
0x6c: {  	_ =	shalt  }
0x6d: {  	_ =	shalt  }
0x6e: {  	_ =	shalt  }
0x6f: {  	_ =	shalt  }
0x70: {  	_ =	shalt  }
0x71: {  	_ =	shalt  }
0x72: {  	_ =	shalt  }
0x73: {  	_ =	shalt  }
0x74: {  	_ =	shalt  }
0x75: {  	_ =	shalt  }
0x76: {  	_ =	shalt  }
0x77: {  	_ =	shalt  }
0x78: {  	_ =	shalt  }
0x79: {  	_ =	shalt  }
0x7a: {  	_ =	shalt  }
0x7b: {  	_ =	shalt  }
0x7c: {  	_ =	shalt  }
0x7d: {  	_ =	shalt  }
0x7e: {  	_ =	shalt  }
0x7f: {  	_ =	shalt  }
0x80: {  	_ =	shalt  }
0x81: {  	_ =	shalt  }
0x82: {  	_ =	shalt  }
0x83: {  	_ =	shalt  }
0x84: {  	_ =	shalt  }
0x85: {  	_ =	shalt  }
0x86: {  	_ =	shalt  }
0x87: {  	_ =	shalt  }
.Lfunc_end0:
.L_simem_size_0:
called_computation_lowered:
.L_overlay_start_0:
0x88: {  	s2 =	sld [smem:$0x3FD9]  }
0x89: {  	s3 =	sld [smem:$0x3FFE];
	_ =	sdelay $0x1  }
0x8a: {  	s1 =	srdreg.scid  }
0x8b: {  	s0 =	sand.u32 $0x1, s1  }
0x8c: {  	s17 =	sshll.u32 s0, $0xA;
	s2 =	sadd.s32 s3, s2  }
0x8d: {  	s2 =	sadd.s32 s2, s17  }
0x8e: {  	[smem:$0x3FC5] =	sst s2  }
0x8f: {  	_ = 	snop  }
0x90: {  	s2 =	sld [smem:$0x3FC9]  }
0x91: {  	s18 =	sld [smem:$0x3FC8]  }
0x92: {  	s4 =	sld [smem:$0x3FC7];
	(tm) =	ssettm $0x1  }
0x93: {  	s5 =	sld [smem:$0x3FFB];
	_ =	sdelay $0x3  }
0x94: {  	_ =	strace s5  }
0x95: {  	s5 =	sld [smem:$0x3FFC];
	_ =	sdelay $0x3  }
0x96: {  	_ =	strace s5  }
0x97: {  	s5 =	sld [smem:$0x3FFD];
	_ =	sdelay $0x3  }
0x98: {  	_ =	strace s5  }
0x99: {  	_ =	strace $0x8FFFFFFF  }
0x9a: {  	s19 =	sld [smem:$0x3FDB];
	_ =	sdelay $0x1  }
0x9b: {  	s6 =	simm.s32 $_scs_section_size  }
0x9c: {  	s7 =	simm.s32 $_size__tile_overlayer_lowered;
	s8 =	simm.s32 $_tile_overlayer_lowered  }
0x9d: {  	s22 =	simm.s32 $0x1BFF;
	s21 =	sshll.u32 s8, $0x1;
	s5 =	sadd.s32 s6, s19  }
0x9e: {  	s9 =	simm.s32 $0x0;
	s20 =	sshll.u32 s7, $0x1;
	s7 =	sadd.s32 s21, s5  }
0x9f: {  	[timem:s9], [sflag:s22] =	dma.local [hbm:s7], s20  }
0xa0: {  	_ =	swait.ge [sflag:s22], s20  }
0xa1: {  	s6 =	ssub.s32 $0x0, s20;
	[sflag:s22] =	ssyncset.done $0x0  }
0xa2: {  	[sflag:s22] =	ssyncadd.s32 s6;
	_ =	sdelay $0x1  }
0xa3: {  	s23 =	simm.s32 $0x1B8B  }
0xa4: {  	_ =	swait.ge [sflag:s23], $0x1  }
0xa5: {  	[sflag:s23] =	ssyncset.done $0x0  }
0xa6: {  	s25 =	simm.s32 $0x1B8E;
	s24 =	sld [smem:$0x3FFE];
	[sflag:s23] =	ssyncadd.s32 $0xFFFFFFFF  }
0xa7: {  	s26 =	simm.s32 $execute0_lowered;
	[smem:$0x3FD2] =	sst s25  }
0xa8: {  	s7 =	sshll.u32 s26, $0x1;
	_ =	strace $0x80000046;
	[dreg:$0x1] =	wrdreg $0xFFFFFFFF  }
0xa9: {  	s28 =	simm.s32 $_size_execute0_lowered;
	s5 =	sadd.s32 s5, s7;
	[dreg:$0x0] =	wrdreg $0x0  }
0xaa: {  	s7 =	sshll.u32 s28, $0x1;
	[dreg:$0x2] =	wrdreg s5  }
0xab: {  	[dreg:$0x3] =	wrdreg s7  }
0xac: {  	[dreg:$0x4] =	wrdreg $0xC0  }
0xad: {  	_ =	task [dreg:s9], $0x5FFFF  }
0xae: {  	[dreg:$0x1] =	wrdreg $0xFFFFFFFF  }
0xaf: {  	[dreg:$0x0] =	wrdreg $0x60  }
0xb0: {  	[dreg:$0x2] =	wrdreg s2  }
0xb1: {  	[dreg:$0x3] =	wrdreg s18  }
0xb2: {  	[dreg:$0x4] =	wrdreg s4  }
0xb3: {  	[dreg:$0x5] =	wrdreg s24  }
0xb4: {  	[dreg:$0x6] =	wrdreg $0x9  }
0xb5: {  	_ =	task.clear_ibuf [dreg:s9], $0x7FFFF;
	_ =	strace $0x90000046  }
0xb6: {  	s29 =	simm.s32 $0x9;
	_ =	strace $0x80000048  }
0xb7: {  	_ =	swait.ge [sflag:s29], $0x1  }
0xb8: {  	[sflag:s29] =	ssyncadd.s32 $0xFFFFFFFF  }
0xb9: {  	_ =	strace $0x90000048  }
0xba: {  	_ =	sfence  }
0xbb: {  	s30 =	sld [smem:$0x0];
	_ =	sdelay $0x2  }
0xbc: {  	s31 =	sshll.u32 s1, $0xD;
	s1 =	sshrl.u32 s1, $0x2  }
0xbd: {  	s3 =	sand.u32 $0x4000, s31;
	s1 =	sadd.s32 s1, s30  }
0xbe: {  	s0 =	sor.u32 s3, s0;
	s1 =	sshll.u32 s1, $0x11  }
0xbf: {  	s0 =	sor.u32 s1, s0  }
0xc0: {  	s0 =	sadd.s32 $0x8F2B, s0  }
0xc1: {  	[sflag:s0] =	ssyncadd.remote.s32 $0x1  }
0xc2: {  	_ =	sfence.sel $0xFFFF  }
0xc3: {  	[dreg:$0x0] =	wrdreg $0xFFFFFFFF;
	(pc) =	sbr.abs _section_cstart, $3  }
0xc4: {  	[dreg:$0x1] =	wrdreg $0xFFFFFFFF  }
0xc5: {  	_ =	task.clear_ibuf [dreg:s9], $0x2FFFF;
	_ =	strace $0x9FFFFFFF  }
0xc6: {  	(tm) =	ssettm $0x7FFFFFFF  }
0xc7: {  	_ =	shalt  }
tec
execute0_lowered:
.L_overlay_start_1:
0x0: {  	(tag) =	ssettag $0x1  }
0x1: {  	s0 =	rddreg [dreg:$0x0]  }
0x2: {  	s1 =	rddreg [dreg:$0x1]  }
0x3: {  	s2 =	srdreg.scid;
	s6 =	stileid.u32  }
0x4: {  	s4 =	rddreg [dreg:$0x2];
	s3 =	sand.u32 $0x1, s2;
	s20 =	sshll.u32 s6, $0x1  }
0x5: {  	s5 =	rddreg [dreg:$0x3];
	s2 =	simm.s32 $0x0;
	s6 =	sor.u32 s3, s20  }
0x6: {  	s7 =	ssub.s32 $0x2, s3;
	[smem:$0x7FF] =	sst s2;
	s17 =	sshll.u32 s6, $0x3  }
0x7: {  	s21 =	sshll.u32 s6, $0xD;
	_ =	strace $0x80000047;
	s1 =	sadd.s32 s1, s17  }
0x8: {  	s3 =	sadd.s32 s0, s21;
	s4 =	sadd.s32 s4, s17;
	[dreg:$0x15] =	wrdreg s1  }
0x9: {  	s22 =	sadd.s32 $0x10, s3;
	[dreg:$0x16] =	wrdreg s4  }
0xa: {  	s23 =	sadd.s32 $0x20, s3;
	[dreg:$0x5] =	wrdreg s22  }
0xb: {  	s24 =	sadd.s32 $0x30, s3;
	[dreg:$0x6] =	wrdreg s23  }
0xc: {  	s25 =	sadd.s32 $0x40, s3;
	[dreg:$0x7] =	wrdreg s24  }
0xd: {  	s26 =	sadd.s32 $0x50, s3;
	[dreg:$0x8] =	wrdreg s25  }
0xe: {  	s8 =	sshrl.u32 s7, $0x1;
	s28 =	sadd.s32 $0x60, s3;
	[dreg:$0x9] =	wrdreg s26  }
0xf: {  	s0 =	ssub.s32 s7, s8;
	s8 =	sadd.s32 $0x70, s3;
	[dreg:$0xa] =	wrdreg s28  }
0x10: {  	s9 =	sadd.s32 $0x400, s3;
	[dreg:$0xb] =	wrdreg s8  }
0x11: {  	s10 =	sadd.s32 $0x410, s3;
	[dreg:$0xc] =	wrdreg s9  }
0x12: {  	s11 =	sadd.s32 $0x420, s3;
	[dreg:$0xd] =	wrdreg s10  }
0x13: {  	s12 =	sadd.s32 $0x430, s3;
	[dreg:$0xe] =	wrdreg s11  }
0x14: {  	s13 =	sadd.s32 $0x440, s3;
	[dreg:$0xf] =	wrdreg s12  }
0x15: {  	s14 =	sadd.s32 $0x450, s3;
	[dreg:$0x10] =	wrdreg s13  }
0x16: {  	s15 =	sadd.s32 $0x460, s3;
	[dreg:$0x11] =	wrdreg s14  }
0x17: {  	s16 =	sadd.s32 $0x470, s3;
	[dreg:$0x12] =	wrdreg s15  }
0x18: {  	s18 =	sadd.s32 $0x800, s3;
	[dreg:$0x13] =	wrdreg s16  }
0x19: {  	s19 =	sshll.u32 s6, $0x4;
	s20 =	sadd.s32 $0x810, s3;
	[dreg:$0x14] =	wrdreg s18  }
0x1a: {  	s1 =	sadd.s32 s5, s19;
	[dreg:$0x17] =	wrdreg s20  }
0x1b: {  	s21 =	sadd.s32 $0x820, s3;
	[dreg:$0x18] =	wrdreg s1  }
0x1c: {  	s0 =	smax.u32 s0, $0x1;
	[dreg:$0x19] =	wrdreg s21  }
0x1d: {  	s4 =	sadd.s32 $0xC20, s3;
	[dreg:$0x1a] =	wrdreg s0  }
0x1e: {  	s5 =	sadd.s32 $0xC30, s3;
	[smem:$0x7E6] =	sst s4  }
0x1f: {  	s6 =	sadd.s32 $0xC40, s3;
	[smem:$0x7E7] =	sst s5  }
0x20: {  	s7 =	sadd.s32 $0xC50, s3;
	[smem:$0x7E8] =	sst s6  }
0x21: {  	s17 =	sadd.s32 $0x1070, s3;
	[smem:$0x7E9] =	sst s7  }
0x22: {  	s19 =	sadd.s32 $0x1410, s3;
	[smem:$0x7F3] =	sst s17  }
0x23: {  	s22 =	sadd.s32 $0x830, s3;
	[smem:$0x7F5] =	sst s19  }
0x24: {  	s23 =	sadd.s32 $0x840, s3;
	[dreg:$0x1b] =	wrdreg s22  }
0x25: {  	s24 =	sadd.s32 $0x850, s3;
	[dreg:$0x1c] =	wrdreg s23  }
0x26: {  	s25 =	sadd.s32 $0x860, s3;
	[dreg:$0x1d] =	wrdreg s24  }
0x27: {  	s26 =	sadd.s32 $0x870, s3;
	[dreg:$0x1e] =	wrdreg s25  }
0x28: {  	s28 =	sadd.s32 $0xC00, s3;
	[dreg:$0x1f] =	wrdreg s26  }
0x29: {  	s1 =	sadd.s32 $0xC10, s3;
	[smem:$0x7E4] =	sst s28  }
0x2a: {  	s8 =	sadd.s32 $0xC60, s3;
	[smem:$0x7E5] =	sst s1  }
0x2b: {  	s9 =	sadd.s32 $0xC70, s3;
	[smem:$0x7EA] =	sst s8  }
0x2c: {  	s10 =	sadd.s32 $0x1000, s3;
	[smem:$0x7EB] =	sst s9  }
0x2d: {  	s11 =	sadd.s32 $0x1010, s3;
	[smem:$0x7EC] =	sst s10  }
0x2e: {  	s29 =	sadd.s32 $0x1820, s3;
	s12 =	sadd.s32 $0x1020, s3;
	[smem:$0x7ED] =	sst s11  }
0x2f: {  	s30 =	sadd.s32 $0x1830, s3;
	s13 =	sadd.s32 $0x1030, s3;
	[smem:$0x7EE] =	sst s12  }
0x30: {  	s31 =	sadd.s32 $0x1840, s3;
	s14 =	sadd.s32 $0x1040, s3;
	[smem:$0x7EF] =	sst s13  }
0x31: {  	s15 =	sadd.s32 $0x1050, s3;
	s16 =	sadd.s32 $0x1060, s3;
	[smem:$0x7F0] =	sst s14  }
0x32: {  	s18 =	sadd.s32 $0x1400, s3;
	s20 =	sadd.s32 $0x1420, s3;
	[smem:$0x7F1] =	sst s15  }
0x33: {  	s21 =	sadd.s32 $0x1430, s3;
	s0 =	sadd.s32 $0x1860, s3;
	[smem:$0x7F2] =	sst s16  }
0x34: {  	s4 =	sadd.s32 $0x1870, s3;
	s5 =	sadd.s32 $0x1C00, s3;
	[smem:$0x7F4] =	sst s18  }
0x35: {  	s6 =	sadd.s32 $0x1C10, s3;
	s7 =	sadd.s32 $0x1C20, s3;
	[smem:$0x7F6] =	sst s20  }
0x36: {  	s17 =	simm.s32 $0x0;
	[smem:$0x7F7] =	sst s21;
	s22 =	sadd.s32 $0x1440, s3  }
0x37: {  	s23 =	sadd.s32 $0x1450, s3;
	s24 =	sadd.s32 $0x1460, s3;
	s25 =	sadd.s32 $0x1470, s3  }
0x38: {  	s26 =	sadd.s32 $0x1800, s3;
	s28 =	sadd.s32 $0x1810, s3;
	[smem:$0x7F8] =	sst s22  }
0x39: {  	s1 =	sadd.s32 $0x1850, s3;
	s8 =	sadd.s32 $0x1C30, s3;
	[smem:$0x7F9] =	sst s23  }
0x3a: {  	s9 =	sadd.s32 $0x1C40, s3;
	s10 =	sadd.s32 $0x1C50, s3;
	[smem:$0x7FA] =	sst s24  }
0x3b: {  	s11 =	sadd.s32 $0x1C60, s3;
	s12 =	sadd.s32 $0x1C70, s3;
	[smem:$0x7FB] =	sst s25  }
0x3c: {  	s13 =	simm.s32 $0x80;
	s14 =	simm.s32 $0x400;
	[smem:$0x7FC] =	sst s26  }
0x3d: {  	v0 =	vlaneseq.u32;
	s15 =	simm.s32 $0x2;
	s16 =	simm.s32 $0x1;
	[smem:$0x7FD] =	sst s28  }
.LBB2_1:
0x3e: {  	[tilespmem:s2], [sflag:$0x1] =	stream.strided.gather [hbm4b:s3+s13], $0x400, s14, s13, $0x38;
	[tilespmem:$0x10180] =	vst v63  }
0x3f: {  	s18 =	rddreg [dreg:$0x5]  }
0x40: {  	s21 =	rddreg [dreg:$0x6]  }
0x41: {  	[tilespmem:s14], [sflag:$0x1] =	stream.strided.gather [hbm4b:s18+s13], $0x400, s14, s13, $0x38;
	[tilespmem:$0x10180] =	vst v63  }
0x42: {  	s19 =	simm.s32 $0x800;
	s22 =	rddreg [dreg:$0x7]  }
0x43: {  	[tilespmem:s19], [sflag:$0x1] =	stream.strided.gather [hbm4b:s21+s13], $0x400, s14, s13, $0x38;
	[tilespmem:$0x10180] =	vst v63  }
0x44: {  	s23 =	simm.s32 $0xC00;
	s24 =	rddreg [dreg:$0x8]  }
0x45: {  	[tilespmem:s23], [sflag:$0x1] =	stream.strided.gather [hbm4b:s22+s13], $0x400, s14, s13, $0x38;
	[tilespmem:$0x10180] =	vst v63  }
0x46: {  	s25 =	simm.s32 $0x1000;
	s26 =	rddreg [dreg:$0x9]  }
0x47: {  	[tilespmem:s25], [sflag:$0x1] =	stream.strided.gather [hbm4b:s24+s13], $0x400, s14, s13, $0x38;
	[tilespmem:$0x10180] =	vst v63  }
0x48: {  	s28 =	simm.s32 $0x1400;
	s20 =	rddreg [dreg:$0xa]  }
0x49: {  	[tilespmem:s28], [sflag:$0x1] =	stream.strided.gather [hbm4b:s26+s13], $0x400, s14, s13, $0x38;
	[tilespmem:$0x10180] =	vst v63  }
0x4a: {  	s21 =	simm.s32 $0x1800;
	s22 =	rddreg [dreg:$0xb]  }
0x4b: {  	[tilespmem:s21], [sflag:$0x1] =	stream.strided.gather [hbm4b:s20+s13], $0x400, s14, s13, $0x38;
	[tilespmem:$0x10180] =	vst v63  }
0x4c: {  	s23 =	simm.s32 $0x1C00;
	s24 =	rddreg [dreg:$0xc]  }
0x4d: {  	[tilespmem:s23], [sflag:$0x1] =	stream.strided.gather [hbm4b:s22+s13], $0x400, s14, s13, $0x38;
	[tilespmem:$0x10180] =	vst v63  }
0x4e: {  	s25 =	simm.s32 $0x2000;
	s26 =	rddreg [dreg:$0xd]  }
0x4f: {  	[tilespmem:s25], [sflag:$0x1] =	stream.strided.gather [hbm4b:s24+s13], $0x400, s14, s13, $0x38;
	[tilespmem:$0x10180] =	vst v63  }
0x50: {  	s28 =	simm.s32 $0x2400;
	s20 =	rddreg [dreg:$0xe]  }
0x51: {  	[tilespmem:s28], [sflag:$0x1] =	stream.strided.gather [hbm4b:s26+s13], $0x400, s14, s13, $0x38;
	[tilespmem:$0x10180] =	vst v63  }
0x52: {  	s21 =	simm.s32 $0x2800;
	s22 =	rddreg [dreg:$0xf]  }
0x53: {  	[tilespmem:s21], [sflag:$0x1] =	stream.strided.gather [hbm4b:s20+s13], $0x400, s14, s13, $0x38;
	[tilespmem:$0x10180] =	vst v63  }
0x54: {  	s23 =	simm.s32 $0x2C00;
	s24 =	rddreg [dreg:$0x10]  }
0x55: {  	[tilespmem:s23], [sflag:$0x1] =	stream.strided.gather [hbm4b:s22+s13], $0x400, s14, s13, $0x38;
	[tilespmem:$0x10180] =	vst v63  }
0x56: {  	s25 =	simm.s32 $0x3000;
	s26 =	rddreg [dreg:$0x11]  }
0x57: {  	[tilespmem:s25], [sflag:$0x1] =	stream.strided.gather [hbm4b:s24+s13], $0x400, s14, s13, $0x38;
	[tilespmem:$0x10180] =	vst v63  }
0x58: {  	s28 =	simm.s32 $0x3400;
	s20 =	rddreg [dreg:$0x12]  }
0x59: {  	[tilespmem:s28], [sflag:$0x1] =	stream.strided.gather [hbm4b:s26+s13], $0x400, s14, s13, $0x38;
	[tilespmem:$0x10180] =	vst v63  }
0x5a: {  	s21 =	simm.s32 $0x3800;
	s22 =	rddreg [dreg:$0x13]  }
0x5b: {  	[tilespmem:s21], [sflag:$0x1] =	stream.strided.gather [hbm4b:s20+s13], $0x400, s14, s13, $0x38;
	[tilespmem:$0x10180] =	vst v63  }
0x5c: {  	s23 =	simm.s32 $0x3C00;
	s24 =	rddreg [dreg:$0x14]  }
0x5d: {  	[tilespmem:s23], [sflag:$0x1] =	stream.strided.gather [hbm4b:s22+s13], $0x400, s14, s13, $0x38;
	[tilespmem:$0x10180] =	vst v63  }
0x5e: {  	s25 =	simm.s32 $0x4000;
	s26 =	rddreg [dreg:$0x17]  }
0x5f: {  	[tilespmem:s25], [sflag:$0x1] =	stream.strided.gather [hbm4b:s24+s13], $0x400, s14, s13, $0x38;
	[tilespmem:$0x10180] =	vst v63  }
0x60: {  	s28 =	simm.s32 $0x4400;
	s20 =	rddreg [dreg:$0x19]  }
0x61: {  	[tilespmem:s28], [sflag:$0x1] =	stream.strided.gather [hbm4b:s26+s13], $0x400, s14, s13, $0x38;
	[tilespmem:$0x10180] =	vst v63  }
0x62: {  	s21 =	simm.s32 $0x4800;
	s22 =	rddreg [dreg:$0x1b]  }
0x63: {  	[tilespmem:s21], [sflag:$0x1] =	stream.strided.gather [hbm4b:s20+s13], $0x400, s14, s13, $0x38;
	[tilespmem:$0x10180] =	vst v63  }
0x64: {  	s23 =	simm.s32 $0x4C00;
	s24 =	rddreg [dreg:$0x1c]  }
0x65: {  	[tilespmem:s23], [sflag:$0x1] =	stream.strided.gather [hbm4b:s22+s13], $0x400, s14, s13, $0x38;
	[tilespmem:$0x10180] =	vst v63  }
0x66: {  	s25 =	simm.s32 $0x5000;
	s26 =	rddreg [dreg:$0x1d]  }
0x67: {  	[tilespmem:s25], [sflag:$0x1] =	stream.strided.gather [hbm4b:s24+s13], $0x400, s14, s13, $0x38;
	[tilespmem:$0x10180] =	vst v63  }
0x68: {  	s28 =	simm.s32 $0x5400;
	s20 =	rddreg [dreg:$0x1e]  }
0x69: {  	[tilespmem:s28], [sflag:$0x1] =	stream.strided.gather [hbm4b:s26+s13], $0x400, s14, s13, $0x38;
	[tilespmem:$0x10180] =	vst v63  }
0x6a: {  	s21 =	simm.s32 $0x5800;
	s22 =	rddreg [dreg:$0x1f]  }
0x6b: {  	[tilespmem:s21], [sflag:$0x1] =	stream.strided.gather [hbm4b:s20+s13], $0x400, s14, s13, $0x38;
	[tilespmem:$0x10180] =	vst v63  }
0x6c: {  	s23 =	simm.s32 $0x5C00;
	s24 =	sld [smem:$0x7E4]  }
0x6d: {  	[tilespmem:s23], [sflag:$0x1] =	stream.strided.gather [hbm4b:s22+s13], $0x400, s14, s13, $0x38;
	[tilespmem:$0x10180] =	vst v63  }
0x6e: {  	s25 =	simm.s32 $0x6000;
	s26 =	sld [smem:$0x7E5]  }
0x6f: {  	[tilespmem:s25], [sflag:$0x1] =	stream.strided.gather [hbm4b:s24+s13], $0x400, s14, s13, $0x38;
	[tilespmem:$0x10180] =	vst v63  }
0x70: {  	s28 =	simm.s32 $0x6400;
	s20 =	sld [smem:$0x7E6]  }
0x71: {  	[tilespmem:s28], [sflag:$0x1] =	stream.strided.gather [hbm4b:s26+s13], $0x400, s14, s13, $0x38;
	[tilespmem:$0x10180] =	vst v63  }
0x72: {  	s21 =	simm.s32 $0x6800;
	s22 =	sld [smem:$0x7E7]  }
0x73: {  	[tilespmem:s21], [sflag:$0x1] =	stream.strided.gather [hbm4b:s20+s13], $0x400, s14, s13, $0x38;
	[tilespmem:$0x10180] =	vst v63  }
0x74: {  	s23 =	simm.s32 $0x6C00;
	s24 =	sld [smem:$0x7E8]  }
0x75: {  	[tilespmem:s23], [sflag:$0x1] =	stream.strided.gather [hbm4b:s22+s13], $0x400, s14, s13, $0x38;
	[tilespmem:$0x10180] =	vst v63  }
0x76: {  	s25 =	simm.s32 $0x7000;
	s26 =	sld [smem:$0x7E9]  }
0x77: {  	[tilespmem:s25], [sflag:$0x1] =	stream.strided.gather [hbm4b:s24+s13], $0x400, s14, s13, $0x38;
	[tilespmem:$0x10180] =	vst v63  }
0x78: {  	s28 =	simm.s32 $0x7400;
	s20 =	sld [smem:$0x7EA]  }
0x79: {  	[tilespmem:s28], [sflag:$0x1] =	stream.strided.gather [hbm4b:s26+s13], $0x400, s14, s13, $0x38;
	[tilespmem:$0x10180] =	vst v63  }
0x7a: {  	s21 =	simm.s32 $0x7800;
	s22 =	sld [smem:$0x7EB]  }
0x7b: {  	[tilespmem:s21], [sflag:$0x1] =	stream.strided.gather [hbm4b:s20+s13], $0x400, s14, s13, $0x38;
	[tilespmem:$0x10180] =	vst v63  }
0x7c: {  	s23 =	simm.s32 $0x7C00;
	s24 =	sld [smem:$0x7EC]  }
0x7d: {  	[tilespmem:s23], [sflag:$0x1] =	stream.strided.gather [hbm4b:s22+s13], $0x400, s14, s13, $0x38;
	[tilespmem:$0x10180] =	vst v63  }
0x7e: {  	s25 =	simm.s32 $0x8000;
	s26 =	sld [smem:$0x7ED]  }
0x7f: {  	[tilespmem:s25], [sflag:$0x1] =	stream.strided.gather [hbm4b:s24+s13], $0x400, s14, s13, $0x38;
	[tilespmem:$0x10180] =	vst v63  }
0x80: {  	s28 =	simm.s32 $0x8400;
	s20 =	sld [smem:$0x7EE]  }
0x81: {  	[tilespmem:s28], [sflag:$0x1] =	stream.strided.gather [hbm4b:s26+s13], $0x400, s14, s13, $0x38;
	[tilespmem:$0x10180] =	vst v63  }
0x82: {  	s21 =	simm.s32 $0x8800;
	s22 =	sld [smem:$0x7EF]  }
0x83: {  	[tilespmem:s21], [sflag:$0x1] =	stream.strided.gather [hbm4b:s20+s13], $0x400, s14, s13, $0x38;
	[tilespmem:$0x10180] =	vst v63  }
0x84: {  	s23 =	simm.s32 $0x8C00;
	s24 =	sld [smem:$0x7F0]  }
0x85: {  	[tilespmem:s23], [sflag:$0x1] =	stream.strided.gather [hbm4b:s22+s13], $0x400, s14, s13, $0x38;
	[tilespmem:$0x10180] =	vst v63  }
0x86: {  	s25 =	simm.s32 $0x9000;
	s26 =	sld [smem:$0x7F1]  }
0x87: {  	[tilespmem:s25], [sflag:$0x1] =	stream.strided.gather [hbm4b:s24+s13], $0x400, s14, s13, $0x38;
	[tilespmem:$0x10180] =	vst v63  }
0x88: {  	s28 =	simm.s32 $0x9400;
	s20 =	sld [smem:$0x7F2]  }
0x89: {  	[tilespmem:s28], [sflag:$0x1] =	stream.strided.gather [hbm4b:s26+s13], $0x400, s14, s13, $0x38;
	[tilespmem:$0x10180] =	vst v63  }
0x8a: {  	s21 =	simm.s32 $0x9800;
	s22 =	sld [smem:$0x7F3]  }
0x8b: {  	[tilespmem:s21], [sflag:$0x1] =	stream.strided.gather [hbm4b:s20+s13], $0x400, s14, s13, $0x38;
	[tilespmem:$0x10180] =	vst v63  }
0x8c: {  	s23 =	simm.s32 $0x9C00;
	s24 =	sld [smem:$0x7F4]  }
0x8d: {  	[tilespmem:s23], [sflag:$0x1] =	stream.strided.gather [hbm4b:s22+s13], $0x400, s14, s13, $0x38;
	[tilespmem:$0x10180] =	vst v63  }
0x8e: {  	s25 =	simm.s32 $0xA000;
	s26 =	sld [smem:$0x7F5]  }
0x8f: {  	[tilespmem:s25], [sflag:$0x1] =	stream.strided.gather [hbm4b:s24+s13], $0x400, s14, s13, $0x38;
	[tilespmem:$0x10180] =	vst v63  }
0x90: {  	s28 =	simm.s32 $0xA400;
	s20 =	sld [smem:$0x7F6]  }
0x91: {  	[tilespmem:s28], [sflag:$0x1] =	stream.strided.gather [hbm4b:s26+s13], $0x400, s14, s13, $0x38;
	[tilespmem:$0x10180] =	vst v63  }
0x92: {  	s21 =	simm.s32 $0xA800;
	s22 =	sld [smem:$0x7F7]  }
0x93: {  	[tilespmem:s21], [sflag:$0x1] =	stream.strided.gather [hbm4b:s20+s13], $0x400, s14, s13, $0x38;
	[tilespmem:$0x10180] =	vst v63  }
0x94: {  	s23 =	simm.s32 $0xAC00;
	s24 =	sld [smem:$0x7F8]  }
0x95: {  	[tilespmem:s23], [sflag:$0x1] =	stream.strided.gather [hbm4b:s22+s13], $0x400, s14, s13, $0x38;
	[tilespmem:$0x10180] =	vst v63  }
0x96: {  	s25 =	simm.s32 $0xB000;
	s26 =	sld [smem:$0x7F9]  }
0x97: {  	[tilespmem:s25], [sflag:$0x1] =	stream.strided.gather [hbm4b:s24+s13], $0x400, s14, s13, $0x38;
	[tilespmem:$0x10180] =	vst v63  }
0x98: {  	s28 =	simm.s32 $0xB400;
	s20 =	sld [smem:$0x7FA]  }
0x99: {  	[tilespmem:s28], [sflag:$0x1] =	stream.strided.gather [hbm4b:s26+s13], $0x400, s14, s13, $0x38;
	[tilespmem:$0x10180] =	vst v63  }
0x9a: {  	s21 =	simm.s32 $0xB800;
	s22 =	sld [smem:$0x7FB]  }
0x9b: {  	[tilespmem:s21], [sflag:$0x1] =	stream.strided.gather [hbm4b:s20+s13], $0x400, s14, s13, $0x38;
	[tilespmem:$0x10180] =	vst v63  }
0x9c: {  	s23 =	simm.s32 $0xBC00;
	s24 =	sld [smem:$0x7FC]  }
0x9d: {  	[tilespmem:s23], [sflag:$0x1] =	stream.strided.gather [hbm4b:s22+s13], $0x400, s14, s13, $0x38;
	[tilespmem:$0x10180] =	vst v63  }
0x9e: {  	s25 =	simm.s32 $0xC000;
	s26 =	sld [smem:$0x7FD]  }
0x9f: {  	[tilespmem:s25], [sflag:$0x1] =	stream.strided.gather [hbm4b:s24+s13], $0x400, s14, s13, $0x38;
	[tilespmem:$0x10180] =	vst v63  }
0xa0: {  	s28 =	simm.s32 $0xC400  }
0xa1: {  	[tilespmem:s28], [sflag:$0x1] =	stream.strided.gather [hbm4b:s26+s13], $0x400, s14, s13, $0x38;
	[tilespmem:$0x10180] =	vst v63  }
0xa2: {  	s19 =	simm.s32 $0xC800  }
0xa3: {  	[tilespmem:s19], [sflag:$0x1] =	stream.strided.gather [hbm4b:s29+s13], $0x400, s14, s13, $0x38;
	[tilespmem:$0x10180] =	vst v63  }
0xa4: {  	s20 =	simm.s32 $0xCC00  }
0xa5: {  	[tilespmem:s20], [sflag:$0x1] =	stream.strided.gather [hbm4b:s30+s13], $0x400, s14, s13, $0x38;
	[tilespmem:$0x10180] =	vst v63  }
0xa6: {  	s21 =	simm.s32 $0xD000  }
0xa7: {  	[tilespmem:s21], [sflag:$0x1] =	stream.strided.gather [hbm4b:s31+s13], $0x400, s14, s13, $0x38;
	[tilespmem:$0x10180] =	vst v63  }
0xa8: {  	s22 =	simm.s32 $0xD400  }
0xa9: {  	[tilespmem:s22], [sflag:$0x1] =	stream.strided.gather [hbm4b:s1+s13], $0x400, s14, s13, $0x38;
	[tilespmem:$0x10180] =	vst v63  }
0xaa: {  	s23 =	simm.s32 $0xD800  }
0xab: {  	[tilespmem:s23], [sflag:$0x1] =	stream.strided.gather [hbm4b:s0+s13], $0x400, s14, s13, $0x38;
	[tilespmem:$0x10180] =	vst v63  }
0xac: {  	s24 =	simm.s32 $0xDC00  }
0xad: {  	[tilespmem:s24], [sflag:$0x1] =	stream.strided.gather [hbm4b:s4+s13], $0x400, s14, s13, $0x38;
	[tilespmem:$0x10180] =	vst v63  }
0xae: {  	s25 =	simm.s32 $0xE000  }
0xaf: {  	[tilespmem:s25], [sflag:$0x1] =	stream.strided.gather [hbm4b:s5+s13], $0x400, s14, s13, $0x38;
	[tilespmem:$0x10180] =	vst v63  }
0xb0: {  	s26 =	simm.s32 $0xE400  }
0xb1: {  	[tilespmem:s26], [sflag:$0x1] =	stream.strided.gather [hbm4b:s6+s13], $0x400, s14, s13, $0x38;
	[tilespmem:$0x10180] =	vst v63  }
0xb2: {  	s28 =	simm.s32 $0xE800  }
0xb3: {  	[tilespmem:s28], [sflag:$0x1] =	stream.strided.gather [hbm4b:s7+s13], $0x400, s14, s13, $0x38;
	[tilespmem:$0x10180] =	vst v63  }
0xb4: {  	s19 =	simm.s32 $0xEC00  }
0xb5: {  	[tilespmem:s19], [sflag:$0x1] =	stream.strided.gather [hbm4b:s8+s13], $0x400, s14, s13, $0x38;
	[tilespmem:$0x10180] =	vst v63  }
0xb6: {  	s20 =	simm.s32 $0xF000  }
0xb7: {  	[tilespmem:s20], [sflag:$0x1] =	stream.strided.gather [hbm4b:s9+s13], $0x400, s14, s13, $0x38;
	[tilespmem:$0x10180] =	vst v63  }
0xb8: {  	s21 =	simm.s32 $0xF400  }
0xb9: {  	[tilespmem:s21], [sflag:$0x1] =	stream.strided.gather [hbm4b:s10+s13], $0x400, s14, s13, $0x38;
	[tilespmem:$0x10180] =	vst v63  }
0xba: {  	s22 =	simm.s32 $0xF800  }
0xbb: {  	[tilespmem:s22], [sflag:$0x1] =	stream.strided.gather [hbm4b:s11+s13], $0x400, s14, s13, $0x38;
	[tilespmem:$0x10180] =	vst v63  }
0xbc: {  	s23 =	simm.s32 $0xFC00  }
0xbd: {  	[tilespmem:s23], [sflag:$0x1] =	stream.strided.gather [hbm4b:s12+s13], $0x400, s14, s13, $0x38;
	[tilespmem:$0x10180] =	vst v63  }
0xbe: {  	s24 =	rddreg [dreg:$0x15];
	s25 =	simm.s32 $0x10000  }
0xbf: {  	[tilespmem:s25], [sflag:$0x2] =	stream.linear.gather [hbm4b:s24+s2], $0x40, $0x38;
	[tilespmem:$0x10180] =	vst v63  }
0xc0: {  	_ =	swait.ge [sflag:s15], $0x40  }
0xc1: {  	[sflag:s15] =	ssyncset.done $0x0  }
0xc2: {  	s28 =	simm.s32 $0x10080;
	s26 =	rddreg [dreg:$0x16];
	[sflag:s15] =	ssyncadd.s32 $0xFFFFFFC0  }
0xc3: {  	[tilespmem:s28], [sflag:$0x2] =	stream.linear.gather [hbm4b:s26+s2], $0x40, $0x38;
	[tilespmem:$0x10180] =	vst v63  }
0xc4: {  	_ =	swait.ge [sflag:s15], $0x40  }
0xc5: {  	[sflag:s15] =	ssyncset.done $0x0  }
0xc6: {  	[sflag:s15] =	ssyncadd.s32 $0xFFFFFFC0  }
0xc7: {  	_ =	swait.ge [sflag:s16], $0x400  }
0xc8: {  	[sflag:s16] =	ssyncset.done $0x0  }
0xc9: {  	[sflag:s16] =	ssyncadd.s32 $0xFFFFFC00  }
0xca: {  	_ =	swait.ge [sflag:s16], $0x400  }
0xcb: {  	[sflag:s16] =	ssyncset.done $0x0  }
0xcc: {  	[sflag:s16] =	ssyncadd.s32 $0xFFFFFC00  }
0xcd: {  	_ =	swait.ge [sflag:s16], $0x400  }
0xce: {  	[sflag:s16] =	ssyncset.done $0x0  }
0xcf: {  	[sflag:s16] =	ssyncadd.s32 $0xFFFFFC00  }
0xd0: {  	_ =	swait.ge [sflag:s16], $0x400  }
0xd1: {  	[sflag:s16] =	ssyncset.done $0x0  }
0xd2: {  	[sflag:s16] =	ssyncadd.s32 $0xFFFFFC00  }
0xd3: {  	_ =	swait.ge [sflag:s16], $0x400  }
0xd4: {  	[sflag:s16] =	ssyncset.done $0x0  }
0xd5: {  	[sflag:s16] =	ssyncadd.s32 $0xFFFFFC00  }
0xd6: {  	_ =	swait.ge [sflag:s16], $0x400  }
0xd7: {  	[sflag:s16] =	ssyncset.done $0x0  }
0xd8: {  	[sflag:s16] =	ssyncadd.s32 $0xFFFFFC00  }
0xd9: {  	_ =	swait.ge [sflag:s16], $0x400  }
0xda: {  	[sflag:s16] =	ssyncset.done $0x0  }
0xdb: {  	[sflag:s16] =	ssyncadd.s32 $0xFFFFFC00  }
0xdc: {  	_ =	swait.ge [sflag:s16], $0x400  }
0xdd: {  	[sflag:s16] =	ssyncset.done $0x0  }
0xde: {  	[sflag:s16] =	ssyncadd.s32 $0xFFFFFC00  }
0xdf: {  	_ =	swait.ge [sflag:s16], $0x400  }
0xe0: {  	[sflag:s16] =	ssyncset.done $0x0  }
0xe1: {  	[sflag:s16] =	ssyncadd.s32 $0xFFFFFC00  }
0xe2: {  	_ =	swait.ge [sflag:s16], $0x400  }
0xe3: {  	[sflag:s16] =	ssyncset.done $0x0  }
0xe4: {  	[sflag:s16] =	ssyncadd.s32 $0xFFFFFC00  }
0xe5: {  	_ =	swait.ge [sflag:s16], $0x400  }
0xe6: {  	[sflag:s16] =	ssyncset.done $0x0  }
0xe7: {  	[sflag:s16] =	ssyncadd.s32 $0xFFFFFC00  }
0xe8: {  	_ =	swait.ge [sflag:s16], $0x400  }
0xe9: {  	[sflag:s16] =	ssyncset.done $0x0  }
0xea: {  	[sflag:s16] =	ssyncadd.s32 $0xFFFFFC00  }
0xeb: {  	_ =	swait.ge [sflag:s16], $0x400  }
0xec: {  	[sflag:s16] =	ssyncset.done $0x0  }
0xed: {  	[sflag:s16] =	ssyncadd.s32 $0xFFFFFC00  }
0xee: {  	_ =	swait.ge [sflag:s16], $0x400  }
0xef: {  	[sflag:s16] =	ssyncset.done $0x0  }
0xf0: {  	[sflag:s16] =	ssyncadd.s32 $0xFFFFFC00  }
0xf1: {  	_ =	swait.ge [sflag:s16], $0x400  }
0xf2: {  	[sflag:s16] =	ssyncset.done $0x0  }
0xf3: {  	[sflag:s16] =	ssyncadd.s32 $0xFFFFFC00  }
0xf4: {  	_ =	swait.ge [sflag:s16], $0x400  }
0xf5: {  	[sflag:s16] =	ssyncset.done $0x0  }
0xf6: {  	[sflag:s16] =	ssyncadd.s32 $0xFFFFFC00  }
0xf7: {  	_ =	swait.ge [sflag:s16], $0x400  }
0xf8: {  	[sflag:s16] =	ssyncset.done $0x0  }
0xf9: {  	[sflag:s16] =	ssyncadd.s32 $0xFFFFFC00  }
0xfa: {  	_ =	swait.ge [sflag:s16], $0x400  }
0xfb: {  	[sflag:s16] =	ssyncset.done $0x0  }
0xfc: {  	[sflag:s16] =	ssyncadd.s32 $0xFFFFFC00  }
0xfd: {  	_ =	swait.ge [sflag:s16], $0x400  }
0xfe: {  	[sflag:s16] =	ssyncset.done $0x0  }
0xff: {  	[sflag:s16] =	ssyncadd.s32 $0xFFFFFC00  }
0x100: {  	_ =	swait.ge [sflag:s16], $0x400  }
0x101: {  	[sflag:s16] =	ssyncset.done $0x0  }
0x102: {  	[sflag:s16] =	ssyncadd.s32 $0xFFFFFC00  }
0x103: {  	_ =	swait.ge [sflag:s16], $0x400  }
0x104: {  	[sflag:s16] =	ssyncset.done $0x0  }
0x105: {  	[sflag:s16] =	ssyncadd.s32 $0xFFFFFC00  }
0x106: {  	_ =	swait.ge [sflag:s16], $0x400  }
0x107: {  	[sflag:s16] =	ssyncset.done $0x0  }
0x108: {  	[sflag:s16] =	ssyncadd.s32 $0xFFFFFC00  }
0x109: {  	_ =	swait.ge [sflag:s16], $0x400  }
0x10a: {  	[sflag:s16] =	ssyncset.done $0x0  }
0x10b: {  	[sflag:s16] =	ssyncadd.s32 $0xFFFFFC00  }
0x10c: {  	_ =	swait.ge [sflag:s16], $0x400  }
0x10d: {  	[sflag:s16] =	ssyncset.done $0x0  }
0x10e: {  	[sflag:s16] =	ssyncadd.s32 $0xFFFFFC00  }
0x10f: {  	_ =	swait.ge [sflag:s16], $0x400  }
0x110: {  	[sflag:s16] =	ssyncset.done $0x0  }
0x111: {  	[sflag:s16] =	ssyncadd.s32 $0xFFFFFC00  }
0x112: {  	_ =	swait.ge [sflag:s16], $0x400  }
0x113: {  	[sflag:s16] =	ssyncset.done $0x0  }
0x114: {  	[sflag:s16] =	ssyncadd.s32 $0xFFFFFC00  }
0x115: {  	_ =	swait.ge [sflag:s16], $0x400  }
0x116: {  	[sflag:s16] =	ssyncset.done $0x0  }
0x117: {  	[sflag:s16] =	ssyncadd.s32 $0xFFFFFC00  }
0x118: {  	_ =	swait.ge [sflag:s16], $0x400  }
0x119: {  	[sflag:s16] =	ssyncset.done $0x0  }
0x11a: {  	[sflag:s16] =	ssyncadd.s32 $0xFFFFFC00  }
0x11b: {  	_ =	swait.ge [sflag:s16], $0x400  }
0x11c: {  	[sflag:s16] =	ssyncset.done $0x0  }
0x11d: {  	[sflag:s16] =	ssyncadd.s32 $0xFFFFFC00  }
0x11e: {  	_ =	swait.ge [sflag:s16], $0x400  }
0x11f: {  	[sflag:s16] =	ssyncset.done $0x0  }
0x120: {  	[sflag:s16] =	ssyncadd.s32 $0xFFFFFC00  }
0x121: {  	_ =	swait.ge [sflag:s16], $0x400  }
0x122: {  	[sflag:s16] =	ssyncset.done $0x0  }
0x123: {  	[sflag:s16] =	ssyncadd.s32 $0xFFFFFC00  }
0x124: {  	_ =	swait.ge [sflag:s16], $0x400  }
0x125: {  	[sflag:s16] =	ssyncset.done $0x0  }
0x126: {  	[sflag:s16] =	ssyncadd.s32 $0xFFFFFC00  }
0x127: {  	_ =	swait.ge [sflag:s16], $0x400  }
0x128: {  	[sflag:s16] =	ssyncset.done $0x0  }
0x129: {  	[sflag:s16] =	ssyncadd.s32 $0xFFFFFC00  }
0x12a: {  	_ =	swait.ge [sflag:s16], $0x400  }
0x12b: {  	[sflag:s16] =	ssyncset.done $0x0  }
0x12c: {  	[sflag:s16] =	ssyncadd.s32 $0xFFFFFC00  }
0x12d: {  	_ =	swait.ge [sflag:s16], $0x400  }
0x12e: {  	[sflag:s16] =	ssyncset.done $0x0  }
0x12f: {  	[sflag:s16] =	ssyncadd.s32 $0xFFFFFC00  }
0x130: {  	_ =	swait.ge [sflag:s16], $0x400  }
0x131: {  	[sflag:s16] =	ssyncset.done $0x0  }
0x132: {  	[sflag:s16] =	ssyncadd.s32 $0xFFFFFC00  }
0x133: {  	_ =	swait.ge [sflag:s16], $0x400  }
0x134: {  	[sflag:s16] =	ssyncset.done $0x0  }
0x135: {  	[sflag:s16] =	ssyncadd.s32 $0xFFFFFC00  }
0x136: {  	_ =	swait.ge [sflag:s16], $0x400  }
0x137: {  	[sflag:s16] =	ssyncset.done $0x0  }
0x138: {  	[sflag:s16] =	ssyncadd.s32 $0xFFFFFC00  }
0x139: {  	_ =	swait.ge [sflag:s16], $0x400  }
0x13a: {  	[sflag:s16] =	ssyncset.done $0x0  }
0x13b: {  	[sflag:s16] =	ssyncadd.s32 $0xFFFFFC00  }
0x13c: {  	_ =	swait.ge [sflag:s16], $0x400  }
0x13d: {  	[sflag:s16] =	ssyncset.done $0x0  }
0x13e: {  	[sflag:s16] =	ssyncadd.s32 $0xFFFFFC00  }
0x13f: {  	_ =	swait.ge [sflag:s16], $0x400  }
0x140: {  	[sflag:s16] =	ssyncset.done $0x0  }
0x141: {  	[sflag:s16] =	ssyncadd.s32 $0xFFFFFC00  }
0x142: {  	_ =	swait.ge [sflag:s16], $0x400  }
0x143: {  	[sflag:s16] =	ssyncset.done $0x0  }
0x144: {  	[sflag:s16] =	ssyncadd.s32 $0xFFFFFC00  }
0x145: {  	_ =	swait.ge [sflag:s16], $0x400  }
0x146: {  	[sflag:s16] =	ssyncset.done $0x0  }
0x147: {  	[sflag:s16] =	ssyncadd.s32 $0xFFFFFC00  }
0x148: {  	_ =	swait.ge [sflag:s16], $0x400  }
0x149: {  	[sflag:s16] =	ssyncset.done $0x0  }
0x14a: {  	[sflag:s16] =	ssyncadd.s32 $0xFFFFFC00  }
0x14b: {  	_ =	swait.ge [sflag:s16], $0x400  }
0x14c: {  	[sflag:s16] =	ssyncset.done $0x0  }
0x14d: {  	[sflag:s16] =	ssyncadd.s32 $0xFFFFFC00  }
0x14e: {  	_ =	swait.ge [sflag:s16], $0x400  }
0x14f: {  	[sflag:s16] =	ssyncset.done $0x0  }
0x150: {  	[sflag:s16] =	ssyncadd.s32 $0xFFFFFC00  }
0x151: {  	_ =	swait.ge [sflag:s16], $0x400  }
0x152: {  	[sflag:s16] =	ssyncset.done $0x0  }
0x153: {  	[sflag:s16] =	ssyncadd.s32 $0xFFFFFC00  }
0x154: {  	_ =	swait.ge [sflag:s16], $0x400  }
0x155: {  	[sflag:s16] =	ssyncset.done $0x0  }
0x156: {  	[sflag:s16] =	ssyncadd.s32 $0xFFFFFC00  }
0x157: {  	_ =	swait.ge [sflag:s16], $0x400  }
0x158: {  	[sflag:s16] =	ssyncset.done $0x0  }
0x159: {  	[sflag:s16] =	ssyncadd.s32 $0xFFFFFC00  }
0x15a: {  	_ =	swait.ge [sflag:s16], $0x400  }
0x15b: {  	[sflag:s16] =	ssyncset.done $0x0  }
0x15c: {  	[sflag:s16] =	ssyncadd.s32 $0xFFFFFC00  }
0x15d: {  	_ =	swait.ge [sflag:s16], $0x400  }
0x15e: {  	[sflag:s16] =	ssyncset.done $0x0  }
0x15f: {  	[sflag:s16] =	ssyncadd.s32 $0xFFFFFC00  }
0x160: {  	_ =	swait.ge [sflag:s16], $0x400  }
0x161: {  	[sflag:s16] =	ssyncset.done $0x0  }
0x162: {  	[sflag:s16] =	ssyncadd.s32 $0xFFFFFC00  }
0x163: {  	_ =	swait.ge [sflag:s16], $0x400  }
0x164: {  	[sflag:s16] =	ssyncset.done $0x0  }
0x165: {  	[sflag:s16] =	ssyncadd.s32 $0xFFFFFC00  }
0x166: {  	_ =	swait.ge [sflag:s16], $0x400  }
0x167: {  	[sflag:s16] =	ssyncset.done $0x0  }
0x168: {  	[sflag:s16] =	ssyncadd.s32 $0xFFFFFC00  }
0x169: {  	_ =	swait.ge [sflag:s16], $0x400  }
0x16a: {  	[sflag:s16] =	ssyncset.done $0x0  }
0x16b: {  	[sflag:s16] =	ssyncadd.s32 $0xFFFFFC00  }
0x16c: {  	_ =	swait.ge [sflag:s16], $0x400  }
0x16d: {  	[sflag:s16] =	ssyncset.done $0x0  }
0x16e: {  	[sflag:s16] =	ssyncadd.s32 $0xFFFFFC00  }
0x16f: {  	_ =	swait.ge [sflag:s16], $0x400  }
0x170: {  	[sflag:s16] =	ssyncset.done $0x0  }
0x171: {  	[sflag:s16] =	ssyncadd.s32 $0xFFFFFC00  }
0x172: {  	_ =	swait.ge [sflag:s16], $0x400  }
0x173: {  	[sflag:s16] =	ssyncset.done $0x0  }
0x174: {  	[sflag:s16] =	ssyncadd.s32 $0xFFFFFC00  }
0x175: {  	_ =	swait.ge [sflag:s16], $0x400  }
0x176: {  	[sflag:s16] =	ssyncset.done $0x0  }
0x177: {  	[sflag:s16] =	ssyncadd.s32 $0xFFFFFC00  }
0x178: {  	_ =	swait.ge [sflag:s16], $0x400  }
0x179: {  	[sflag:s16] =	ssyncset.done $0x0  }
0x17a: {  	[sflag:s16] =	ssyncadd.s32 $0xFFFFFC00  }
0x17b: {  	_ =	swait.ge [sflag:s16], $0x400  }
0x17c: {  	[sflag:s16] =	ssyncset.done $0x0  }
0x17d: {  	[sflag:s16] =	ssyncadd.s32 $0xFFFFFC00  }
0x17e: {  	_ =	swait.ge [sflag:s16], $0x400  }
0x17f: {  	[sflag:s16] =	ssyncset.done $0x0  }
0x180: {  	[sflag:s16] =	ssyncadd.s32 $0xFFFFFC00  }
0x181: {  	_ =	swait.ge [sflag:s16], $0x400  }
0x182: {  	[sflag:s16] =	ssyncset.done $0x0  }
0x183: {  	[sflag:s16] =	ssyncadd.s32 $0xFFFFFC00  }
0x184: {  	_ =	swait.ge [sflag:s16], $0x400  }
0x185: {  	[sflag:s16] =	ssyncset.done $0x0  }
0x186: {  	v1 =	vimm.f32 $0.0e+00;
	s18 =	simm.s32 $0x0;
	[sflag:s16] =	ssyncadd.s32 $0xFFFFFC00  }
.LBB2_2:
0x187: {  	s19 =	sshll.u32 s18, $0xA;
	s21 =	simm.s32 $0x0  }
0x188: {  	s20 =	sand.u32 $0x30, s18;
	s19 =	sand.u32 $0x3FFFFC00, s19;
	s22 =	sand.u32 $0x380, s21  }
0x189: {  	s24 =	simm.s32 $0x10;
	s23 =	sand.u32 $0x40, s21;
	s22 =	sadd.s32 s22, s19  }
0x18a: {  	v2 =	vld [tilespmem:s20+$0x10000];
	s25 =	sand.u32 $0x50, s24;
	s23 =	sadd.s32 s23, s22  }
0x18b: {  	v3 =	vmov s18;
	s26 =	simm.s32 $0x20;
	s25 =	sadd.s32 s25, s22;
	v4 =	vld [tilespmem:s23+$0x0]  }
0x18c: {  	v3 =	vand.u32 $0xF, v3;
	s28 =	sand.u32 $0x60, s26;
	v5 =	vld [tilespmem:s25+$0x0]  }
0x18d: {  	v6 =	vbroadcast v3, $0x0;
	s25 =	simm.s32 $0x30;
	s23 =	sadd.s32 s28, s22  }
0x18e: {  	v11 =	vld [tilespmem:s23+$0x0];
	s28 =	sand.u32 $0x70, s25  }
0x18f: {  	v2 =	vperm.xlane v2, v6;
	s22 =	sadd.s32 s28, s22  }
0x190: {  	v14 =	vor.u32 s21, v0;
	v3 =	vld [tilespmem:s22+$0x0];
	v7 =	vmul.f32 $1.442695020e+00, v4  }
0x191: {  	v22 =	vor.u32 s24, v0;
	vm0 =	vgt.s32 v14, v2;
	v8 =	vmul.f32 $1.442695020e+00, v5  }
0x192: {  	v23 =	vor.u32 s26, v0;
	vm1 =	vgt.s32 v22, v2;
	v7 =	vsel vm0, $0xF191ACCB, v7  }
0x193: {  	v9 =	vmul.f32 $1.442695020e+00, v11;
	v8 =	vsel vm1, $0xF191ACCB, v8;
	(erf) = vpow2.f32 v7  }
0x194: {  	vm0 =	vgt.s32 v23, v2;
	(erf) = vpow2.f32 v8  }
0x195: {  	v25 =	vor.u32 s25, v0;
	v7 =	vmul.f32 $1.442695020e+00, v3;
	v8 =	vsel vm0, $0xF191ACCB, v9  }
0x196: {  	vm0 =	vgt.s32 v25, v2;
	(erf) = vpow2.f32 v8  }
0x197: {  	v7 =	vsel vm0, $0xF191ACCB, v7  }
0x198: {  	s21 =	simm.s32 $0x40;
	(erf) = vpow2.f32 v7  }
0x199: {  	s25 =	sand.u32 $0x380, s21  }
0x19a: {  	s24 =	simm.s32 $0x50;
	s26 =	sand.u32 $0x40, s21;
	s22 =	sadd.s32 s25, s19  }
0x19b: {  	s28 =	sand.u32 $0x50, s24;
	s23 =	sadd.s32 s26, s22  }
0x19c: {  	s26 =	sadd.s32 s28, s22;
	v7 =	vld [tilespmem:s23+$0x0];
	v8 =	vpop (erf)  }
0x19d: {  	v12 =	vld [tilespmem:s26+$0x0];
	s23 =	simm.s32 $0x60;
	v9 =	vpop (erf)  }
0x19e: {  	s26 =	sand.u32 $0x60, s23;
	v8 =	vadd.f32 $1.000000000e+00, v8;
	v9 =	vadd.f32 $1.000000000e+00, v9  }
0x19f: {  	s25 =	simm.s32 $0x70;
	s26 =	sadd.s32 s26, s22;
	v13 =	vpop (erf)  }
0x1a0: {  	v10 =	vor.u32 s21, v0;
	s28 =	sand.u32 $0x70, s25;
	v13 =	vadd.f32 $1.000000000e+00, v13;
	v15 =	vmul.f32 v9, v8;
	v9 =	vld [tilespmem:s26+$0x0]  }
0x1a1: {  	v18 =	vor.u32 s24, v0;
	s21 =	sadd.s32 s28, s22;
	vm0 =	vgt.s32 v10, v2;
	v16 =	vmul.f32 $1.442695020e+00, v7;
	v17 =	vpop (erf)  }
0x1a2: {  	v19 =	vmul.f32 $1.442695020e+00, v12;
	v8 =	vld [tilespmem:s21+$0x0];
	v13 =	vmul.f32 v13, v15;
	v15 =	vadd.f32 $1.000000000e+00, v17  }
0x1a3: {  	vm1 =	vgt.s32 v18, v2;
	v16 =	vsel vm0, $0xF191ACCB, v16  }
0x1a4: {  	v24 =	vld [tilespmem:s20+$0x10080];
	(erf) = vpow2.f32 v16;
	v17 =	vsel vm1, $0xF191ACCB, v19;
	v20 =	vmul.f32 v15, v13  }
0x1a5: {  	(erf) = vpow2.f32 v17;
	v13 =	vor.u32 s23, v0;
	v15 =	vmul.f32 $1.442695020e+00, v9  }
0x1a6: {  	v17 =	vor.u32 s25, v0;
	vm0 =	vgt.s32 v13, v2;
	v16 =	vand.u32 $0x7FFFFF, v20  }
0x1a7: {  	v19 =	vmul.f32 $1.442695020e+00, v8;
	v21 =	vor.u32 $0x3F800000, v16;
	v15 =	vsel vm0, $0xF191ACCB, v15  }
0x1a8: {  	s20 =	simm.s32 $0x80;
	vm1 =	vgt.s32 v17, v2;
	v16 =	vmul.f32 $4.342890900e-02, v21;
	(erf) = vpow2.f32 v15  }
0x1a9: {  	v6 =	vperm.xlane v24, v6;
	s24 =	sand.u32 $0x380, s20;
	s28 =	simm.s32 $0x90;
	s25 =	simm.s32 $0xB0;
	v15 =	vsel vm1, $0xF191ACCB, v19  }
0x1aa: {  	v24 =	vor.u32 s28, v0;
	s21 =	sadd.s32 s24, s19;
	s26 =	sand.u32 $0x70, s25;
	(erf) = vpow2.f32 v15;
	v19 =	vadd.f32 $-4.048671720e-01, v16  }
0x1ab: {  	vm3 =	veq.s32 v22, v2;
	vm4 =	veq.s32 v23, v2;
	s28 =	sand.u32 $0x50, s28;
	vm7 =	vgt.s32 v24, v2;
	s26 =	sadd.s32 s26, s21  }
0x1ac: {  	s23 =	simm.s32 $0xA0;
	v15 =	vor.u32 s25, v0;
	s25 =	sadd.s32 s28, s21;
	v16 =	vor.u32 s20, v0;
	s20 =	sand.u32 $0x40, s20;
	v26 =	vmul.f32 v21, v19;
	v19 =	vld [tilespmem:s26+$0x0]  }
0x1ad: {  	v27 =	vpop (erf);
	vm0 =	veq.s32 v25, v2;
	vm1 =	veq.s32 v14, v2;
	v14 =	vor.u32 s23, v0;
	v25 =	vld [tilespmem:s25+$0x0];
	s20 =	sadd.s32 s20, s21  }
0x1ae: {  	v29 =	vadd.f32 $1.000000000e+00, v27;
	v27 =	vimm.f32 $0.0e+00;
	v23 =	vld [tilespmem:s20+$0x0];
	s26 =	sand.u32 $0x60, s23;
	v28 =	vadd.f32 $1.593901400e+00, v26  }
0x1af: {  	vm6 =	vgt.s32 v14, v2;
	vm2 =	vgt.s32 v15, v2;
	vm5 =	vgt.s32 v16, v2;
	v22 =	vpop (erf);
	s28 =	sadd.s32 s26, s21  }
0x1b0: {  	s20 =	simm.s32 $0xC0;
	v30 =	vadd.f32 $1.000000000e+00, v22;
	v22 =	vimm.f32 $0.0e+00;
	v26 =	vld [tilespmem:s28+$0x0];
	v28 =	vmul.f32 v21, v28  }
.LBB2_3:
0x1b1: {  	p0 =	sne.s32 s20, $0x3C0;
	v31 =	vmul.f32 $1.442695020e+00, v19;
	v32 =	vpop (erf);
	v33 =	vnsel vm3, $0x0, v5;
	v34 =	vnsel vm4, $0x0, v11  }
0x1b2: {  	v5 =	vmovc v12;
	v38 =	vmul.f32 v30, v29;
	v29 =	vadd.f32 $1.000000000e+00, v32;
	v28 =	vadd.f32 $-3.492494340e+00, v28;
	v32 =	vmovc v24  }
0x1b3: {  	v35 =	vnsel vm1, $0x0, v4;
	v37 =	vmul.f32 $1.442695020e+00, v23;
	v24 =	vmul.f32 $1.442695020e+00, v25;
	v30 =	vpop (erf)  }
0x1b4: {  	v4 =	vmovc v7;
	v7 =	vmovc v23;
	v29 =	vmul.f32 v29, v38;
	v30 =	vadd.f32 $1.000000000e+00, v30;
	v28 =	vmul.f32 v21, v28  }
0x1b5: {  	v11 =	vmovc v9;
	v12 =	vmovc v25;
	v23 =	vsel vm5, $0xF191ACCB, v37;
	v24 =	vsel vm7, $0xF191ACCB, v24;
	v36 =	vmul.f32 $1.442695020e+00, v26  }
0x1b6: {  	v9 =	vmovc v26;
	(erf) = vpow2.f32 v23;
	v23 =	vmul.f32 v30, v29;
	v25 =	vadd.f32 $5.046875950e+00, v28  }
0x1b7: {  	v28 =	vshrl.u32 v20, $0x17;
	(erf) = vpow2.f32 v24;
	v24 =	vadd.f32 v35, v27  }
0x1b8: {  	v27 =	vadd.s32 $0xFFFFFF81, v28;
	v26 =	vand.u32 $0x7FFFFF, v23;
	v25 =	vmul.f32 v21, v25;
	v20 =	vmovc v23  }
0x1b9: {  	v21 =	vor.u32 $0x3F800000, v26;
	v23 =	vadd.f32 v33, v24;
	v24 =	vcvt.s32.f32 v27  }
0x1ba: {  	v26 =	vsel vm6, $0xF191ACCB, v36;
	v27 =	vmul.f32 $4.342890900e-02, v21;
	v25 =	vadd.f32 $-2.786813020e+00, v25  }
0x1bb: {  	(erf) = vpow2.f32 v26;
	v23 =	vadd.f32 v34, v23;
	v22 =	vadd.f32 v24, v22  }
0x1bc: {  	s21 =	sand.u32 $0x380, s20;
	s22 =	sadd.s32 $0x30, s20;
	v24 =	vsel vm2, $0xF191ACCB, v31;
	v26 =	vadd.f32 $-4.048671720e-01, v27;
	v27 =	vnsel vm0, $0x0, v3;
	v3 =	vmovc v8;
	v8 =	vmovc v19  }
0x1bd: {  	s23 =	sadd.s32 $0x20, s20;
	s21 =	sadd.s32 s21, s19;
	s24 =	sand.u32 $0x70, s22;
	(erf) = vpow2.f32 v24;
	v27 =	vadd.f32 v27, v23;
	v22 =	vadd.f32 v25, v22  }
0x1be: {  	s25 =	sand.u32 $0x40, s20;
	s26 =	sadd.s32 $0x10, s20;
	vm1 =	veq.s32 v10, v2;
	v10 =	vmov v16;
	v16 =	vor.u32 s20, v0;
	s24 =	sadd.s32 s24, s21  }
.Ltmp0:
0x1bf: {  	s28 =	sand.u32 $0x50, s26;
	s25 =	sadd.s32 s25, s21;
	v28 =	vor.u32 s23, v0;
	v31 =	vor.u32 s22, v0;
	v26 =	vmul.f32 v21, v26;
	v19 =	vld [tilespmem:s24+$0x0];
	v29 =	vpop (erf);
	(pc) =	sbr.rel @p0 .LBB2_3-.Ltmp0, $4  }
0x1c0: {  	vm5 =	vgt.s32 v16, v2;
	s22 =	sadd.s32 s28, s21;
	vm0 =	veq.s32 v17, v2;
	v24 =	vor.u32 s26, v0;
	v23 =	vld [tilespmem:s25+$0x0];
	v30 =	vpop (erf)  }
0x1c1: {  	vm3 =	veq.s32 v18, v2;
	vm4 =	veq.s32 v13, v2;
	v13 =	vmovc v14;
	v14 =	vmovc v28;
	v33 =	vadd.f32 $1.593901400e+00, v26;
	v25 =	vld [tilespmem:s22+$0x0];
	s22 =	sand.u32 $0x60, s23  }
0x1c2: {  	vm6 =	vgt.s32 v14, v2;
	vm2 =	vgt.s32 v31, v2;
	v17 =	vmovc v15;
	vm7 =	vgt.s32 v24, v2;
	s21 =	sadd.s32 s22, s21  }
0x1c3: {  	s20 =	sadd.s32 $0x40, s20;
	v18 =	vmovc v32;
	v15 =	vmovc v31;
	v29 =	vadd.f32 $1.000000000e+00, v29;
	v30 =	vadd.f32 $1.000000000e+00, v30;
	v28 =	vmul.f32 v21, v33;
	v26 =	vld [tilespmem:s21+$0x0]  }
0x1c4: {  	_ = 	snop  }
0x1c5: {  	v31 =	vmul.f32 $1.442695020e+00, v23  }
0x1c6: {  	v32 =	vmul.f32 $1.442695020e+00, v25  }
0x1c7: {  	v31 =	vsel vm5, $0xF191ACCB, v31  }
0x1c8: {  	v32 =	vsel vm7, $0xF191ACCB, v32;
	v33 =	vmul.f32 $1.442695020e+00, v26;
	(erf) = vpow2.f32 v31  }
0x1c9: {  	(erf) = vpow2.f32 v32  }
0x1ca: {  	v61 =	vmul.f32 $1.442695020e+00, v19;
	v62 =	vsel vm6, $0xF191ACCB, v33  }
0x1cb: {  	(erf) = vpow2.f32 v62  }
0x1cc: {  	v31 =	vsel vm2, $0xF191ACCB, v61  }
0x1cd: {  	v63 =	vpop (erf);
	(erf) = vpow2.f32 v31;
	_ =	sdelay $0x2  }
0x1ce: {  	v35 =	vpop (erf)  }
0x1cf: {  	v29 =	vmul.f32 v30, v29;
	v34 =	vadd.f32 $1.000000000e+00, v63;
	v37 =	vpop (erf)  }
0x1d0: {  	v36 =	vadd.f32 $1.000000000e+00, v35;
	v38 =	vpop (erf)  }
0x1d1: {  	v29 =	vmul.f32 v34, v29;
	v30 =	vadd.f32 $1.000000000e+00, v37;
	v31 =	vadd.f32 $1.000000000e+00, v38  }
0x1d2: {  	v40 =	vpop (erf)  }
0x1d3: {  	v29 =	vmul.f32 v36, v29;
	v30 =	vmul.f32 v31, v30;
	v41 =	vadd.f32 $1.000000000e+00, v40  }
0x1d4: {  	v42 =	vpop (erf)  }
0x1d5: {  	v39 =	vand.u32 $0x7FFFFF, v29;
	v43 =	vadd.f32 $1.000000000e+00, v42;
	v30 =	vmul.f32 v41, v30  }
0x1d6: {  	v4 =	vnsel vm1, $0x0, v4;
	v5 =	vnsel vm3, $0x0, v5;
	v32 =	vor.u32 $0x3F800000, v39  }
0x1d7: {  	v11 =	vnsel vm4, $0x0, v11;
	v34 =	vmul.f32 $4.342890900e-02, v32;
	v30 =	vmul.f32 v43, v30  }
0x1d8: {  	v20 =	vshrl.u32 v20, $0x17;
	v3 =	vnsel vm0, $0x0, v3;
	vm8 =	veq.s32 v10, v2  }
0x1d9: {  	vm9 =	veq.s32 v18, v2;
	v34 =	vadd.f32 $-4.048671720e-01, v34;
	v31 =	vand.u32 $0x7FFFFF, v30  }
0x1da: {  	vm10 =	veq.s32 v13, v2;
	v4 =	vadd.f32 v4, v27;
	v47 =	vor.u32 $0x3F800000, v31  }
0x1db: {  	v28 =	vadd.f32 $-3.492494340e+00, v28;
	v44 =	vmul.f32 v32, v34;
	v31 =	vmul.f32 $4.342890900e-02, v47  }
0x1dc: {  	vm11 =	veq.s32 v17, v2;
	vm12 =	veq.s32 v16, v2;
	v4 =	vadd.f32 v5, v4  }
0x1dd: {  	v28 =	vmul.f32 v21, v28;
	v46 =	vadd.f32 $1.593901400e+00, v44;
	v50 =	vadd.f32 $-4.048671720e-01, v31  }
0x1de: {  	vm13 =	veq.s32 v24, v2;
	v20 =	vadd.s32 $0xFFFFFF81, v20;
	v4 =	vadd.f32 v11, v4  }
0x1df: {  	v45 =	vadd.f32 $5.046875950e+00, v28;
	v28 =	vmul.f32 v32, v46;
	v52 =	vmul.f32 v47, v50  }
0x1e0: {  	v7 =	vnsel vm8, $0x0, v7;
	v54 =	vnsel vm9, $0x0, v12;
	v3 =	vadd.f32 v3, v4  }
0x1e1: {  	v20 =	vcvt.s32.f32 v20;
	v49 =	vadd.f32 $-3.492494340e+00, v28;
	v53 =	vadd.f32 $1.593901400e+00, v52  }
0x1e2: {  	v9 =	vnsel vm10, $0x0, v9;
	v48 =	vmul.f32 v21, v45;
	v3 =	vadd.f32 v7, v3  }
0x1e3: {  	v20 =	vadd.f32 v20, v22;
	v51 =	vmul.f32 v32, v49;
	v10 =	vmul.f32 v47, v53  }
0x1e4: {  	v55 =	vshrl.u32 v29, $0x17;
	v21 =	vadd.f32 $-2.786813020e+00, v48;
	v3 =	vadd.f32 v54, v3  }
0x1e5: {  	v7 =	vadd.s32 $0xFFFFFF81, v55;
	v4 =	vadd.f32 $5.046875950e+00, v51;
	v10 =	vadd.f32 $-3.492494340e+00, v10  }
0x1e6: {  	v7 =	vcvt.s32.f32 v7;
	v20 =	vadd.f32 v21, v20;
	v3 =	vadd.f32 v9, v3  }
0x1e7: {  	v8 =	vnsel vm11, $0x0, v8;
	v4 =	vmul.f32 v32, v4;
	v56 =	vmul.f32 v47, v10  }
0x1e8: {  	v57 =	vnsel vm12, $0x0, v23;
	v7 =	vadd.f32 v7, v20;
	v3 =	vadd.f32 v8, v3  }
0x1e9: {  	v59 =	vshrl.u32 v30, $0x17;
	v4 =	vadd.f32 $-2.786813020e+00, v4;
	v58 =	vadd.f32 $5.046875950e+00, v56  }
0x1ea: {  	v61 =	vnsel vm13, $0x0, v25;
	v3 =	vadd.f32 v57, v3;
	v60 =	vadd.s32 $0xFFFFFF81, v59  }
0x1eb: {  	v4 =	vadd.f32 v4, v7;
	v7 =	vcvt.s32.f32 v60;
	v5 =	vmul.f32 v47, v58  }
0x1ec: {  	v3 =	vadd.f32 v61, v3  }
0x1ed: {  	vm14 =	veq.s32 v14, v2;
	v4 =	vadd.f32 v7, v4;
	v5 =	vadd.f32 $-2.786813020e+00, v5  }
0x1ee: {  	v62 =	vnsel vm14, $0x0, v26  }
0x1ef: {  	vm15 =	veq.s32 v15, v2;
	s18 =	sadd.s32 $0x1, s18;
	v2 =	vadd.f32 v62, v3;
	v3 =	vadd.f32 v5, v4  }
0x1f0: {  	v63 =	vnsel vm15, $0x0, v19;
	p0 =	sne.s32 s18, $0x40  }
.Ltmp1:
0x1f1: {  	v2 =	vadd.f32 v63, v2;
	v3 =	vmul.f32 $6.931471820e-01, v3;
	(pc) =	sbr.rel @p0 .LBB2_2-.Ltmp1, $3  }
0x1f2: {  	_ = 	snop  }
0x1f3: {  	v2 =	vmul.f32 v2, v6;
	v1 =	vadd.f32 v3, v1;
	_ =	sdelay $0x1  }
0x1f4: {  	v1 =	vsub.f32 v1, v2  }
0x1f5: {  	_ = 	snop  }
0x1f6: {  	s18 =	rddreg [dreg:$0x18];
	s19 =	simm.s32 $0x10100;
	[tilespmem:$0x10100] =	vst v1  }
0x1f7: {  	[hbm4b:s18+s2] =	stream.linear.scatter [tilespmem:s19], [sflag:$0x2], $0x80, $0x38;
	[tilespmem:$0x10180] =	vst v63  }
0x1f8: {  	_ =	swait.ge [sflag:s15], $0x80  }
0x1f9: {  	s17 =	sadd.s32 $0x1, s17;
	s28 =	rddreg [dreg:$0x1a]  }
0x1fa: {  	p0 =	sne.s32 s17, s28  }
.Ltmp2:
0x1fb: {  	_ = 	snop;
	(pc) =	sbr.rel @p0 .LBB2_1-.Ltmp2, $3  }
0x1fc: {  	_ =	sdelay $0x1  }
0x1fd: {  	[sflag:s15] =	ssyncset.done $0x0  }
0x1fe: {  	[sflag:s15] =	ssyncadd.s32 $0xFFFFFF80  }
0x1ff: {  	_ =	sfence.sel $0x180000  }
0x200: {  	[bflag:$0x0] =	sbarrier.arrive $0xFFFF  }
0x201: {  	_ =	strace $0x90000047  }
0x202: {  	s0 =	stileid.u32;
	[bflag:$0x2] =	sbarrier.arrive $0xFFFF  }
0x203: {  	p0 =	sne.s32 s0, $0x0;
	s0 =	rddreg [dreg:$0x4]  }
0x204: {  	s0 =	sadd.s32 @!p0 $0x100000, s0  }
0x205: {  	[sflag:s0] =	ssyncadd.tile.s32 @!p0 $0x1;
	_ =	shalt  }
.Lfunc_end2:
_tile_overlayer_lowered:
.L_overlay_start_2:
0x206: {  	(tag) =	ssettag $0x2  }
0x207: {  	s0 =	rddreg [dreg:$0x0];
	s2 =	stileid.u32  }
0x208: {  	s1 =	rddreg [dreg:$0x1];
	p0 =	sne.s32 s2, $0x0  }
0x209: {  	s3 =	rddreg [dreg:$0x2];
	[bflag:$0x3] =	sbarrier.arrive $0xFFFF;
	s2 =	simm.s32 @!p0 $0x1C02  }
0x20a: {  	[timem:s3], [sflag:s2] =	dma.local @!p0 [hbm:s0], s1  }
0x20b: {  	s0 =	simm.s32 @!p0 $0x2  }
0x20c: {  	_ =	swait.ge @!p0 [sflag:s0], s1  }
0x20d: {  	s1 =	ssub.s32 @!p0 $0x0, s1;
	[sflag:s0] =	ssyncset.done @!p0 $0x0  }
0x20e: {  	[sflag:s0] =	ssyncadd.s32 @!p0 s1  }
0x20f: {  	[bflag:$0x3] =	sbarrier.arrive $0xFFFF  }
0x210: {  	_ =	shalt  }

</sc_bundles>
